<compile_context>
chip_gen: v7x
topology: tpu7x:2x2x1
jax: 0.10.2.dev20260603
libtpu: 0.0.44.dev20260713+nightly
codegen_flags: <defaults>
</compile_context>

<pallas_src>
import functools

import jax
import jax.numpy as jnp
from jax import lax
from jax.experimental import pallas as pl
from jax.experimental.pallas import tpu as pltpu
from jax.experimental.pallas import tpu_sc as plsc

N = 1048576
NC, NS, L = 2, 16, 16
NW = NC * NS
E = N // NW
C = 4096
NCHUNK = E // C
CAND = 288
RPN = 256
OB16 = (288 + 16) // 16

_mesh = plsc.VectorSubcoreMesh(
    core_axis_name="c", subcore_axis_name="s", num_cores=NC, num_subcores=NS)


def _softplus(d):
    e = jnp.exp(-jnp.abs(d))
    z = e / (2.0 + e)
    z2 = z * z
    p = 1.0 + z2 * (1.0 / 3.0 + z2 * (1.0 / 5.0 + z2 * (1.0 / 7.0)))
    return jnp.maximum(d, 0.0) + 2.0 * z * p


def _count_ge(buf, nv16, mv):
    def body(t, cnt_v):
        v = buf[pl.ds(t * 16, 16)]
        return cnt_v + jnp.where(v >= mv, 1, 0).astype(jnp.int32)
    cnt_v = lax.fori_loop(0, nv16, body, jnp.zeros((16,), jnp.int32))
    return jnp.sum(cnt_v)


def _bisect(buf, nv16, k):
    def body(_, lohi):
        lo, hi = lohi
        mid = (lo + hi) >> 1
        mv = plsc.bitcast(jnp.full((16,), mid, jnp.int32), jnp.float32)
        c = _count_ge(buf, nv16, mv)
        take = c >= k
        return (jnp.where(take, mid, lo), jnp.where(take, hi, mid))
    lo, hi = lax.fori_loop(0, 31, body, (jnp.int32(0), jnp.int32(0x7F800000)))
    return lo


def _phase1(x0_hbm, x1_hbm, p1_hbm, p2_hbm, rc_hbm, r1_hbm, r2_hbm, gc_hbm,
            vals_out, scal_out,
            bx0a, bx1a, bp1a, bp2a, brca, br1a, br2a, bgca,
            bx0b, bx1b, bp1b, bp2b, brcb, br1b, br2b, bgcb,
            ivbuf, cbuf, obuf, sbuf, semA, semB):
    wid = lax.axis_index("s") * NC + lax.axis_index("c")
    iota = lax.iota(jnp.int32, 16)
    neg1 = jnp.full((16,), -1.0, jnp.float32)

    def fill(t, _):
        cbuf[pl.ds(t * 16, 16)] = neg1
        obuf[pl.ds(jnp.minimum(t, OB16 - 1) * 16, 16)] = neg1
        return 0
    lax.fori_loop(0, (CAND + 16) // 16, fill, 0)

    hbms = (x0_hbm, x1_hbm, p1_hbm, p2_hbm, rc_hbm, r1_hbm, r2_hbm, gc_hbm)
    seta = (bx0a, bx1a, bp1a, bp2a, brca, br1a, br2a, bgca)
    setb = (bx0b, bx1b, bp1b, bp2b, brcb, br1b, br2b, bgcb)

    def fire(j, bufs, sem):
        base = wid * E + j * C
        for h, b in zip(hbms, bufs):
            pltpu.async_copy(h.at[pl.ds(base, C)], b, sem)

    def drain(bufs, sem):
        for h, b in zip(hbms, bufs):
            pltpu.make_async_copy(h.at[pl.ds(0, C)], b, sem).wait()

    def process(bufs, state):
        bx0, bx1, bp1, bp2, brc, br1, br2, bgc = bufs

        def scan(i, kv):
            b1 = i * 16
            g = bgc[pl.ds(b1, 16)]
            rc = brc[pl.ds(b1, 16)]
            inter = (g <= 1) | (rc == 1.0)
            cv = plsc.all_reduce_population_count(inter)
            anyv = cv > 0
            m1 = anyv & (iota == 0)
            s_k = kv[0]
            plsc.store_compressed(ivbuf.at[pl.ds(s_k, 16)], jnp.full((16,), i, jnp.int32), mask=m1)
            return kv + anyv.astype(jnp.int32)
        kv = lax.fori_loop(0, C // 16, scan, jnp.zeros((16,), jnp.int32))
        kk = kv[0]

        def body(t, st):
            off, pos_v, npos_v, nneg_v, regr_v, rcnt_v = st
            vec = ivbuf[pl.ds((t >> 4) * 16, 16)]
            lane = t & 15
            i = jnp.sum(jnp.where(iota == lane, vec, 0))
            b1 = i * 16
            g = bgc[pl.ds(b1, 16)]
            rc = brc[pl.ds(b1, 16)]
            rm = rc == 1.0
            x0 = bx0[pl.ds(b1, 16)]
            x1 = bx1[pl.ds(b1, 16)]
            d = jnp.where(g >= 1, x0 - x1, x1 - x0)
            ce = _softplus(d)
            pos = g == 1
            neg = g == 0
            pos_v = pos_v + jnp.where(pos, ce, 0.0)
            npos_v = npos_v + pos.astype(jnp.float32)
            nneg_v = nneg_v + neg.astype(jnp.float32)
            r1 = br1[pl.ds(b1, 16)]
            r2 = br2[pl.ds(b1, 16)]
            p1 = bp1[pl.ds(b1, 16)]
            p2 = bp2[pl.ds(b1, 16)]
            d1 = jnp.abs(r1 - p1)
            d2 = jnp.abs(r2 - p2)
            l1 = jnp.where(d1 < 1.0 / 9.0, 4.5 * d1 * d1, d1 - 1.0 / 18.0)
            l2 = jnp.where(d2 < 1.0 / 9.0, 4.5 * d2 * d2, d2 - 1.0 / 18.0)
            regr_v = regr_v + jnp.where(rm, l1 + l2, 0.0)
            rcnt_v = rcnt_v + rm.astype(jnp.float32)
            cnt = plsc.all_reduce_population_count(neg)[0]
            plsc.store_compressed(cbuf.at[pl.ds(off, 16)], ce, mask=neg)
            return (off + cnt, pos_v, npos_v, nneg_v, regr_v, rcnt_v)
        return lax.fori_loop(0, kk, body, state)

    def two_chunks(jj, state):
        drain(seta, semA)
        fire(2 * jj + 1, setb, semB)
        state = process(seta, state)
        drain(setb, semB)

        @pl.when(2 * jj + 2 < NCHUNK)
        def _():
            fire(2 * jj + 2, seta, semA)
        return process(setb, state)

    zf = jnp.zeros((16,), jnp.float32)
    fire(0, seta, semA)
    state = lax.fori_loop(0, NCHUNK // 2, two_chunks,
                          (jnp.int32(0), zf, zf, zf, zf, zf))

    c_w, pos_v, npos_v, nneg_v, regr_v, rcnt_v = state
    cbuf[pl.ds(c_w, 16)] = neg1
    nv16 = (c_w + 15) >> 4

    @pl.when(c_w <= RPN)
    def _copy_small():
        def cps(t, _):
            obuf[pl.ds(t * 16, 16)] = cbuf[pl.ds(t * 16, 16)]
            return 0
        lax.fori_loop(0, CAND // 16, cps, 0)

    @pl.when(c_w > RPN)
    def _local_topk():
        tbits = _bisect(cbuf, nv16, RPN)
        tv = plsc.bitcast(jnp.full((16,), tbits, jnp.int32), jnp.float32)

        def compact(t, woff):
            v = cbuf[pl.ds(t * 16, 16)]
            m = v > tv
            cnt = plsc.all_reduce_population_count(m)[0]
            plsc.store_compressed(obuf.at[pl.ds(woff, 16)], v, mask=m)
            return woff + cnt
        g = lax.fori_loop(0, nv16, compact, jnp.int32(0))
        rem = RPN - g

        def app(t, _):
            mask = (iota + t * 16) < rem
            start = jnp.minimum(g + t * 16, jnp.int32(CAND))
            plsc.store_compressed(obuf.at[pl.ds(start, 16)], tv, mask=mask)
            return 0
        lax.fori_loop(0, RPN // 16, app, 0)

    ps = jnp.sum(pos_v)
    nps = jnp.sum(npos_v)
    nns = jnp.sum(nneg_v)
    rs = jnp.sum(regr_v)
    rc_s = jnp.sum(rcnt_v)
    svec = (jnp.where(iota == 0, ps, 0.0) + jnp.where(iota == 1, nps, 0.0)
            + jnp.where(iota == 2, nns, 0.0) + jnp.where(iota == 3, rs, 0.0)
            + jnp.where(iota == 4, rc_s, 0.0))
    sbuf[...] = svec
    pltpu.sync_copy(sbuf, scal_out.at[pl.ds(wid * 16, 16)])
    pltpu.sync_copy(obuf.at[pl.ds(0, CAND)], vals_out.at[pl.ds(wid * CAND, CAND)])


def _phase2(vals_hbm, scal_hbm, out_hbm, vbuf, svbuf, dense, outb):
    wid = lax.axis_index("s") * NC + lax.axis_index("c")

    @pl.when(wid == 0)
    def _run():
        pltpu.sync_copy(scal_hbm, svbuf)
        pltpu.sync_copy(vals_hbm, vbuf)

        def accum(w, acc):
            return acc + svbuf[pl.ds(w * 16, 16)]
        tot = lax.fori_loop(0, NW, accum, jnp.zeros((16,), jnp.float32))
        pos_sum = tot[0]
        num_pos = tot[1].astype(jnp.int32)
        num_neg = tot[2].astype(jnp.int32)
        regr_sum = tot[3]
        rcnt = tot[4]

        def densify(w, woff):
            c_w = svbuf[pl.ds(w * 16, 16)][2].astype(jnp.int32)
            kept = jnp.minimum(c_w, jnp.int32(RPN))
            nv = (kept + 15) >> 4

            def cp(t, _):
                dense[pl.ds(woff + t * 16, 16)] = vbuf[pl.ds(w * CAND + t * 16, 16)]
                return 0
            lax.fori_loop(0, nv, cp, 0)
            return woff + nv * 16
        m = lax.fori_loop(0, NW, densify, jnp.int32(0))
        m16 = m >> 4

        k = jnp.minimum(num_neg, RPN - num_pos)
        kk = jnp.maximum(k, 1)
        tbits = _bisect(dense, m16, kk)
        tv_v = plsc.bitcast(jnp.full((16,), tbits, jnp.int32), jnp.float32)
        tv = tv_v[0]

        def final(t, cs):
            cv, sv = cs
            v = dense[pl.ds(t * 16, 16)]
            mgt = v > tv_v
            return (cv + jnp.where(mgt, 1.0, 0.0), sv + jnp.where(mgt, v, 0.0))
        cv, sv = lax.fori_loop(0, m16, final,
                               (jnp.zeros((16,), jnp.float32),
                                jnp.zeros((16,), jnp.float32)))
        c_gt = jnp.sum(cv)
        s_gt = jnp.sum(sv)
        neg_sum = s_gt + (kk.astype(jnp.float32) - c_gt) * tv
        neg_sum = jnp.where(k > 0, neg_sum, 0.0)

        cls_loss = (pos_sum + neg_sum) * (1.0 / float(RPN))
        rcnt_v = jnp.full((16,), rcnt, jnp.float32)
        regr_v = jnp.full((16,), regr_sum, jnp.float32) / jnp.maximum(rcnt_v, 1.0)
        loss_v = jnp.full((16,), cls_loss, jnp.float32) + jnp.where(
            rcnt_v > 0.0, regr_v, 0.0)
        outb[...] = loss_v
        pltpu.sync_copy(outb, out_hbm)


_k1 = functools.partial(
    pl.kernel,
    out_type=[jax.ShapeDtypeStruct((NW * CAND,), jnp.float32),
              jax.ShapeDtypeStruct((NW * 16,), jnp.float32)],
    mesh=_mesh,
    compiler_params=pltpu.CompilerParams(needs_layout_passes=False),
    scratch_types=(
        ([pltpu.VMEM((C,), jnp.float32)] * 7
         + [pltpu.VMEM((C,), jnp.int32)]) * 2
        + [pltpu.VMEM((C // 16 + 16,), jnp.int32),
           pltpu.VMEM((E + 32, ), jnp.float32),
           pltpu.VMEM((CAND + 16,), jnp.float32),
           pltpu.VMEM((16,), jnp.float32),
           pltpu.SemaphoreType.DMA,
           pltpu.SemaphoreType.DMA]
    ),
)(_phase1)

_k2 = functools.partial(
    pl.kernel,
    out_type=jax.ShapeDtypeStruct((16,), jnp.float32),
    mesh=_mesh,
    compiler_params=pltpu.CompilerParams(needs_layout_passes=False),
    scratch_types=[
        pltpu.VMEM((NW * CAND,), jnp.float32),
        pltpu.VMEM((NW * 16,), jnp.float32),
        pltpu.VMEM((NW * CAND + 16,), jnp.float32),
        pltpu.VMEM((16,), jnp.float32),
    ],
)(_phase2)


def kernel(pred_cls, pred_regr, gt_cls, gt_regr):
    x0 = pred_cls[0, :, 0]
    x1 = pred_cls[0, :, 1]
    p1 = pred_regr[0, :, 0]
    p2 = pred_regr[0, :, 1]
    rc = gt_regr[0, :, 0]
    r1 = gt_regr[0, :, 1]
    r2 = gt_regr[0, :, 2]
    gc = gt_cls.reshape(-1)
    vals, scal = _k1(x0, x1, p1, p2, rc, r1, r2, gc)
    out = _k2(vals, scal)
    return out[0]

# --- scband reference (transcript-rebuilt; emitter-appended) ---
"""Pipeline reference for scband-ctpnloss-11673721110737 (READ-ONLY COPY).

The authoritative reference and input builder live on the scoring server;
editing this copy changes nothing except your own understanding.
"""

import jax, jax.numpy as jnp
import numpy as np

RPN_TOTAL_NUM = 256
SIGMA = 9.0
N = 1048576


def setup_inputs(seed: int = 0) -> dict:
    key = jax.random.key(seed)
    k1, k2, k3, k4, k5 = jax.random.split(key, 5)
    pred_cls = jax.random.normal(k1, (1, N, 2), dtype=jnp.float32)
    pred_regr = jax.random.normal(k2, (1, N, 2), dtype=jnp.float32)
    gt_cls = jax.random.randint(k3, (1, 1, N), 0, 8192, dtype=jnp.int32)
    regr_cls = jax.random.randint(k5, (1, N, 1), 0, 8192, dtype=jnp.int32).astype(jnp.float32)
    regr_rest = jax.random.normal(k4, (1, N, 2), dtype=jnp.float32)
    gt_regr = jnp.concatenate([regr_cls, regr_rest], axis=2)
    return {"pred_cls": pred_cls, "pred_regr": pred_regr, "gt_cls": gt_cls, "gt_regr": gt_regr}


def _cls_loss(pred_cls, gt_cls):
    cls_gt = gt_cls[0, 0]  # [N]
    logits = pred_cls[0]  # [N, 2]
    logp = jax.nn.log_softmax(logits, axis=-1)
    labels = jnp.clip(cls_gt, 0, 1)
    ce = -jnp.take_along_axis(logp, labels[:, None], axis=1)[:, 0]  # [N]
    pos_mask = (cls_gt == 1)
    neg_mask = (cls_gt == 0)
    loss_pos_num = jnp.sum(ce * pos_mask.astype(ce.dtype))
    num_pos = jnp.sum(pos_mask.astype(jnp.int32))
    num_neg = jnp.sum(neg_mask.astype(jnp.int32))
    neg_vals = jnp.where(neg_mask, ce, -jnp.inf)
    topv, _ = jax.lax.top_k(neg_vals, RPN_TOTAL_NUM)
    k = jnp.minimum(num_neg, RPN_TOTAL_NUM - num_pos)
    rank_mask = jnp.arange(RPN_TOTAL_NUM) < k
    keep = jnp.logical_and(rank_mask, jnp.isfinite(topv))
    topv = jnp.where(keep, topv, 0.0)
    loss_cls = (loss_pos_num + jnp.sum(topv)) / RPN_TOTAL_NUM
    return loss_cls


def _regr_loss(pred_regr, gt_regr):
    rcls = gt_regr[0, :, 0]
    regr_true = gt_regr[0, :, 1:3]
    regr_pred = pred_regr[0]
    rmask = (rcls == 1.0)
    diff = jnp.abs(regr_true - regr_pred)
    less_one = (diff < 1.0 / SIGMA).astype(jnp.float32)
    l = less_one * 0.5 * diff ** 2 * SIGMA + (1.0 - less_one) * (diff - 0.5 / SIGMA)
    l = jnp.sum(l, axis=1) * rmask.astype(jnp.float32)
    cnt = jnp.sum(rmask.astype(jnp.int32))
    return jnp.where(cnt > 0, jnp.sum(l) / jnp.maximum(cnt, 1).astype(jnp.float32), 0.0)


def reference(pred_cls, pred_regr, gt_cls, gt_regr):
    regr_loss = _regr_loss(pred_regr, gt_regr)
    cls_loss = _cls_loss(pred_cls, gt_cls)
    return regr_loss + cls_loss

if __name__ == "__main__":
    import jax
    _d = setup_inputs()
    print(jax.jit(kernel)(*tuple(_d.values())))

</pallas_src>

<mosaic_0001>
#map = affine_map<(d0, d1) -> (0)>
module attributes {stable_mosaic.version = 14 : i64} {
  func.func @_phase2(%arg0: i32, %arg1: i32, %arg2: memref<9216xf32, #tpu.memory_space<hbm>>, %arg3: memref<512xf32, #tpu.memory_space<hbm>>, %arg4: memref<16xf32, #tpu.memory_space<hbm>>, %arg5: memref<9216xf32, #tpu.memory_space<vmem>>, %arg6: memref<512xf32, #tpu.memory_space<vmem>>, %arg7: memref<9232xf32, #tpu.memory_space<vmem>>, %arg8: memref<16xf32, #tpu.memory_space<vmem>>) attributes {dimension_semantics = [#tpu.dimension_semantics<core_parallel>, #tpu.dimension_semantics<subcore_parallel>], iteration_bounds = array<i64: 2, 16>, scalar_prefetch = 0 : i64, scratch_operands = 4 : i64, tpu.core_type = #tpu.core_type<sc_vector_subcore>, window_params = [{transform_indices = #map}, {transform_indices = #map}, {transform_indices = #map}]} {
    %mul3A = arith.constant 2 : i32
    %mul3A_0 = arith.muli %arg1, %mul3A : i32
    %add3A = arith.addi %mul3A_0, %arg0 : i32
    %eq3A = arith.constant 0 : i32
    %eq3A_1 = arith.cmpi eq, %add3A, %eq3A : i32
    %convert_element_type3A = arith.extui %eq3A_1 : i1 to i32
    %cond3A = arith.constant 0 : i32
    %cond3A_2 = arith.cmpi ne, %convert_element_type3A, %cond3A : i32
    scf.if %cond3A_2 {
      "tpu.region"() ({
        %run_scoped3A = tpu.sem_alloc : memref<!tpu.dma_semaphore, #tpu.memory_space<semaphore_mem>>
        tpu.enqueue_dma source(%arg3 : memref<512xf32, #tpu.memory_space<hbm>>) target(%arg6 : memref<512xf32, #tpu.memory_space<vmem>>) target_semaphore(%run_scoped3A : memref<!tpu.dma_semaphore, #tpu.memory_space<semaphore_mem>>)
        tpu.wait_dma2 semaphore(%run_scoped3A : memref<!tpu.dma_semaphore, #tpu.memory_space<semaphore_mem>>) src(%arg3 : memref<512xf32, #tpu.memory_space<hbm>>) dst(%arg6 : memref<512xf32, #tpu.memory_space<vmem>>)
        tpu.yield
      }) : () -> ()
      "tpu.region"() ({
        %run_scoped3A = tpu.sem_alloc : memref<!tpu.dma_semaphore, #tpu.memory_space<semaphore_mem>>
        tpu.enqueue_dma source(%arg2 : memref<9216xf32, #tpu.memory_space<hbm>>) target(%arg5 : memref<9216xf32, #tpu.memory_space<vmem>>) target_semaphore(%run_scoped3A : memref<!tpu.dma_semaphore, #tpu.memory_space<semaphore_mem>>)
        tpu.wait_dma2 semaphore(%run_scoped3A : memref<!tpu.dma_semaphore, #tpu.memory_space<semaphore_mem>>) src(%arg2 : memref<9216xf32, #tpu.memory_space<hbm>>) dst(%arg5 : memref<9216xf32, #tpu.memory_space<vmem>>)
        tpu.yield
      }) : () -> ()
      %broadcast_in_dim3A = arith.constant 0.000000e+00 : f32
      %broadcast_in_dim3A_3 = vector.broadcast %broadcast_in_dim3A : f32 to vector<16xf32>
      %scan3A = arith.constant 0 : i32
      %scan3A_4 = arith.constant 32 : i32
      %scan3A_5 = arith.addi %scan3A, %scan3A_4 : i32
      %scan3A_6 = arith.constant 1 : i32
      %scan3A_7 = scf.for %scan3A_83 = %scan3A to %scan3A_5 step %scan3A_6 iter_args(%scan3A_84 = %broadcast_in_dim3A_3) -> (vector<16xf32>)  : i32 {
        %mul3A_85 = arith.constant 16 : i32
        %mul3A_86 = arith.muli %scan3A_83, %mul3A_85 : i32
        %get3A = arith.index_cast %mul3A_86 : i32 to index
        %get3A_87 = tpu.vector_load %arg6[%get3A] {strides = array<i32>} : memref<512xf32, #tpu.memory_space<vmem>>, vector<16xf32>,
        %add3A_88 = arith.addf %scan3A_84, %get3A_87 : vector<16xf32>
        scf.yield %add3A_88 : vector<16xf32>
      }
      %scan3A_8 = arith.constant 32 : i32
      %slice3A = vector.extract_strided_slice %scan3A_7 {offsets = [0], sizes = [1], strides = [1]} : vector<16xf32> to vector<1xf32>
      %squeeze3A = vector.extract %slice3A[0] : f32 from vector<1xf32>
      %slice3A_9 = vector.extract_strided_slice %scan3A_7 {offsets = [1], sizes = [1], strides = [1]} : vector<16xf32> to vector<1xf32>
      %squeeze3A_10 = vector.extract %slice3A_9[0] : f32 from vector<1xf32>
      %convert_element_type3A_11 = arith.fptosi %squeeze3A_10 : f32 to i32
      %slice3A_12 = vector.extract_strided_slice %scan3A_7 {offsets = [2], sizes = [1], strides = [1]} : vector<16xf32> to vector<1xf32>
      %squeeze3A_13 = vector.extract %slice3A_12[0] : f32 from vector<1xf32>
      %convert_element_type3A_14 = arith.fptosi %squeeze3A_13 : f32 to i32
      %slice3A_15 = vector.extract_strided_slice %scan3A_7 {offsets = [3], sizes = [1], strides = [1]} : vector<16xf32> to vector<1xf32>
      %squeeze3A_16 = vector.extract %slice3A_15[0] : f32 from vector<1xf32>
      %slice3A_17 = vector.extract_strided_slice %scan3A_7 {offsets = [4], sizes = [1], strides = [1]} : vector<16xf32> to vector<1xf32>
      %squeeze3A_18 = vector.extract %slice3A_17[0] : f32 from vector<1xf32>
      %scan3A_19 = arith.constant 0 : i32
      %scan3A_20 = arith.constant 0 : i32
      %scan3A_21 = arith.constant 32 : i32
      %scan3A_22 = arith.addi %scan3A_20, %scan3A_21 : i32
      %scan3A_23 = arith.constant 1 : i32
      %scan3A_24 = scf.for %scan3A_83 = %scan3A_20 to %scan3A_22 step %scan3A_23 iter_args(%scan3A_84 = %scan3A_19) -> (i32)  : i32 {
        %mul3A_85 = arith.constant 16 : i32
        %mul3A_86 = arith.muli %scan3A_83, %mul3A_85 : i32
        %get3A = arith.index_cast %mul3A_86 : i32 to index
        %get3A_87 = tpu.vector_load %arg6[%get3A] {strides = array<i32>} : memref<512xf32, #tpu.memory_space<vmem>>, vector<16xf32>,
        %slice3A_88 = vector.extract_strided_slice %get3A_87 {offsets = [2], sizes = [1], strides = [1]} : vector<16xf32> to vector<1xf32>
        %squeeze3A_89 = vector.extract %slice3A_88[0] : f32 from vector<1xf32>
        %convert_element_type3A_90 = arith.fptosi %squeeze3A_89 : f32 to i32
        %min3A_91 = arith.constant 256 : i32
        %min3A_92 = arith.minsi %convert_element_type3A_90, %min3A_91 : i32
        %add3A_93 = arith.constant 15 : i32
        %add3A_94 = arith.addi %min3A_92, %add3A_93 : i32
        %shift_right_arithmetic3A_95 = arith.constant 4 : i32
        %shift_right_arithmetic3A_96 = arith.shrsi %add3A_94, %shift_right_arithmetic3A_95 : i32
        %while3A_97 = arith.constant 0 : i32
        %while3A_98 = arith.constant 0 : i32
        %while3A_99 = arith.subi %shift_right_arithmetic3A_96, %while3A_97 : i32
        %while3A_100 = arith.addi %while3A_97, %while3A_99 : i32
        %while3A_101 = arith.constant 1 : i32
        %while3A_102 = arith.divsi %while3A_99, %while3A_101 : i32
        %while3A_103 = arith.muli %while3A_102, %while3A_101 : i32
        %while3A_104 = arith.addi %while3A_97, %while3A_103 : i32
        %while3A_105 = arith.constant 1 : i32
        %while3A_106 = scf.for %while3A_112 = %while3A_97 to %while3A_104 step %while3A_105 iter_args(%while3A_113 = %while3A_98) -> (i32)  : i32 {
          %mul3A_114 = arith.constant 288 : i32
          %mul3A_115 = arith.muli %scan3A_83, %mul3A_114 : i32
          %mul3A_116 = arith.constant 16 : i32
          %mul3A_117 = arith.muli %while3A_112, %mul3A_116 : i32
          %add3A_118 = arith.addi %mul3A_115, %mul3A_117 : i32
          %get3A_119 = arith.index_cast %add3A_118 : i32 to index
          %get3A_120 = tpu.vector_load %arg5[%get3A_119] {strides = array<i32>} : memref<9216xf32, #tpu.memory_space<vmem>>, vector<16xf32>,
          %mul3A_121 = arith.constant 16 : i32
          %mul3A_122 = arith.muli %while3A_112, %mul3A_121 : i32
          %add3A_123 = arith.addi %scan3A_84, %mul3A_122 : i32
          %swap3A_124 = arith.index_cast %add3A_123 : i32 to index
          %swap3A_125 = tpu.vector_load %arg7[%swap3A_124] {strides = array<i32>} : memref<9232xf32, #tpu.memory_space<vmem>>, vector<16xf32>,
          tpu.vector_store %arg7[%swap3A_124], %get3A_120 {strides = array<i32>} : memref<9232xf32, #tpu.memory_space<vmem>>, vector<16xf32>,
          %while3A_126 = arith.constant 0 : i32
          scf.yield %while3A_126 : i32
        }
        %while3A_107 = arith.constant 1 : i32
        %while3A_108 = scf.for %while3A_112 = %while3A_104 to %while3A_100 step %while3A_107 iter_args(%while3A_113 = %while3A_106) -> (i32)  : i32 {
          %mul3A_114 = arith.constant 288 : i32
          %mul3A_115 = arith.muli %scan3A_83, %mul3A_114 : i32
          %mul3A_116 = arith.constant 16 : i32
          %mul3A_117 = arith.muli %while3A_112, %mul3A_116 : i32
          %add3A_118 = arith.addi %mul3A_115, %mul3A_117 : i32
          %get3A_119 = arith.index_cast %add3A_118 : i32 to index
          %get3A_120 = tpu.vector_load %arg5[%get3A_119] {strides = array<i32>} : memref<9216xf32, #tpu.memory_space<vmem>>, vector<16xf32>,
          %mul3A_121 = arith.constant 16 : i32
          %mul3A_122 = arith.muli %while3A_112, %mul3A_121 : i32
          %add3A_123 = arith.addi %scan3A_84, %mul3A_122 : i32
          %swap3A_124 = arith.index_cast %add3A_123 : i32 to index
          %swap3A_125 = tpu.vector_load %arg7[%swap3A_124] {strides = array<i32>} : memref<9232xf32, #tpu.memory_space<vmem>>, vector<16xf32>,
          tpu.vector_store %arg7[%swap3A_124], %get3A_120 {strides = array<i32>} : memref<9232xf32, #tpu.memory_space<vmem>>, vector<16xf32>,
          %while3A_126 = arith.constant 0 : i32
          scf.yield %while3A_126 : i32
        }
        %mul3A_109 = arith.constant 16 : i32
        %mul3A_110 = arith.muli %shift_right_arithmetic3A_96, %mul3A_109 : i32
        %add3A_111 = arith.addi %scan3A_84, %mul3A_110 : i32
        scf.yield %add3A_111 : i32
      }
      %scan3A_25 = arith.constant 32 : i32
      %shift_right_arithmetic3A = arith.constant 4 : i32
      %shift_right_arithmetic3A_26 = arith.shrsi %scan3A_24, %shift_right_arithmetic3A : i32
      %sub3A = arith.constant 256 : i32
      %sub3A_27 = arith.subi %sub3A, %convert_element_type3A_11 : i32
      %min3A = arith.minsi %convert_element_type3A_14, %sub3A_27 : i32
      %max3A = arith.constant 1 : i32
      %max3A_28 = arith.maxsi %min3A, %max3A : i32
      %scan3A_29 = arith.constant 0 : i32
      %scan3A_30 = arith.constant 2139095040 : i32
      %scan3A_31 = arith.constant 0 : i32
      %scan3A_32 = arith.constant 31 : i32
      %scan3A_33 = arith.addi %scan3A_31, %scan3A_32 : i32
      %scan3A_34 = arith.constant 1 : i32
      %scan3A_35:2 = scf.for %scan3A_83 = %scan3A_31 to %scan3A_33 step %scan3A_34 iter_args(%scan3A_84 = %scan3A_29, %scan3A_85 = %scan3A_30) -> (i32, i32)  : i32 {
        %add3A_86 = arith.addi %scan3A_84, %scan3A_85 : i32
        %shift_right_arithmetic3A_87 = arith.constant 1 : i32
        %shift_right_arithmetic3A_88 = arith.shrsi %add3A_86, %shift_right_arithmetic3A_87 : i32
        %broadcast_in_dim3A_89 = vector.broadcast %shift_right_arithmetic3A_88 : i32 to vector<16xi32>
        %bitcast3A_90 = vector.bitcast %broadcast_in_dim3A_89 : vector<16xi32> to vector<16xf32>
        %broadcast_in_dim3A_91 = arith.constant 0 : i32
        %broadcast_in_dim3A_92 = vector.broadcast %broadcast_in_dim3A_91 : i32 to vector<16xi32>
        %while3A_93 = arith.constant 0 : i32
        %while3A_94 = arith.subi %shift_right_arithmetic3A_26, %while3A_93 : i32
        %while3A_95 = arith.addi %while3A_93, %while3A_94 : i32
        %while3A_96 = arith.constant 1 : i32
        %while3A_97 = arith.divsi %while3A_94, %while3A_96 : i32
        %while3A_98 = arith.muli %while3A_97, %while3A_96 : i32
        %while3A_99 = arith.addi %while3A_93, %while3A_98 : i32
        %while3A_100 = arith.constant 1 : i32
        %while3A_101 = scf.for %while3A_110 = %while3A_93 to %while3A_99 step %while3A_100 iter_args(%while3A_111 = %broadcast_in_dim3A_92) -> (vector<16xi32>)  : i32 {
          %mul3A_112 = arith.constant 16 : i32
          %mul3A_113 = arith.muli %while3A_110, %mul3A_112 : i32
          %get3A = arith.index_cast %mul3A_113 : i32 to index
          %get3A_114 = tpu.vector_load %arg7[%get3A] {strides = array<i32>} : memref<9232xf32, #tpu.memory_space<vmem>>, vector<16xf32>,
          %ge3A_115 = arith.cmpf oge, %get3A_114, %bitcast3A_90 : vector<16xf32>
          %jit3A_116 = arith.constant 1 : i32
          %jit3A_117 = arith.constant 0 : i32
          %broadcast_in_dim3A_118 = vector.broadcast %jit3A_116 : i32 to vector<16xi32>
          %broadcast_in_dim3A_119 = vector.broadcast %jit3A_117 : i32 to vector<16xi32>
          %select_n3A_120 = arith.select %ge3A_115, %broadcast_in_dim3A_118, %broadcast_in_dim3A_119 : vector<16xi1>, vector<16xi32>
          %add3A_121 = arith.addi %while3A_111, %select_n3A_120 : vector<16xi32>
          scf.yield %add3A_121 : vector<16xi32>
        }
        %while3A_102 = arith.constant 1 : i32
        %while3A_103 = scf.for %while3A_110 = %while3A_99 to %while3A_95 step %while3A_102 iter_args(%while3A_111 = %while3A_101) -> (vector<16xi32>)  : i32 {
          %mul3A_112 = arith.constant 16 : i32
          %mul3A_113 = arith.muli %while3A_110, %mul3A_112 : i32
          %get3A = arith.index_cast %mul3A_113 : i32 to index
          %get3A_114 = tpu.vector_load %arg7[%get3A] {strides = array<i32>} : memref<9232xf32, #tpu.memory_space<vmem>>, vector<16xf32>,
          %ge3A_115 = arith.cmpf oge, %get3A_114, %bitcast3A_90 : vector<16xf32>
          %jit3A_116 = arith.constant 1 : i32
          %jit3A_117 = arith.constant 0 : i32
          %broadcast_in_dim3A_118 = vector.broadcast %jit3A_116 : i32 to vector<16xi32>
          %broadcast_in_dim3A_119 = vector.broadcast %jit3A_117 : i32 to vector<16xi32>
          %select_n3A_120 = arith.select %ge3A_115, %broadcast_in_dim3A_118, %broadcast_in_dim3A_119 : vector<16xi1>, vector<16xi32>
          %add3A_121 = arith.addi %while3A_111, %select_n3A_120 : vector<16xi32>
          scf.yield %add3A_121 : vector<16xi32>
        }
        %reduce_sum3A_104 = arith.constant true
        %reduce_sum3A_105 = vector.broadcast %reduce_sum3A_104 : i1 to vector<16xi1>
        %reduce_sum3A_106 = tpu.scan <sum>, %while3A_103 masked %reduce_sum3A_105 : vector<16xi32>, vector<16xi1> -> vector<16xi32>
        %reduce_sum3A_107 = vector.extract %reduce_sum3A_106[15] : i32 from vector<16xi32>
        %ge3A = arith.cmpi sge, %reduce_sum3A_107, %max3A_28 : i32
        %select_n3A_108 = arith.select %ge3A, %shift_right_arithmetic3A_88, %scan3A_84 : i32
        %select_n3A_109 = arith.select %ge3A, %scan3A_85, %shift_right_arithmetic3A_88 : i32
        scf.yield %select_n3A_108, %select_n3A_109 : i32, i32
      }
      %scan3A_36 = arith.constant 31 : i32
      %broadcast_in_dim3A_37 = vector.broadcast %scan3A_35#0 : i32 to vector<16xi32>
      %bitcast3A = vector.bitcast %broadcast_in_dim3A_37 : vector<16xi32> to vector<16xf32>
      %slice3A_38 = vector.extract_strided_slice %bitcast3A {offsets = [0], sizes = [1], strides = [1]} : vector<16xf32> to vector<1xf32>
      %squeeze3A_39 = vector.extract %slice3A_38[0] : f32 from vector<1xf32>
      %broadcast_in_dim3A_40 = arith.constant 0.000000e+00 : f32
      %broadcast_in_dim3A_41 = vector.broadcast %broadcast_in_dim3A_40 : f32 to vector<16xf32>
      %broadcast_in_dim3A_42 = arith.constant 0.000000e+00 : f32
      %broadcast_in_dim3A_43 = vector.broadcast %broadcast_in_dim3A_42 : f32 to vector<16xf32>
      %while3A = arith.constant 0 : i32
      %while3A_44 = arith.subi %shift_right_arithmetic3A_26, %while3A : i32
      %while3A_45 = arith.addi %while3A, %while3A_44 : i32
      %while3A_46 = arith.constant 1 : i32
      %while3A_47 = arith.divsi %while3A_44, %while3A_46 : i32
      %while3A_48 = arith.muli %while3A_47, %while3A_46 : i32
      %while3A_49 = arith.addi %while3A, %while3A_48 : i32
      %while3A_50 = arith.constant 1 : i32
      %while3A_51:2 = scf.for %while3A_83 = %while3A to %while3A_49 step %while3A_50 iter_args(%while3A_84 = %broadcast_in_dim3A_41, %while3A_85 = %broadcast_in_dim3A_43) -> (vector<16xf32>, vector<16xf32>)  : i32 {
        %mul3A_86 = arith.constant 16 : i32
        %mul3A_87 = arith.muli %while3A_83, %mul3A_86 : i32
        %get3A = arith.index_cast %mul3A_87 : i32 to index
        %get3A_88 = tpu.vector_load %arg7[%get3A] {strides = array<i32>} : memref<9232xf32, #tpu.memory_space<vmem>>, vector<16xf32>,
        %gt3A_89 = arith.cmpf ogt, %get3A_88, %bitcast3A : vector<16xf32>
        %jit3A_90 = arith.constant 1.000000e+00 : f32
        %jit3A_91 = arith.constant 0.000000e+00 : f32
        %broadcast_in_dim3A_92 = vector.broadcast %jit3A_90 : f32 to vector<16xf32>
        %broadcast_in_dim3A_93 = vector.broadcast %jit3A_91 : f32 to vector<16xf32>
        %select_n3A_94 = arith.select %gt3A_89, %broadcast_in_dim3A_92, %broadcast_in_dim3A_93 : vector<16xi1>, vector<16xf32>
        %add3A_95 = arith.addf %while3A_84, %select_n3A_94 : vector<16xf32>
        %jit3A_96 = arith.constant 0.000000e+00 : f32
        %broadcast_in_dim3A_97 = vector.broadcast %jit3A_96 : f32 to vector<16xf32>
        %select_n3A_98 = arith.select %gt3A_89, %get3A_88, %broadcast_in_dim3A_97 : vector<16xi1>, vector<16xf32>
        %add3A_99 = arith.addf %while3A_85, %select_n3A_98 : vector<16xf32>
        scf.yield %add3A_95, %add3A_99 : vector<16xf32>, vector<16xf32>
      }
      %while3A_52 = arith.constant 1 : i32
      %while3A_53:2 = scf.for %while3A_83 = %while3A_49 to %while3A_45 step %while3A_52 iter_args(%while3A_84 = %while3A_51#0, %while3A_85 = %while3A_51#1) -> (vector<16xf32>, vector<16xf32>)  : i32 {
        %mul3A_86 = arith.constant 16 : i32
        %mul3A_87 = arith.muli %while3A_83, %mul3A_86 : i32
        %get3A = arith.index_cast %mul3A_87 : i32 to index
        %get3A_88 = tpu.vector_load %arg7[%get3A] {strides = array<i32>} : memref<9232xf32, #tpu.memory_space<vmem>>, vector<16xf32>,
        %gt3A_89 = arith.cmpf ogt, %get3A_88, %bitcast3A : vector<16xf32>
        %jit3A_90 = arith.constant 1.000000e+00 : f32
        %jit3A_91 = arith.constant 0.000000e+00 : f32
        %broadcast_in_dim3A_92 = vector.broadcast %jit3A_90 : f32 to vector<16xf32>
        %broadcast_in_dim3A_93 = vector.broadcast %jit3A_91 : f32 to vector<16xf32>
        %select_n3A_94 = arith.select %gt3A_89, %broadcast_in_dim3A_92, %broadcast_in_dim3A_93 : vector<16xi1>, vector<16xf32>
        %add3A_95 = arith.addf %while3A_84, %select_n3A_94 : vector<16xf32>
        %jit3A_96 = arith.constant 0.000000e+00 : f32
        %broadcast_in_dim3A_97 = vector.broadcast %jit3A_96 : f32 to vector<16xf32>
        %select_n3A_98 = arith.select %gt3A_89, %get3A_88, %broadcast_in_dim3A_97 : vector<16xi1>, vector<16xf32>
        %add3A_99 = arith.addf %while3A_85, %select_n3A_98 : vector<16xf32>
        scf.yield %add3A_95, %add3A_99 : vector<16xf32>, vector<16xf32>
      }
      %reduce_sum3A = arith.constant true
      %reduce_sum3A_54 = vector.broadcast %reduce_sum3A : i1 to vector<16xi1>
      %reduce_sum3A_55 = tpu.scan <sum>, %while3A_53#0 masked %reduce_sum3A_54 : vector<16xf32>, vector<16xi1> -> vector<16xf32>
      %reduce_sum3A_56 = vector.extract %reduce_sum3A_55[15] : f32 from vector<16xf32>
      %reduce_sum3A_57 = arith.constant true
      %reduce_sum3A_58 = vector.broadcast %reduce_sum3A_57 : i1 to vector<16xi1>
      %reduce_sum3A_59 = tpu.scan <sum>, %while3A_53#1 masked %reduce_sum3A_58 : vector<16xf32>, vector<16xi1> -> vector<16xf32>
      %reduce_sum3A_60 = vector.extract %reduce_sum3A_59[15] : f32 from vector<16xf32>
      %convert_element_type3A_61 = arith.sitofp %max3A_28 : i32 to f32
      %sub3A_62 = arith.subf %convert_element_type3A_61, %reduce_sum3A_56 : f32
      %mul3A_63 = arith.mulf %sub3A_62, %squeeze3A_39 : f32
      %add3A_64 = arith.addf %reduce_sum3A_60, %mul3A_63 : f32
      %gt3A = arith.constant 0 : i32
      %gt3A_65 = arith.cmpi sgt, %min3A, %gt3A : i32
      %jit3A = arith.constant 0.000000e+00 : f32
      %select_n3A = arith.select %gt3A_65, %add3A_64, %jit3A : f32
      %add3A_66 = arith.addf %squeeze3A, %select_n3A : f32
      %mul3A_67 = arith.constant 3.906250e-03 : f32
      %mul3A_68 = arith.mulf %add3A_66, %mul3A_67 : f32
      %broadcast_in_dim3A_69 = vector.broadcast %squeeze3A_18 : f32 to vector<16xf32>
      %broadcast_in_dim3A_70 = vector.broadcast %squeeze3A_16 : f32 to vector<16xf32>
      %max3A_71 = arith.constant 1.000000e+00 : f32
      %max3A_72 = vector.broadcast %max3A_71 : f32 to vector<16xf32>
      %max3A_73 = arith.maximumf %broadcast_in_dim3A_69, %max3A_72 : vector<16xf32>
      %div3A = arith.divf %broadcast_in_dim3A_70, %max3A_73 : vector<16xf32>
      %broadcast_in_dim3A_74 = vector.broadcast %mul3A_68 : f32 to vector<16xf32>
      %gt3A_75 = arith.constant 0.000000e+00 : f32
      %gt3A_76 = vector.broadcast %gt3A_75 : f32 to vector<16xf32>
      %gt3A_77 = arith.cmpf ogt, %broadcast_in_dim3A_69, %gt3A_76 : vector<16xf32>
      %jit3A_78 = arith.constant 0.000000e+00 : f32
      %broadcast_in_dim3A_79 = vector.broadcast %jit3A_78 : f32 to vector<16xf32>
      %select_n3A_80 = arith.select %gt3A_77, %div3A, %broadcast_in_dim3A_79 : vector<16xi1>, vector<16xf32>
      %add3A_81 = arith.addf %broadcast_in_dim3A_74, %select_n3A_80 : vector<16xf32>
      %swap3A = arith.constant 0 : index
      %swap3A_82 = tpu.vector_load %arg8[%swap3A] {strides = array<i32>} : memref<16xf32, #tpu.memory_space<vmem>>, vector<16xf32>,
      tpu.vector_store %arg8[%swap3A], %add3A_81 {strides = array<i32>} : memref<16xf32, #tpu.memory_space<vmem>>, vector<16xf32>,
      "tpu.region"() ({
        %run_scoped3A = tpu.sem_alloc : memref<!tpu.dma_semaphore, #tpu.memory_space<semaphore_mem>>
        tpu.enqueue_dma source(%arg8 : memref<16xf32, #tpu.memory_space<vmem>>) target(%arg4 : memref<16xf32, #tpu.memory_space<hbm>>) target_semaphore(%run_scoped3A : memref<!tpu.dma_semaphore, #tpu.memory_space<semaphore_mem>>)
        tpu.wait_dma2 semaphore(%run_scoped3A : memref<!tpu.dma_semaphore, #tpu.memory_space<semaphore_mem>>) src(%arg8 : memref<16xf32, #tpu.memory_space<vmem>>) dst(%arg4 : memref<16xf32, #tpu.memory_space<hbm>>)
        tpu.yield
      }) : () -> ()
    } else {
    }
    return
  }
}

#map = affine_map<(d0, d1) -> (0)>
module attributes {stable_mosaic.version = 14 : i64} {
  func.func @_phase1(%arg0: i32, %arg1: i32, %arg2: memref<1048576xf32, #tpu.memory_space<hbm>>, %arg3: memref<1048576xf32, #tpu.memory_space<hbm>>, %arg4: memref<1048576xf32, #tpu.memory_space<hbm>>, %arg5: memref<1048576xf32, #tpu.memory_space<hbm>>, %arg6: memref<1048576xf32, #tpu.memory_space<hbm>>, %arg7: memref<1048576xf32, #tpu.memory_space<hbm>>, %arg8: memref<1048576xf32, #tpu.memory_space<hbm>>, %arg9: memref<1048576xi32, #tpu.memory_space<hbm>>, %arg10: memref<9216xf32, #tpu.memory_space<hbm>>, %arg11: memref<512xf32, #tpu.memory_space<hbm>>, %arg12: memref<4096xf32, #tpu.memory_space<vmem>>, %arg13: memref<4096xf32, #tpu.memory_space<vmem>>, %arg14: memref<4096xf32, #tpu.memory_space<vmem>>, %arg15: memref<4096xf32, #tpu.memory_space<vmem>>, %arg16: memref<4096xf32, #tpu.memory_space<vmem>>, %arg17: memref<4096xf32, #tpu.memory_space<vmem>>, %arg18: memref<4096xf32, #tpu.memory_space<vmem>>, %arg19: memref<4096xi32, #tpu.memory_space<vmem>>, %arg20: memref<4096xf32, #tpu.memory_space<vmem>>, %arg21: memref<4096xf32, #tpu.memory_space<vmem>>, %arg22: memref<4096xf32, #tpu.memory_space<vmem>>, %arg23: memref<4096xf32, #tpu.memory_space<vmem>>, %arg24: memref<4096xf32, #tpu.memory_space<vmem>>, %arg25: memref<4096xf32, #tpu.memory_space<vmem>>, %arg26: memref<4096xf32, #tpu.memory_space<vmem>>, %arg27: memref<4096xi32, #tpu.memory_space<vmem>>, %arg28: memref<272xi32, #tpu.memory_space<vmem>>, %arg29: memref<32800xf32, #tpu.memory_space<vmem>>, %arg30: memref<304xf32, #tpu.memory_space<vmem>>, %arg31: memref<16xf32, #tpu.memory_space<vmem>>, %arg32: memref<!tpu.dma_semaphore, #tpu.memory_space<semaphore_mem>>, %arg33: memref<!tpu.dma_semaphore, #tpu.memory_space<semaphore_mem>>) attributes {dimension_semantics = [#tpu.dimension_semantics<core_parallel>, #tpu.dimension_semantics<subcore_parallel>], iteration_bounds = array<i64: 2, 16>, scalar_prefetch = 0 : i64, scratch_operands = 22 : i64, tpu.core_type = #tpu.core_type<sc_vector_subcore>, window_params = [{transform_indices = #map}, {transform_indices = #map}, {transform_indices = #map}, {transform_indices = #map}, {transform_indices = #map}, {transform_indices = #map}, {transform_indices = #map}, {transform_indices = #map}, {transform_indices = #map}, {transform_indices = #map}]} {
    %mul3A = arith.constant 2 : i32
    %mul3A_0 = arith.muli %arg1, %mul3A : i32
    %add3A = arith.addi %mul3A_0, %arg0 : i32
    %iota3A = tpu.iota {dimensions = array<i32: 0>} : vector<16xi32>
    %broadcast_in_dim3A = arith.constant -1.000000e+00 : f32
    %broadcast_in_dim3A_1 = vector.broadcast %broadcast_in_dim3A : f32 to vector<16xf32>
    %scan3A = arith.constant 0 : i32
    %scan3A_2 = arith.constant 0 : i32
    %scan3A_3 = arith.constant 19 : i32
    %scan3A_4 = arith.addi %scan3A_2, %scan3A_3 : i32
    %scan3A_5 = arith.constant 1 : i32
    %scan3A_6 = scf.for %scan3A_107 = %scan3A_2 to %scan3A_4 step %scan3A_5 iter_args(%scan3A_108 = %scan3A) -> (i32)  : i32 {
      %mul3A_109 = arith.constant 16 : i32
      %mul3A_110 = arith.muli %scan3A_107, %mul3A_109 : i32
      %swap3A_111 = arith.index_cast %mul3A_110 : i32 to index
      %swap3A_112 = tpu.vector_load %arg29[%swap3A_111] {strides = array<i32>} : memref<32800xf32, #tpu.memory_space<vmem>>, vector<16xf32>,
      tpu.vector_store %arg29[%swap3A_111], %broadcast_in_dim3A_1 {strides = array<i32>} : memref<32800xf32, #tpu.memory_space<vmem>>, vector<16xf32>,
      %min3A = arith.constant 18 : i32
      %min3A_113 = arith.minsi %scan3A_107, %min3A : i32
      %mul3A_114 = arith.constant 16 : i32
      %mul3A_115 = arith.muli %min3A_113, %mul3A_114 : i32
      %swap3A_116 = arith.index_cast %mul3A_115 : i32 to index
      %swap3A_117 = tpu.vector_load %arg30[%swap3A_116] {strides = array<i32>} : memref<304xf32, #tpu.memory_space<vmem>>, vector<16xf32>,
      tpu.vector_store %arg30[%swap3A_116], %broadcast_in_dim3A_1 {strides = array<i32>} : memref<304xf32, #tpu.memory_space<vmem>>, vector<16xf32>,
      %scan3A_118 = arith.constant 0 : i32
      scf.yield %scan3A_118 : i32
    }
    %scan3A_7 = arith.constant 19 : i32
    %broadcast_in_dim3A_8 = arith.constant 0.000000e+00 : f32
    %broadcast_in_dim3A_9 = vector.broadcast %broadcast_in_dim3A_8 : f32 to vector<16xf32>
    %mul3A_10 = arith.constant 32768 : i32
    %mul3A_11 = arith.muli %add3A, %mul3A_10 : i32
    %add3A_12 = arith.constant 0 : i32
    %add3A_13 = arith.addi %mul3A_11, %add3A_12 : i32
    %dma_start3A = tpu.memref_slice %arg2[%add3A_13] : memref<1048576xf32, #tpu.memory_space<hbm>> -> memref<4096xf32, #tpu.memory_space<hbm>>
    %dma_start3A_14 = tpu.memref_slice %arg2[%add3A_13] : memref<1048576xf32, #tpu.memory_space<hbm>> -> memref<4096xf32, #tpu.memory_space<hbm>>
    tpu.enqueue_dma source(%dma_start3A_14 : memref<4096xf32, #tpu.memory_space<hbm>>) target(%arg12 : memref<4096xf32, #tpu.memory_space<vmem>>) target_semaphore(%arg32 : memref<!tpu.dma_semaphore, #tpu.memory_space<semaphore_mem>>)
    %dma_start3A_15 = tpu.memref_slice %arg3[%add3A_13] : memref<1048576xf32, #tpu.memory_space<hbm>> -> memref<4096xf32, #tpu.memory_space<hbm>>
    %dma_start3A_16 = tpu.memref_slice %arg3[%add3A_13] : memref<1048576xf32, #tpu.memory_space<hbm>> -> memref<4096xf32, #tpu.memory_space<hbm>>
    tpu.enqueue_dma source(%dma_start3A_16 : memref<4096xf32, #tpu.memory_space<hbm>>) target(%arg13 : memref<4096xf32, #tpu.memory_space<vmem>>) target_semaphore(%arg32 : memref<!tpu.dma_semaphore, #tpu.memory_space<semaphore_mem>>)
    %dma_start3A_17 = tpu.memref_slice %arg4[%add3A_13] : memref<1048576xf32, #tpu.memory_space<hbm>> -> memref<4096xf32, #tpu.memory_space<hbm>>
    %dma_start3A_18 = tpu.memref_slice %arg4[%add3A_13] : memref<1048576xf32, #tpu.memory_space<hbm>> -> memref<4096xf32, #tpu.memory_space<hbm>>
    tpu.enqueue_dma source(%dma_start3A_18 : memref<4096xf32, #tpu.memory_space<hbm>>) target(%arg14 : memref<4096xf32, #tpu.memory_space<vmem>>) target_semaphore(%arg32 : memref<!tpu.dma_semaphore, #tpu.memory_space<semaphore_mem>>)
    %dma_start3A_19 = tpu.memref_slice %arg5[%add3A_13] : memref<1048576xf32, #tpu.memory_space<hbm>> -> memref<4096xf32, #tpu.memory_space<hbm>>
    %dma_start3A_20 = tpu.memref_slice %arg5[%add3A_13] : memref<1048576xf32, #tpu.memory_space<hbm>> -> memref<4096xf32, #tpu.memory_space<hbm>>
    tpu.enqueue_dma source(%dma_start3A_20 : memref<4096xf32, #tpu.memory_space<hbm>>) target(%arg15 : memref<4096xf32, #tpu.memory_space<vmem>>) target_semaphore(%arg32 : memref<!tpu.dma_semaphore, #tpu.memory_space<semaphore_mem>>)
    %dma_start3A_21 = tpu.memref_slice %arg6[%add3A_13] : memref<1048576xf32, #tpu.memory_space<hbm>> -> memref<4096xf32, #tpu.memory_space<hbm>>
    %dma_start3A_22 = tpu.memref_slice %arg6[%add3A_13] : memref<1048576xf32, #tpu.memory_space<hbm>> -> memref<4096xf32, #tpu.memory_space<hbm>>
    tpu.enqueue_dma source(%dma_start3A_22 : memref<4096xf32, #tpu.memory_space<hbm>>) target(%arg16 : memref<4096xf32, #tpu.memory_space<vmem>>) target_semaphore(%arg32 : memref<!tpu.dma_semaphore, #tpu.memory_space<semaphore_mem>>)
    %dma_start3A_23 = tpu.memref_slice %arg7[%add3A_13] : memref<1048576xf32, #tpu.memory_space<hbm>> -> memref<4096xf32, #tpu.memory_space<hbm>>
    %dma_start3A_24 = tpu.memref_slice %arg7[%add3A_13] : memref<1048576xf32, #tpu.memory_space<hbm>> -> memref<4096xf32, #tpu.memory_space<hbm>>
    tpu.enqueue_dma source(%dma_start3A_24 : memref<4096xf32, #tpu.memory_space<hbm>>) target(%arg17 : memref<4096xf32, #tpu.memory_space<vmem>>) target_semaphore(%arg32 : memref<!tpu.dma_semaphore, #tpu.memory_space<semaphore_mem>>)
    %dma_start3A_25 = tpu.memref_slice %arg8[%add3A_13] : memref<1048576xf32, #tpu.memory_space<hbm>> -> memref<4096xf32, #tpu.memory_space<hbm>>
    %dma_start3A_26 = tpu.memref_slice %arg8[%add3A_13] : memref<1048576xf32, #tpu.memory_space<hbm>> -> memref<4096xf32, #tpu.memory_space<hbm>>
    tpu.enqueue_dma source(%dma_start3A_26 : memref<4096xf32, #tpu.memory_space<hbm>>) target(%arg18 : memref<4096xf32, #tpu.memory_space<vmem>>) target_semaphore(%arg32 : memref<!tpu.dma_semaphore, #tpu.memory_space<semaphore_mem>>)
    %dma_start3A_27 = tpu.memref_slice %arg9[%add3A_13] : memref<1048576xi32, #tpu.memory_space<hbm>> -> memref<4096xi32, #tpu.memory_space<hbm>>
    %dma_start3A_28 = tpu.memref_slice %arg9[%add3A_13] : memref<1048576xi32, #tpu.memory_space<hbm>> -> memref<4096xi32, #tpu.memory_space<hbm>>
    tpu.enqueue_dma source(%dma_start3A_28 : memref<4096xi32, #tpu.memory_space<hbm>>) target(%arg19 : memref<4096xi32, #tpu.memory_space<vmem>>) target_semaphore(%arg32 : memref<!tpu.dma_semaphore, #tpu.memory_space<semaphore_mem>>)
    %scan3A_29 = arith.constant 0 : i32
    %scan3A_30 = arith.constant 0 : i32
    %scan3A_31 = arith.constant 4 : i32
    %scan3A_32 = arith.addi %scan3A_30, %scan3A_31 : i32
    %scan3A_33 = arith.constant 1 : i32
    %scan3A_34:6 = scf.for %scan3A_107 = %scan3A_30 to %scan3A_32 step %scan3A_33 iter_args(%scan3A_108 = %scan3A_29, %scan3A_109 = %broadcast_in_dim3A_9, %scan3A_110 = %broadcast_in_dim3A_9, %scan3A_111 = %broadcast_in_dim3A_9, %scan3A_112 = %broadcast_in_dim3A_9, %scan3A_113 = %broadcast_in_dim3A_9) -> (i32, vector<16xf32>, vector<16xf32>, vector<16xf32>, vector<16xf32>, vector<16xf32>)  : i32 {
      %dma_wait3A = arith.constant 0 : i32
      %dma_wait3A_114 = tpu.memref_slice %arg2[%dma_wait3A] : memref<1048576xf32, #tpu.memory_space<hbm>> -> memref<4096xf32, #tpu.memory_space<hbm>>
      %dma_wait3A_115 = arith.constant 0 : i32
      %dma_wait3A_116 = tpu.memref_slice %arg2[%dma_wait3A_115] : memref<1048576xf32, #tpu.memory_space<hbm>> -> memref<4096xf32, #tpu.memory_space<hbm>>
      tpu.wait_dma2 semaphore(%arg32 : memref<!tpu.dma_semaphore, #tpu.memory_space<semaphore_mem>>) src(%dma_wait3A_116 : memref<4096xf32, #tpu.memory_space<hbm>>) dst(%arg12 : memref<4096xf32, #tpu.memory_space<vmem>>)
      %dma_wait3A_117 = arith.constant 0 : i32
      %dma_wait3A_118 = tpu.memref_slice %arg3[%dma_wait3A_117] : memref<1048576xf32, #tpu.memory_space<hbm>> -> memref<4096xf32, #tpu.memory_space<hbm>>
      %dma_wait3A_119 = arith.constant 0 : i32
      %dma_wait3A_120 = tpu.memref_slice %arg3[%dma_wait3A_119] : memref<1048576xf32, #tpu.memory_space<hbm>> -> memref<4096xf32, #tpu.memory_space<hbm>>
      tpu.wait_dma2 semaphore(%arg32 : memref<!tpu.dma_semaphore, #tpu.memory_space<semaphore_mem>>) src(%dma_wait3A_120 : memref<4096xf32, #tpu.memory_space<hbm>>) dst(%arg13 : memref<4096xf32, #tpu.memory_space<vmem>>)
      %dma_wait3A_121 = arith.constant 0 : i32
      %dma_wait3A_122 = tpu.memref_slice %arg4[%dma_wait3A_121] : memref<1048576xf32, #tpu.memory_space<hbm>> -> memref<4096xf32, #tpu.memory_space<hbm>>
      %dma_wait3A_123 = arith.constant 0 : i32
      %dma_wait3A_124 = tpu.memref_slice %arg4[%dma_wait3A_123] : memref<1048576xf32, #tpu.memory_space<hbm>> -> memref<4096xf32, #tpu.memory_space<hbm>>
      tpu.wait_dma2 semaphore(%arg32 : memref<!tpu.dma_semaphore, #tpu.memory_space<semaphore_mem>>) src(%dma_wait3A_124 : memref<4096xf32, #tpu.memory_space<hbm>>) dst(%arg14 : memref<4096xf32, #tpu.memory_space<vmem>>)
      %dma_wait3A_125 = arith.constant 0 : i32
      %dma_wait3A_126 = tpu.memref_slice %arg5[%dma_wait3A_125] : memref<1048576xf32, #tpu.memory_space<hbm>> -> memref<4096xf32, #tpu.memory_space<hbm>>
      %dma_wait3A_127 = arith.constant 0 : i32
      %dma_wait3A_128 = tpu.memref_slice %arg5[%dma_wait3A_127] : memref<1048576xf32, #tpu.memory_space<hbm>> -> memref<4096xf32, #tpu.memory_space<hbm>>
      tpu.wait_dma2 semaphore(%arg32 : memref<!tpu.dma_semaphore, #tpu.memory_space<semaphore_mem>>) src(%dma_wait3A_128 : memref<4096xf32, #tpu.memory_space<hbm>>) dst(%arg15 : memref<4096xf32, #tpu.memory_space<vmem>>)
      %dma_wait3A_129 = arith.constant 0 : i32
      %dma_wait3A_130 = tpu.memref_slice %arg6[%dma_wait3A_129] : memref<1048576xf32, #tpu.memory_space<hbm>> -> memref<4096xf32, #tpu.memory_space<hbm>>
      %dma_wait3A_131 = arith.constant 0 : i32
      %dma_wait3A_132 = tpu.memref_slice %arg6[%dma_wait3A_131] : memref<1048576xf32, #tpu.memory_space<hbm>> -> memref<4096xf32, #tpu.memory_space<hbm>>
      tpu.wait_dma2 semaphore(%arg32 : memref<!tpu.dma_semaphore, #tpu.memory_space<semaphore_mem>>) src(%dma_wait3A_132 : memref<4096xf32, #tpu.memory_space<hbm>>) dst(%arg16 : memref<4096xf32, #tpu.memory_space<vmem>>)
      %dma_wait3A_133 = arith.constant 0 : i32
      %dma_wait3A_134 = tpu.memref_slice %arg7[%dma_wait3A_133] : memref<1048576xf32, #tpu.memory_space<hbm>> -> memref<4096xf32, #tpu.memory_space<hbm>>
      %dma_wait3A_135 = arith.constant 0 : i32
      %dma_wait3A_136 = tpu.memref_slice %arg7[%dma_wait3A_135] : memref<1048576xf32, #tpu.memory_space<hbm>> -> memref<4096xf32, #tpu.memory_space<hbm>>
      tpu.wait_dma2 semaphore(%arg32 : memref<!tpu.dma_semaphore, #tpu.memory_space<semaphore_mem>>) src(%dma_wait3A_136 : memref<4096xf32, #tpu.memory_space<hbm>>) dst(%arg17 : memref<4096xf32, #tpu.memory_space<vmem>>)
      %dma_wait3A_137 = arith.constant 0 : i32
      %dma_wait3A_138 = tpu.memref_slice %arg8[%dma_wait3A_137] : memref<1048576xf32, #tpu.memory_space<hbm>> -> memref<4096xf32, #tpu.memory_space<hbm>>
      %dma_wait3A_139 = arith.constant 0 : i32
      %dma_wait3A_140 = tpu.memref_slice %arg8[%dma_wait3A_139] : memref<1048576xf32, #tpu.memory_space<hbm>> -> memref<4096xf32, #tpu.memory_space<hbm>>
      tpu.wait_dma2 semaphore(%arg32 : memref<!tpu.dma_semaphore, #tpu.memory_space<semaphore_mem>>) src(%dma_wait3A_140 : memref<4096xf32, #tpu.memory_space<hbm>>) dst(%arg18 : memref<4096xf32, #tpu.memory_space<vmem>>)
      %dma_wait3A_141 = arith.constant 0 : i32
      %dma_wait3A_142 = tpu.memref_slice %arg9[%dma_wait3A_141] : memref<1048576xi32, #tpu.memory_space<hbm>> -> memref<4096xi32, #tpu.memory_space<hbm>>
      %dma_wait3A_143 = arith.constant 0 : i32
      %dma_wait3A_144 = tpu.memref_slice %arg9[%dma_wait3A_143] : memref<1048576xi32, #tpu.memory_space<hbm>> -> memref<4096xi32, #tpu.memory_space<hbm>>
      tpu.wait_dma2 semaphore(%arg32 : memref<!tpu.dma_semaphore, #tpu.memory_space<semaphore_mem>>) src(%dma_wait3A_144 : memref<4096xi32, #tpu.memory_space<hbm>>) dst(%arg19 : memref<4096xi32, #tpu.memory_space<vmem>>)
      %mul3A_145 = arith.constant 2 : i32
      %mul3A_146 = arith.muli %mul3A_145, %scan3A_107 : i32
      %add3A_147 = arith.constant 1 : i32
      %add3A_148 = arith.addi %mul3A_146, %add3A_147 : i32
      %mul3A_149 = arith.constant 32768 : i32
      %mul3A_150 = arith.muli %add3A, %mul3A_149 : i32
      %mul3A_151 = arith.constant 4096 : i32
      %mul3A_152 = arith.muli %add3A_148, %mul3A_151 : i32
      %add3A_153 = arith.addi %mul3A_150, %mul3A_152 : i32
      %dma_start3A_154 = tpu.memref_slice %arg2[%add3A_153] : memref<1048576xf32, #tpu.memory_space<hbm>> -> memref<4096xf32, #tpu.memory_space<hbm>>
      %dma_start3A_155 = tpu.memref_slice %arg2[%add3A_153] : memref<1048576xf32, #tpu.memory_space<hbm>> -> memref<4096xf32, #tpu.memory_space<hbm>>
      tpu.enqueue_dma source(%dma_start3A_155 : memref<4096xf32, #tpu.memory_space<hbm>>) target(%arg20 : memref<4096xf32, #tpu.memory_space<vmem>>) target_semaphore(%arg33 : memref<!tpu.dma_semaphore, #tpu.memory_space<semaphore_mem>>)
      %dma_start3A_156 = tpu.memref_slice %arg3[%add3A_153] : memref<1048576xf32, #tpu.memory_space<hbm>> -> memref<4096xf32, #tpu.memory_space<hbm>>
      %dma_start3A_157 = tpu.memref_slice %arg3[%add3A_153] : memref<1048576xf32, #tpu.memory_space<hbm>> -> memref<4096xf32, #tpu.memory_space<hbm>>
      tpu.enqueue_dma source(%dma_start3A_157 : memref<4096xf32, #tpu.memory_space<hbm>>) target(%arg21 : memref<4096xf32, #tpu.memory_space<vmem>>) target_semaphore(%arg33 : memref<!tpu.dma_semaphore, #tpu.memory_space<semaphore_mem>>)
      %dma_start3A_158 = tpu.memref_slice %arg4[%add3A_153] : memref<1048576xf32, #tpu.memory_space<hbm>> -> memref<4096xf32, #tpu.memory_space<hbm>>
      %dma_start3A_159 = tpu.memref_slice %arg4[%add3A_153] : memref<1048576xf32, #tpu.memory_space<hbm>> -> memref<4096xf32, #tpu.memory_space<hbm>>
      tpu.enqueue_dma source(%dma_start3A_159 : memref<4096xf32, #tpu.memory_space<hbm>>) target(%arg22 : memref<4096xf32, #tpu.memory_space<vmem>>) target_semaphore(%arg33 : memref<!tpu.dma_semaphore, #tpu.memory_space<semaphore_mem>>)
      %dma_start3A_160 = tpu.memref_slice %arg5[%add3A_153] : memref<1048576xf32, #tpu.memory_space<hbm>> -> memref<4096xf32, #tpu.memory_space<hbm>>
      %dma_start3A_161 = tpu.memref_slice %arg5[%add3A_153] : memref<1048576xf32, #tpu.memory_space<hbm>> -> memref<4096xf32, #tpu.memory_space<hbm>>
      tpu.enqueue_dma source(%dma_start3A_161 : memref<4096xf32, #tpu.memory_space<hbm>>) target(%arg23 : memref<4096xf32, #tpu.memory_space<vmem>>) target_semaphore(%arg33 : memref<!tpu.dma_semaphore, #tpu.memory_space<semaphore_mem>>)
      %dma_start3A_162 = tpu.memref_slice %arg6[%add3A_153] : memref<1048576xf32, #tpu.memory_space<hbm>> -> memref<4096xf32, #tpu.memory_space<hbm>>
      %dma_start3A_163 = tpu.memref_slice %arg6[%add3A_153] : memref<1048576xf32, #tpu.memory_space<hbm>> -> memref<4096xf32, #tpu.memory_space<hbm>>
      tpu.enqueue_dma source(%dma_start3A_163 : memref<4096xf32, #tpu.memory_space<hbm>>) target(%arg24 : memref<4096xf32, #tpu.memory_space<vmem>>) target_semaphore(%arg33 : memref<!tpu.dma_semaphore, #tpu.memory_space<semaphore_mem>>)
      %dma_start3A_164 = tpu.memref_slice %arg7[%add3A_153] : memref<1048576xf32, #tpu.memory_space<hbm>> -> memref<4096xf32, #tpu.memory_space<hbm>>
      %dma_start3A_165 = tpu.memref_slice %arg7[%add3A_153] : memref<1048576xf32, #tpu.memory_space<hbm>> -> memref<4096xf32, #tpu.memory_space<hbm>>
      tpu.enqueue_dma source(%dma_start3A_165 : memref<4096xf32, #tpu.memory_space<hbm>>) target(%arg25 : memref<4096xf32, #tpu.memory_space<vmem>>) target_semaphore(%arg33 : memref<!tpu.dma_semaphore, #tpu.memory_space<semaphore_mem>>)
      %dma_start3A_166 = tpu.memref_slice %arg8[%add3A_153] : memref<1048576xf32, #tpu.memory_space<hbm>> -> memref<4096xf32, #tpu.memory_space<hbm>>
      %dma_start3A_167 = tpu.memref_slice %arg8[%add3A_153] : memref<1048576xf32, #tpu.memory_space<hbm>> -> memref<4096xf32, #tpu.memory_space<hbm>>
      tpu.enqueue_dma source(%dma_start3A_167 : memref<4096xf32, #tpu.memory_space<hbm>>) target(%arg26 : memref<4096xf32, #tpu.memory_space<vmem>>) target_semaphore(%arg33 : memref<!tpu.dma_semaphore, #tpu.memory_space<semaphore_mem>>)
      %dma_start3A_168 = tpu.memref_slice %arg9[%add3A_153] : memref<1048576xi32, #tpu.memory_space<hbm>> -> memref<4096xi32, #tpu.memory_space<hbm>>
      %dma_start3A_169 = tpu.memref_slice %arg9[%add3A_153] : memref<1048576xi32, #tpu.memory_space<hbm>> -> memref<4096xi32, #tpu.memory_space<hbm>>
      tpu.enqueue_dma source(%dma_start3A_169 : memref<4096xi32, #tpu.memory_space<hbm>>) target(%arg27 : memref<4096xi32, #tpu.memory_space<vmem>>) target_semaphore(%arg33 : memref<!tpu.dma_semaphore, #tpu.memory_space<semaphore_mem>>)
      %broadcast_in_dim3A_170 = arith.constant 0 : i32
      %broadcast_in_dim3A_171 = vector.broadcast %broadcast_in_dim3A_170 : i32 to vector<16xi32>
      %scan3A_172 = arith.constant 0 : i32
      %scan3A_173 = arith.constant 256 : i32
      %scan3A_174 = arith.addi %scan3A_172, %scan3A_173 : i32
      %scan3A_175 = arith.constant 1 : i32
      %scan3A_176 = scf.for %scan3A_249 = %scan3A_172 to %scan3A_174 step %scan3A_175 iter_args(%scan3A_250 = %broadcast_in_dim3A_171) -> (vector<16xi32>)  : i32 {
        %mul3A_251 = arith.constant 16 : i32
        %mul3A_252 = arith.muli %scan3A_249, %mul3A_251 : i32
        %get3A = arith.index_cast %mul3A_252 : i32 to index
        %get3A_253 = tpu.vector_load %arg19[%get3A] {strides = array<i32>} : memref<4096xi32, #tpu.memory_space<vmem>>, vector<16xi32>,
        %get3A_254 = arith.index_cast %mul3A_252 : i32 to index
        %get3A_255 = tpu.vector_load %arg16[%get3A_254] {strides = array<i32>} : memref<4096xf32, #tpu.memory_space<vmem>>, vector<16xf32>,
        %le3A_256 = arith.constant 1 : i32
        %le3A_257 = vector.broadcast %le3A_256 : i32 to vector<16xi32>
        %le3A_258 = arith.cmpi sle, %get3A_253, %le3A_257 : vector<16xi32>
        %eq3A_259 = arith.constant 1.000000e+00 : f32
        %eq3A_260 = vector.broadcast %eq3A_259 : f32 to vector<16xf32>
        %eq3A_261 = arith.cmpf oeq, %get3A_255, %eq3A_260 : vector<16xf32>
        %or3A = arith.ori %le3A_258, %eq3A_261 : vector<16xi1>
        %all_reduce_population_count3A = tpu.all_reduce %or3A {dim = 0 : i64, kind = #tpu.reduction_kind<sum>} : vector<16xi1> -> vector<16xi32>
        %gt3A_262 = arith.constant 0 : i32
        %gt3A_263 = vector.broadcast %gt3A_262 : i32 to vector<16xi32>
        %gt3A_264 = arith.cmpi sgt, %all_reduce_population_count3A, %gt3A_263 : vector<16xi32>
        %eq3A_265 = arith.constant 0 : i32
        %eq3A_266 = vector.broadcast %eq3A_265 : i32 to vector<16xi32>
        %eq3A_267 = arith.cmpi eq, %iota3A, %eq3A_266 : vector<16xi32>
        %and3A = arith.andi %gt3A_264, %eq3A_267 : vector<16xi1>
        %slice3A_268 = vector.extract_strided_slice %scan3A_250 {offsets = [0], sizes = [1], strides = [1]} : vector<16xi32> to vector<1xi32>
        %squeeze3A_269 = vector.extract %slice3A_268[0] : i32 from vector<1xi32>
        %broadcast_in_dim3A_270 = vector.broadcast %scan3A_249 : i32 to vector<16xi32>
        %swap3A_271 = arith.index_cast %squeeze3A_269 : i32 to index
        %swap3A_272 = tpu.vector_load %arg28[%swap3A_271] masked %and3A {strides = array<i32>} : memref<272xi32, #tpu.memory_space<vmem>>, vector<16xi32>, vector<16xi1>
        tpu.vector_store %arg28[%swap3A_271], %broadcast_in_dim3A_270 masked %and3A {strides = array<i32>} : memref<272xi32, #tpu.memory_space<vmem>>, vector<16xi32>, vector<16xi1>
        %convert_element_type3A_273 = arith.extui %gt3A_264 : vector<16xi1> to vector<16xi32>
        %add3A_274 = arith.addi %scan3A_250, %convert_element_type3A_273 : vector<16xi32>
        scf.yield %add3A_274 : vector<16xi32>
      }
      %scan3A_177 = arith.constant 256 : i32
      %slice3A = vector.extract_strided_slice %scan3A_176 {offsets = [0], sizes = [1], strides = [1]} : vector<16xi32> to vector<1xi32>
      %squeeze3A = vector.extract %slice3A[0] : i32 from vector<1xi32>
      %while3A = arith.constant 0 : i32
      %while3A_178 = arith.subi %squeeze3A, %while3A : i32
      %while3A_179 = arith.addi %while3A, %while3A_178 : i32
      %while3A_180 = arith.constant 1 : i32
      %while3A_181 = arith.divsi %while3A_178, %while3A_180 : i32
      %while3A_182 = arith.muli %while3A_181, %while3A_180 : i32
      %while3A_183 = arith.addi %while3A, %while3A_182 : i32
      %while3A_184 = arith.constant 1 : i32
      %while3A_185:6 = scf.for %while3A_249 = %while3A to %while3A_183 step %while3A_184 iter_args(%while3A_250 = %scan3A_108, %while3A_251 = %scan3A_109, %while3A_252 = %scan3A_110, %while3A_253 = %scan3A_111, %while3A_254 = %scan3A_112, %while3A_255 = %scan3A_113) -> (i32, vector<16xf32>, vector<16xf32>, vector<16xf32>, vector<16xf32>, vector<16xf32>)  : i32 {
        %shift_right_arithmetic3A_256 = arith.constant 4 : i32
        %shift_right_arithmetic3A_257 = arith.shrsi %while3A_249, %shift_right_arithmetic3A_256 : i32
        %mul3A_258 = arith.constant 16 : i32
        %mul3A_259 = arith.muli %shift_right_arithmetic3A_257, %mul3A_258 : i32
        %get3A = arith.index_cast %mul3A_259 : i32 to index
        %get3A_260 = tpu.vector_load %arg28[%get3A] {strides = array<i32>} : memref<272xi32, #tpu.memory_space<vmem>>, vector<16xi32>,
        %and3A = arith.constant 15 : i32
        %and3A_261 = arith.andi %while3A_249, %and3A : i32
        %eq3A_262 = vector.broadcast %and3A_261 : i32 to vector<16xi32>
        %eq3A_263 = arith.cmpi eq, %iota3A, %eq3A_262 : vector<16xi32>
        %jit3A_264 = arith.constant 0 : i32
        %broadcast_in_dim3A_265 = vector.broadcast %jit3A_264 : i32 to vector<16xi32>
        %select_n3A_266 = arith.select %eq3A_263, %get3A_260, %broadcast_in_dim3A_265 : vector<16xi1>, vector<16xi32>
        %reduce_sum3A_267 = arith.constant true
        %reduce_sum3A_268 = vector.broadcast %reduce_sum3A_267 : i1 to vector<16xi1>
        %reduce_sum3A_269 = tpu.scan <sum>, %select_n3A_266 masked %reduce_sum3A_268 : vector<16xi32>, vector<16xi1> -> vector<16xi32>
        %reduce_sum3A_270 = vector.extract %reduce_sum3A_269[15] : i32 from vector<16xi32>
        %mul3A_271 = arith.constant 16 : i32
        %mul3A_272 = arith.muli %reduce_sum3A_270, %mul3A_271 : i32
        %get3A_273 = arith.index_cast %mul3A_272 : i32 to index
        %get3A_274 = tpu.vector_load %arg19[%get3A_273] {strides = array<i32>} : memref<4096xi32, #tpu.memory_space<vmem>>, vector<16xi32>,
        %get3A_275 = arith.index_cast %mul3A_272 : i32 to index
        %get3A_276 = tpu.vector_load %arg16[%get3A_275] {strides = array<i32>} : memref<4096xf32, #tpu.memory_space<vmem>>, vector<16xf32>,
        %eq3A_277 = arith.constant 1.000000e+00 : f32
        %eq3A_278 = vector.broadcast %eq3A_277 : f32 to vector<16xf32>
        %eq3A_279 = arith.cmpf oeq, %get3A_276, %eq3A_278 : vector<16xf32>
        %get3A_280 = arith.index_cast %mul3A_272 : i32 to index
        %get3A_281 = tpu.vector_load %arg12[%get3A_280] {strides = array<i32>} : memref<4096xf32, #tpu.memory_space<vmem>>, vector<16xf32>,
        %get3A_282 = arith.index_cast %mul3A_272 : i32 to index
        %get3A_283 = tpu.vector_load %arg13[%get3A_282] {strides = array<i32>} : memref<4096xf32, #tpu.memory_space<vmem>>, vector<16xf32>,
        %ge3A = arith.constant 1 : i32
        %ge3A_284 = vector.broadcast %ge3A : i32 to vector<16xi32>
        %ge3A_285 = arith.cmpi sge, %get3A_274, %ge3A_284 : vector<16xi32>
        %sub3A = arith.subf %get3A_281, %get3A_283 : vector<16xf32>
        %sub3A_286 = arith.subf %get3A_283, %get3A_281 : vector<16xf32>
        %select_n3A_287 = arith.select %ge3A_285, %sub3A, %sub3A_286 : vector<16xi1>, vector<16xf32>
        %abs3A = math.absf %select_n3A_287 : vector<16xf32>
        %neg3A = arith.constant 0.000000e+00 : f32
        %neg3A_288 = vector.broadcast %neg3A : f32 to vector<16xf32>
        %neg3A_289 = arith.subf %neg3A_288, %abs3A : vector<16xf32>
        %exp3A = math.exp %neg3A_289 : vector<16xf32>
        %add3A_290 = arith.constant 2.000000e+00 : f32
        %add3A_291 = vector.broadcast %add3A_290 : f32 to vector<16xf32>
        %add3A_292 = arith.addf %add3A_291, %exp3A : vector<16xf32>
        %div3A = arith.divf %exp3A, %add3A_292 : vector<16xf32>
        %mul3A_293 = arith.mulf %div3A, %div3A : vector<16xf32>
        %mul3A_294 = arith.constant 0.142857149 : f32
        %mul3A_295 = vector.broadcast %mul3A_294 : f32 to vector<16xf32>
        %mul3A_296 = arith.mulf %mul3A_293, %mul3A_295 : vector<16xf32>
        %add3A_297 = arith.constant 2.000000e-01 : f32
        %add3A_298 = vector.broadcast %add3A_297 : f32 to vector<16xf32>
        %add3A_299 = arith.addf %add3A_298, %mul3A_296 : vector<16xf32>
        %mul3A_300 = arith.mulf %mul3A_293, %add3A_299 : vector<16xf32>
        %add3A_301 = arith.constant 0.333333343 : f32
        %add3A_302 = vector.broadcast %add3A_301 : f32 to vector<16xf32>
        %add3A_303 = arith.addf %add3A_302, %mul3A_300 : vector<16xf32>
        %mul3A_304 = arith.mulf %mul3A_293, %add3A_303 : vector<16xf32>
        %add3A_305 = arith.constant 1.000000e+00 : f32
        %add3A_306 = vector.broadcast %add3A_305 : f32 to vector<16xf32>
        %add3A_307 = arith.addf %add3A_306, %mul3A_304 : vector<16xf32>
        %max3A = arith.constant 0.000000e+00 : f32
        %max3A_308 = vector.broadcast %max3A : f32 to vector<16xf32>
        %max3A_309 = arith.maximumf %select_n3A_287, %max3A_308 : vector<16xf32>
        %mul3A_310 = arith.constant 2.000000e+00 : f32
        %mul3A_311 = vector.broadcast %mul3A_310 : f32 to vector<16xf32>
        %mul3A_312 = arith.mulf %mul3A_311, %div3A : vector<16xf32>
        %mul3A_313 = arith.mulf %mul3A_312, %add3A_307 : vector<16xf32>
        %add3A_314 = arith.addf %max3A_309, %mul3A_313 : vector<16xf32>
        %eq3A_315 = arith.constant 1 : i32
        %eq3A_316 = vector.broadcast %eq3A_315 : i32 to vector<16xi32>
        %eq3A_317 = arith.cmpi eq, %get3A_274, %eq3A_316 : vector<16xi32>
        %eq3A_318 = arith.constant 0 : i32
        %eq3A_319 = vector.broadcast %eq3A_318 : i32 to vector<16xi32>
        %eq3A_320 = arith.cmpi eq, %get3A_274, %eq3A_319 : vector<16xi32>
        %jit3A_321 = arith.constant 0.000000e+00 : f32
        %broadcast_in_dim3A_322 = vector.broadcast %jit3A_321 : f32 to vector<16xf32>
        %select_n3A_323 = arith.select %eq3A_317, %add3A_314, %broadcast_in_dim3A_322 : vector<16xi1>, vector<16xf32>
        %add3A_324 = arith.addf %while3A_251, %select_n3A_323 : vector<16xf32>
        %convert_element_type3A_325 = arith.extui %eq3A_317 : vector<16xi1> to vector<16xi32>
        %convert_element_type3A_326 = arith.sitofp %convert_element_type3A_325 : vector<16xi32> to vector<16xf32>
        %add3A_327 = arith.addf %while3A_252, %convert_element_type3A_326 : vector<16xf32>
        %convert_element_type3A_328 = arith.extui %eq3A_320 : vector<16xi1> to vector<16xi32>
        %convert_element_type3A_329 = arith.sitofp %convert_element_type3A_328 : vector<16xi32> to vector<16xf32>
        %add3A_330 = arith.addf %while3A_253, %convert_element_type3A_329 : vector<16xf32>
        %get3A_331 = arith.index_cast %mul3A_272 : i32 to index
        %get3A_332 = tpu.vector_load %arg17[%get3A_331] {strides = array<i32>} : memref<4096xf32, #tpu.memory_space<vmem>>, vector<16xf32>,
        %get3A_333 = arith.index_cast %mul3A_272 : i32 to index
        %get3A_334 = tpu.vector_load %arg18[%get3A_333] {strides = array<i32>} : memref<4096xf32, #tpu.memory_space<vmem>>, vector<16xf32>,
        %get3A_335 = arith.index_cast %mul3A_272 : i32 to index
        %get3A_336 = tpu.vector_load %arg14[%get3A_335] {strides = array<i32>} : memref<4096xf32, #tpu.memory_space<vmem>>, vector<16xf32>,
        %get3A_337 = arith.index_cast %mul3A_272 : i32 to index
        %get3A_338 = tpu.vector_load %arg15[%get3A_337] {strides = array<i32>} : memref<4096xf32, #tpu.memory_space<vmem>>, vector<16xf32>,
        %sub3A_339 = arith.subf %get3A_332, %get3A_336 : vector<16xf32>
        %abs3A_340 = math.absf %sub3A_339 : vector<16xf32>
        %sub3A_341 = arith.subf %get3A_334, %get3A_338 : vector<16xf32>
        %abs3A_342 = math.absf %sub3A_341 : vector<16xf32>
        %lt3A_343 = arith.constant 0.111111112 : f32
        %lt3A_344 = vector.broadcast %lt3A_343 : f32 to vector<16xf32>
        %lt3A_345 = arith.cmpf olt, %abs3A_340, %lt3A_344 : vector<16xf32>
        %mul3A_346 = arith.constant 4.500000e+00 : f32
        %mul3A_347 = vector.broadcast %mul3A_346 : f32 to vector<16xf32>
        %mul3A_348 = arith.mulf %mul3A_347, %abs3A_340 : vector<16xf32>
        %mul3A_349 = arith.mulf %mul3A_348, %abs3A_340 : vector<16xf32>
        %sub3A_350 = arith.constant 0.055555556 : f32
        %sub3A_351 = vector.broadcast %sub3A_350 : f32 to vector<16xf32>
        %sub3A_352 = arith.subf %abs3A_340, %sub3A_351 : vector<16xf32>
        %select_n3A_353 = arith.select %lt3A_345, %mul3A_349, %sub3A_352 : vector<16xi1>, vector<16xf32>
        %lt3A_354 = arith.constant 0.111111112 : f32
        %lt3A_355 = vector.broadcast %lt3A_354 : f32 to vector<16xf32>
        %lt3A_356 = arith.cmpf olt, %abs3A_342, %lt3A_355 : vector<16xf32>
        %mul3A_357 = arith.constant 4.500000e+00 : f32
        %mul3A_358 = vector.broadcast %mul3A_357 : f32 to vector<16xf32>
        %mul3A_359 = arith.mulf %mul3A_358, %abs3A_342 : vector<16xf32>
        %mul3A_360 = arith.mulf %mul3A_359, %abs3A_342 : vector<16xf32>
        %sub3A_361 = arith.constant 0.055555556 : f32
        %sub3A_362 = vector.broadcast %sub3A_361 : f32 to vector<16xf32>
        %sub3A_363 = arith.subf %abs3A_342, %sub3A_362 : vector<16xf32>
        %select_n3A_364 = arith.select %lt3A_356, %mul3A_360, %sub3A_363 : vector<16xi1>, vector<16xf32>
        %add3A_365 = arith.addf %select_n3A_353, %select_n3A_364 : vector<16xf32>
        %jit3A_366 = arith.constant 0.000000e+00 : f32
        %broadcast_in_dim3A_367 = vector.broadcast %jit3A_366 : f32 to vector<16xf32>
        %select_n3A_368 = arith.select %eq3A_279, %add3A_365, %broadcast_in_dim3A_367 : vector<16xi1>, vector<16xf32>
        %add3A_369 = arith.addf %while3A_254, %select_n3A_368 : vector<16xf32>
        %convert_element_type3A_370 = arith.extui %eq3A_279 : vector<16xi1> to vector<16xi32>
        %convert_element_type3A_371 = arith.sitofp %convert_element_type3A_370 : vector<16xi32> to vector<16xf32>
        %add3A_372 = arith.addf %while3A_255, %convert_element_type3A_371 : vector<16xf32>
        %all_reduce_population_count3A = tpu.all_reduce %eq3A_320 {dim = 0 : i64, kind = #tpu.reduction_kind<sum>} : vector<16xi1> -> vector<16xi32>
        %slice3A_373 = vector.extract_strided_slice %all_reduce_population_count3A {offsets = [0], sizes = [1], strides = [1]} : vector<16xi32> to vector<1xi32>
        %squeeze3A_374 = vector.extract %slice3A_373[0] : i32 from vector<1xi32>
        %swap3A_375 = arith.index_cast %while3A_250 : i32 to index
        %swap3A_376 = tpu.vector_load %arg29[%swap3A_375] masked %eq3A_320 {strides = array<i32>} : memref<32800xf32, #tpu.memory_space<vmem>>, vector<16xf32>, vector<16xi1>
        tpu.vector_store %arg29[%swap3A_375], %add3A_314 masked %eq3A_320 {strides = array<i32>} : memref<32800xf32, #tpu.memory_space<vmem>>, vector<16xf32>, vector<16xi1>
        %add3A_377 = arith.addi %while3A_250, %squeeze3A_374 : i32
        scf.yield %add3A_377, %add3A_324, %add3A_327, %add3A_330, %add3A_369, %add3A_372 : i32, vector<16xf32>, vector<16xf32>, vector<16xf32>, vector<16xf32>, vector<16xf32>
      }
      %while3A_186 = arith.constant 1 : i32
      %while3A_187:6 = scf.for %while3A_249 = %while3A_183 to %while3A_179 step %while3A_186 iter_args(%while3A_250 = %while3A_185#0, %while3A_251 = %while3A_185#1, %while3A_252 = %while3A_185#2, %while3A_253 = %while3A_185#3, %while3A_254 = %while3A_185#4, %while3A_255 = %while3A_185#5) -> (i32, vector<16xf32>, vector<16xf32>, vector<16xf32>, vector<16xf32>, vector<16xf32>)  : i32 {
        %shift_right_arithmetic3A_256 = arith.constant 4 : i32
        %shift_right_arithmetic3A_257 = arith.shrsi %while3A_249, %shift_right_arithmetic3A_256 : i32
        %mul3A_258 = arith.constant 16 : i32
        %mul3A_259 = arith.muli %shift_right_arithmetic3A_257, %mul3A_258 : i32
        %get3A = arith.index_cast %mul3A_259 : i32 to index
        %get3A_260 = tpu.vector_load %arg28[%get3A] {strides = array<i32>} : memref<272xi32, #tpu.memory_space<vmem>>, vector<16xi32>,
        %and3A = arith.constant 15 : i32
        %and3A_261 = arith.andi %while3A_249, %and3A : i32
        %eq3A_262 = vector.broadcast %and3A_261 : i32 to vector<16xi32>
        %eq3A_263 = arith.cmpi eq, %iota3A, %eq3A_262 : vector<16xi32>
        %jit3A_264 = arith.constant 0 : i32
        %broadcast_in_dim3A_265 = vector.broadcast %jit3A_264 : i32 to vector<16xi32>
        %select_n3A_266 = arith.select %eq3A_263, %get3A_260, %broadcast_in_dim3A_265 : vector<16xi1>, vector<16xi32>
        %reduce_sum3A_267 = arith.constant true
        %reduce_sum3A_268 = vector.broadcast %reduce_sum3A_267 : i1 to vector<16xi1>
        %reduce_sum3A_269 = tpu.scan <sum>, %select_n3A_266 masked %reduce_sum3A_268 : vector<16xi32>, vector<16xi1> -> vector<16xi32>
        %reduce_sum3A_270 = vector.extract %reduce_sum3A_269[15] : i32 from vector<16xi32>
        %mul3A_271 = arith.constant 16 : i32
        %mul3A_272 = arith.muli %reduce_sum3A_270, %mul3A_271 : i32
        %get3A_273 = arith.index_cast %mul3A_272 : i32 to index
        %get3A_274 = tpu.vector_load %arg19[%get3A_273] {strides = array<i32>} : memref<4096xi32, #tpu.memory_space<vmem>>, vector<16xi32>,
        %get3A_275 = arith.index_cast %mul3A_272 : i32 to index
        %get3A_276 = tpu.vector_load %arg16[%get3A_275] {strides = array<i32>} : memref<4096xf32, #tpu.memory_space<vmem>>, vector<16xf32>,
        %eq3A_277 = arith.constant 1.000000e+00 : f32
        %eq3A_278 = vector.broadcast %eq3A_277 : f32 to vector<16xf32>
        %eq3A_279 = arith.cmpf oeq, %get3A_276, %eq3A_278 : vector<16xf32>
        %get3A_280 = arith.index_cast %mul3A_272 : i32 to index
        %get3A_281 = tpu.vector_load %arg12[%get3A_280] {strides = array<i32>} : memref<4096xf32, #tpu.memory_space<vmem>>, vector<16xf32>,
        %get3A_282 = arith.index_cast %mul3A_272 : i32 to index
        %get3A_283 = tpu.vector_load %arg13[%get3A_282] {strides = array<i32>} : memref<4096xf32, #tpu.memory_space<vmem>>, vector<16xf32>,
        %ge3A = arith.constant 1 : i32
        %ge3A_284 = vector.broadcast %ge3A : i32 to vector<16xi32>
        %ge3A_285 = arith.cmpi sge, %get3A_274, %ge3A_284 : vector<16xi32>
        %sub3A = arith.subf %get3A_281, %get3A_283 : vector<16xf32>
        %sub3A_286 = arith.subf %get3A_283, %get3A_281 : vector<16xf32>
        %select_n3A_287 = arith.select %ge3A_285, %sub3A, %sub3A_286 : vector<16xi1>, vector<16xf32>
        %abs3A = math.absf %select_n3A_287 : vector<16xf32>
        %neg3A = arith.constant 0.000000e+00 : f32
        %neg3A_288 = vector.broadcast %neg3A : f32 to vector<16xf32>
        %neg3A_289 = arith.subf %neg3A_288, %abs3A : vector<16xf32>
        %exp3A = math.exp %neg3A_289 : vector<16xf32>
        %add3A_290 = arith.constant 2.000000e+00 : f32
        %add3A_291 = vector.broadcast %add3A_290 : f32 to vector<16xf32>
        %add3A_292 = arith.addf %add3A_291, %exp3A : vector<16xf32>
        %div3A = arith.divf %exp3A, %add3A_292 : vector<16xf32>
        %mul3A_293 = arith.mulf %div3A, %div3A : vector<16xf32>
        %mul3A_294 = arith.constant 0.142857149 : f32
        %mul3A_295 = vector.broadcast %mul3A_294 : f32 to vector<16xf32>
        %mul3A_296 = arith.mulf %mul3A_293, %mul3A_295 : vector<16xf32>
        %add3A_297 = arith.constant 2.000000e-01 : f32
        %add3A_298 = vector.broadcast %add3A_297 : f32 to vector<16xf32>
        %add3A_299 = arith.addf %add3A_298, %mul3A_296 : vector<16xf32>
        %mul3A_300 = arith.mulf %mul3A_293, %add3A_299 : vector<16xf32>
        %add3A_301 = arith.constant 0.333333343 : f32
        %add3A_302 = vector.broadcast %add3A_301 : f32 to vector<16xf32>
        %add3A_303 = arith.addf %add3A_302, %mul3A_300 : vector<16xf32>
        %mul3A_304 = arith.mulf %mul3A_293, %add3A_303 : vector<16xf32>
        %add3A_305 = arith.constant 1.000000e+00 : f32
        %add3A_306 = vector.broadcast %add3A_305 : f32 to vector<16xf32>
        %add3A_307 = arith.addf %add3A_306, %mul3A_304 : vector<16xf32>
        %max3A = arith.constant 0.000000e+00 : f32
        %max3A_308 = vector.broadcast %max3A : f32 to vector<16xf32>
        %max3A_309 = arith.maximumf %select_n3A_287, %max3A_308 : vector<16xf32>
        %mul3A_310 = arith.constant 2.000000e+00 : f32
        %mul3A_311 = vector.broadcast %mul3A_310 : f32 to vector<16xf32>
        %mul3A_312 = arith.mulf %mul3A_311, %div3A : vector<16xf32>
        %mul3A_313 = arith.mulf %mul3A_312, %add3A_307 : vector<16xf32>
        %add3A_314 = arith.addf %max3A_309, %mul3A_313 : vector<16xf32>
        %eq3A_315 = arith.constant 1 : i32
        %eq3A_316 = vector.broadcast %eq3A_315 : i32 to vector<16xi32>
        %eq3A_317 = arith.cmpi eq, %get3A_274, %eq3A_316 : vector<16xi32>
        %eq3A_318 = arith.constant 0 : i32
        %eq3A_319 = vector.broadcast %eq3A_318 : i32 to vector<16xi32>
        %eq3A_320 = arith.cmpi eq, %get3A_274, %eq3A_319 : vector<16xi32>
        %jit3A_321 = arith.constant 0.000000e+00 : f32
        %broadcast_in_dim3A_322 = vector.broadcast %jit3A_321 : f32 to vector<16xf32>
        %select_n3A_323 = arith.select %eq3A_317, %add3A_314, %broadcast_in_dim3A_322 : vector<16xi1>, vector<16xf32>
        %add3A_324 = arith.addf %while3A_251, %select_n3A_323 : vector<16xf32>
        %convert_element_type3A_325 = arith.extui %eq3A_317 : vector<16xi1> to vector<16xi32>
        %convert_element_type3A_326 = arith.sitofp %convert_element_type3A_325 : vector<16xi32> to vector<16xf32>
        %add3A_327 = arith.addf %while3A_252, %convert_element_type3A_326 : vector<16xf32>
        %convert_element_type3A_328 = arith.extui %eq3A_320 : vector<16xi1> to vector<16xi32>
        %convert_element_type3A_329 = arith.sitofp %convert_element_type3A_328 : vector<16xi32> to vector<16xf32>
        %add3A_330 = arith.addf %while3A_253, %convert_element_type3A_329 : vector<16xf32>
        %get3A_331 = arith.index_cast %mul3A_272 : i32 to index
        %get3A_332 = tpu.vector_load %arg17[%get3A_331] {strides = array<i32>} : memref<4096xf32, #tpu.memory_space<vmem>>, vector<16xf32>,
        %get3A_333 = arith.index_cast %mul3A_272 : i32 to index
        %get3A_334 = tpu.vector_load %arg18[%get3A_333] {strides = array<i32>} : memref<4096xf32, #tpu.memory_space<vmem>>, vector<16xf32>,
        %get3A_335 = arith.index_cast %mul3A_272 : i32 to index
        %get3A_336 = tpu.vector_load %arg14[%get3A_335] {strides = array<i32>} : memref<4096xf32, #tpu.memory_space<vmem>>, vector<16xf32>,
        %get3A_337 = arith.index_cast %mul3A_272 : i32 to index
        %get3A_338 = tpu.vector_load %arg15[%get3A_337] {strides = array<i32>} : memref<4096xf32, #tpu.memory_space<vmem>>, vector<16xf32>,
        %sub3A_339 = arith.subf %get3A_332, %get3A_336 : vector<16xf32>
        %abs3A_340 = math.absf %sub3A_339 : vector<16xf32>
        %sub3A_341 = arith.subf %get3A_334, %get3A_338 : vector<16xf32>
        %abs3A_342 = math.absf %sub3A_341 : vector<16xf32>
        %lt3A_343 = arith.constant 0.111111112 : f32
        %lt3A_344 = vector.broadcast %lt3A_343 : f32 to vector<16xf32>
        %lt3A_345 = arith.cmpf olt, %abs3A_340, %lt3A_344 : vector<16xf32>
        %mul3A_346 = arith.constant 4.500000e+00 : f32
        %mul3A_347 = vector.broadcast %mul3A_346 : f32 to vector<16xf32>
        %mul3A_348 = arith.mulf %mul3A_347, %abs3A_340 : vector<16xf32>
        %mul3A_349 = arith.mulf %mul3A_348, %abs3A_340 : vector<16xf32>
        %sub3A_350 = arith.constant 0.055555556 : f32
        %sub3A_351 = vector.broadcast %sub3A_350 : f32 to vector<16xf32>
        %sub3A_352 = arith.subf %abs3A_340, %sub3A_351 : vector<16xf32>
        %select_n3A_353 = arith.select %lt3A_345, %mul3A_349, %sub3A_352 : vector<16xi1>, vector<16xf32>
        %lt3A_354 = arith.constant 0.111111112 : f32
        %lt3A_355 = vector.broadcast %lt3A_354 : f32 to vector<16xf32>
        %lt3A_356 = arith.cmpf olt, %abs3A_342, %lt3A_355 : vector<16xf32>
        %mul3A_357 = arith.constant 4.500000e+00 : f32
        %mul3A_358 = vector.broadcast %mul3A_357 : f32 to vector<16xf32>
        %mul3A_359 = arith.mulf %mul3A_358, %abs3A_342 : vector<16xf32>
        %mul3A_360 = arith.mulf %mul3A_359, %abs3A_342 : vector<16xf32>
        %sub3A_361 = arith.constant 0.055555556 : f32
        %sub3A_362 = vector.broadcast %sub3A_361 : f32 to vector<16xf32>
        %sub3A_363 = arith.subf %abs3A_342, %sub3A_362 : vector<16xf32>
        %select_n3A_364 = arith.select %lt3A_356, %mul3A_360, %sub3A_363 : vector<16xi1>, vector<16xf32>
        %add3A_365 = arith.addf %select_n3A_353, %select_n3A_364 : vector<16xf32>
        %jit3A_366 = arith.constant 0.000000e+00 : f32
        %broadcast_in_dim3A_367 = vector.broadcast %jit3A_366 : f32 to vector<16xf32>
        %select_n3A_368 = arith.select %eq3A_279, %add3A_365, %broadcast_in_dim3A_367 : vector<16xi1>, vector<16xf32>
        %add3A_369 = arith.addf %while3A_254, %select_n3A_368 : vector<16xf32>
        %convert_element_type3A_370 = arith.extui %eq3A_279 : vector<16xi1> to vector<16xi32>
        %convert_element_type3A_371 = arith.sitofp %convert_element_type3A_370 : vector<16xi32> to vector<16xf32>
        %add3A_372 = arith.addf %while3A_255, %convert_element_type3A_371 : vector<16xf32>
        %all_reduce_population_count3A = tpu.all_reduce %eq3A_320 {dim = 0 : i64, kind = #tpu.reduction_kind<sum>} : vector<16xi1> -> vector<16xi32>
        %slice3A_373 = vector.extract_strided_slice %all_reduce_population_count3A {offsets = [0], sizes = [1], strides = [1]} : vector<16xi32> to vector<1xi32>
        %squeeze3A_374 = vector.extract %slice3A_373[0] : i32 from vector<1xi32>
        %swap3A_375 = arith.index_cast %while3A_250 : i32 to index
        %swap3A_376 = tpu.vector_load %arg29[%swap3A_375] masked %eq3A_320 {strides = array<i32>} : memref<32800xf32, #tpu.memory_space<vmem>>, vector<16xf32>, vector<16xi1>
        tpu.vector_store %arg29[%swap3A_375], %add3A_314 masked %eq3A_320 {strides = array<i32>} : memref<32800xf32, #tpu.memory_space<vmem>>, vector<16xf32>, vector<16xi1>
        %add3A_377 = arith.addi %while3A_250, %squeeze3A_374 : i32
        scf.yield %add3A_377, %add3A_324, %add3A_327, %add3A_330, %add3A_369, %add3A_372 : i32, vector<16xf32>, vector<16xf32>, vector<16xf32>, vector<16xf32>, vector<16xf32>
      }
      %dma_wait3A_188 = arith.constant 0 : i32
      %dma_wait3A_189 = tpu.memref_slice %arg2[%dma_wait3A_188] : memref<1048576xf32, #tpu.memory_space<hbm>> -> memref<4096xf32, #tpu.memory_space<hbm>>
      %dma_wait3A_190 = arith.constant 0 : i32
      %dma_wait3A_191 = tpu.memref_slice %arg2[%dma_wait3A_190] : memref<1048576xf32, #tpu.memory_space<hbm>> -> memref<4096xf32, #tpu.memory_space<hbm>>
      tpu.wait_dma2 semaphore(%arg33 : memref<!tpu.dma_semaphore, #tpu.memory_space<semaphore_mem>>) src(%dma_wait3A_191 : memref<4096xf32, #tpu.memory_space<hbm>>) dst(%arg20 : memref<4096xf32, #tpu.memory_space<vmem>>)
      %dma_wait3A_192 = arith.constant 0 : i32
      %dma_wait3A_193 = tpu.memref_slice %arg3[%dma_wait3A_192] : memref<1048576xf32, #tpu.memory_space<hbm>> -> memref<4096xf32, #tpu.memory_space<hbm>>
      %dma_wait3A_194 = arith.constant 0 : i32
      %dma_wait3A_195 = tpu.memref_slice %arg3[%dma_wait3A_194] : memref<1048576xf32, #tpu.memory_space<hbm>> -> memref<4096xf32, #tpu.memory_space<hbm>>
      tpu.wait_dma2 semaphore(%arg33 : memref<!tpu.dma_semaphore, #tpu.memory_space<semaphore_mem>>) src(%dma_wait3A_195 : memref<4096xf32, #tpu.memory_space<hbm>>) dst(%arg21 : memref<4096xf32, #tpu.memory_space<vmem>>)
      %dma_wait3A_196 = arith.constant 0 : i32
      %dma_wait3A_197 = tpu.memref_slice %arg4[%dma_wait3A_196] : memref<1048576xf32, #tpu.memory_space<hbm>> -> memref<4096xf32, #tpu.memory_space<hbm>>
      %dma_wait3A_198 = arith.constant 0 : i32
      %dma_wait3A_199 = tpu.memref_slice %arg4[%dma_wait3A_198] : memref<1048576xf32, #tpu.memory_space<hbm>> -> memref<4096xf32, #tpu.memory_space<hbm>>
      tpu.wait_dma2 semaphore(%arg33 : memref<!tpu.dma_semaphore, #tpu.memory_space<semaphore_mem>>) src(%dma_wait3A_199 : memref<4096xf32, #tpu.memory_space<hbm>>) dst(%arg22 : memref<4096xf32, #tpu.memory_space<vmem>>)
      %dma_wait3A_200 = arith.constant 0 : i32
      %dma_wait3A_201 = tpu.memref_slice %arg5[%dma_wait3A_200] : memref<1048576xf32, #tpu.memory_space<hbm>> -> memref<4096xf32, #tpu.memory_space<hbm>>
      %dma_wait3A_202 = arith.constant 0 : i32
      %dma_wait3A_203 = tpu.memref_slice %arg5[%dma_wait3A_202] : memref<1048576xf32, #tpu.memory_space<hbm>> -> memref<4096xf32, #tpu.memory_space<hbm>>
      tpu.wait_dma2 semaphore(%arg33 : memref<!tpu.dma_semaphore, #tpu.memory_space<semaphore_mem>>) src(%dma_wait3A_203 : memref<4096xf32, #tpu.memory_space<hbm>>) dst(%arg23 : memref<4096xf32, #tpu.memory_space<vmem>>)
      %dma_wait3A_204 = arith.constant 0 : i32
      %dma_wait3A_205 = tpu.memref_slice %arg6[%dma_wait3A_204] : memref<1048576xf32, #tpu.memory_space<hbm>> -> memref<4096xf32, #tpu.memory_space<hbm>>
      %dma_wait3A_206 = arith.constant 0 : i32
      %dma_wait3A_207 = tpu.memref_slice %arg6[%dma_wait3A_206] : memref<1048576xf32, #tpu.memory_space<hbm>> -> memref<4096xf32, #tpu.memory_space<hbm>>
      tpu.wait_dma2 semaphore(%arg33 : memref<!tpu.dma_semaphore, #tpu.memory_space<semaphore_mem>>) src(%dma_wait3A_207 : memref<4096xf32, #tpu.memory_space<hbm>>) dst(%arg24 : memref<4096xf32, #tpu.memory_space<vmem>>)
      %dma_wait3A_208 = arith.constant 0 : i32
      %dma_wait3A_209 = tpu.memref_slice %arg7[%dma_wait3A_208] : memref<1048576xf32, #tpu.memory_space<hbm>> -> memref<4096xf32, #tpu.memory_space<hbm>>
      %dma_wait3A_210 = arith.constant 0 : i32
      %dma_wait3A_211 = tpu.memref_slice %arg7[%dma_wait3A_210] : memref<1048576xf32, #tpu.memory_space<hbm>> -> memref<4096xf32, #tpu.memory_space<hbm>>
      tpu.wait_dma2 semaphore(%arg33 : memref<!tpu.dma_semaphore, #tpu.memory_space<semaphore_mem>>) src(%dma_wait3A_211 : memref<4096xf32, #tpu.memory_space<hbm>>) dst(%arg25 : memref<4096xf32, #tpu.memory_space<vmem>>)
      %dma_wait3A_212 = arith.constant 0 : i32
      %dma_wait3A_213 = tpu.memref_slice %arg8[%dma_wait3A_212] : memref<1048576xf32, #tpu.memory_space<hbm>> -> memref<4096xf32, #tpu.memory_space<hbm>>
      %dma_wait3A_214 = arith.constant 0 : i32
      %dma_wait3A_215 = tpu.memref_slice %arg8[%dma_wait3A_214] : memref<1048576xf32, #tpu.memory_space<hbm>> -> memref<4096xf32, #tpu.memory_space<hbm>>
      tpu.wait_dma2 semaphore(%arg33 : memref<!tpu.dma_semaphore, #tpu.memory_space<semaphore_mem>>) src(%dma_wait3A_215 : memref<4096xf32, #tpu.memory_space<hbm>>) dst(%arg26 : memref<4096xf32, #tpu.memory_space<vmem>>)
      %dma_wait3A_216 = arith.constant 0 : i32
      %dma_wait3A_217 = tpu.memref_slice %arg9[%dma_wait3A_216] : memref<1048576xi32, #tpu.memory_space<hbm>> -> memref<4096xi32, #tpu.memory_space<hbm>>
      %dma_wait3A_218 = arith.constant 0 : i32
      %dma_wait3A_219 = tpu.memref_slice %arg9[%dma_wait3A_218] : memref<1048576xi32, #tpu.memory_space<hbm>> -> memref<4096xi32, #tpu.memory_space<hbm>>
      tpu.wait_dma2 semaphore(%arg33 : memref<!tpu.dma_semaphore, #tpu.memory_space<semaphore_mem>>) src(%dma_wait3A_219 : memref<4096xi32, #tpu.memory_space<hbm>>) dst(%arg27 : memref<4096xi32, #tpu.memory_space<vmem>>)
      %mul3A_220 = arith.constant 2 : i32
      %mul3A_221 = arith.muli %mul3A_220, %scan3A_107 : i32
      %add3A_222 = arith.constant 2 : i32
      %add3A_223 = arith.addi %mul3A_221, %add3A_222 : i32
      %lt3A = arith.constant 8 : i32
      %lt3A_224 = arith.cmpi slt, %add3A_223, %lt3A : i32
      %convert_element_type3A_225 = arith.extui %lt3A_224 : i1 to i32
      %cond3A_226 = arith.constant 0 : i32
      %cond3A_227 = arith.cmpi ne, %convert_element_type3A_225, %cond3A_226 : i32
      scf.if %cond3A_227 {
        %mul3A_249 = arith.constant 2 : i32
        %mul3A_250 = arith.muli %mul3A_249, %scan3A_107 : i32
        %add3A_251 = arith.constant 2 : i32
        %add3A_252 = arith.addi %mul3A_250, %add3A_251 : i32
        %mul3A_253 = arith.constant 32768 : i32
        %mul3A_254 = arith.muli %add3A, %mul3A_253 : i32
        %mul3A_255 = arith.constant 4096 : i32
        %mul3A_256 = arith.muli %add3A_252, %mul3A_255 : i32
        %add3A_257 = arith.addi %mul3A_254, %mul3A_256 : i32
        %dma_start3A_258 = tpu.memref_slice %arg2[%add3A_257] : memref<1048576xf32, #tpu.memory_space<hbm>> -> memref<4096xf32, #tpu.memory_space<hbm>>
        %dma_start3A_259 = tpu.memref_slice %arg2[%add3A_257] : memref<1048576xf32, #tpu.memory_space<hbm>> -> memref<4096xf32, #tpu.memory_space<hbm>>
        tpu.enqueue_dma source(%dma_start3A_259 : memref<4096xf32, #tpu.memory_space<hbm>>) target(%arg12 : memref<4096xf32, #tpu.memory_space<vmem>>) target_semaphore(%arg32 : memref<!tpu.dma_semaphore, #tpu.memory_space<semaphore_mem>>)
        %dma_start3A_260 = tpu.memref_slice %arg3[%add3A_257] : memref<1048576xf32, #tpu.memory_space<hbm>> -> memref<4096xf32, #tpu.memory_space<hbm>>
        %dma_start3A_261 = tpu.memref_slice %arg3[%add3A_257] : memref<1048576xf32, #tpu.memory_space<hbm>> -> memref<4096xf32, #tpu.memory_space<hbm>>
        tpu.enqueue_dma source(%dma_start3A_261 : memref<4096xf32, #tpu.memory_space<hbm>>) target(%arg13 : memref<4096xf32, #tpu.memory_space<vmem>>) target_semaphore(%arg32 : memref<!tpu.dma_semaphore, #tpu.memory_space<semaphore_mem>>)
        %dma_start3A_262 = tpu.memref_slice %arg4[%add3A_257] : memref<1048576xf32, #tpu.memory_space<hbm>> -> memref<4096xf32, #tpu.memory_space<hbm>>
        %dma_start3A_263 = tpu.memref_slice %arg4[%add3A_257] : memref<1048576xf32, #tpu.memory_space<hbm>> -> memref<4096xf32, #tpu.memory_space<hbm>>
        tpu.enqueue_dma source(%dma_start3A_263 : memref<4096xf32, #tpu.memory_space<hbm>>) target(%arg14 : memref<4096xf32, #tpu.memory_space<vmem>>) target_semaphore(%arg32 : memref<!tpu.dma_semaphore, #tpu.memory_space<semaphore_mem>>)
        %dma_start3A_264 = tpu.memref_slice %arg5[%add3A_257] : memref<1048576xf32, #tpu.memory_space<hbm>> -> memref<4096xf32, #tpu.memory_space<hbm>>
        %dma_start3A_265 = tpu.memref_slice %arg5[%add3A_257] : memref<1048576xf32, #tpu.memory_space<hbm>> -> memref<4096xf32, #tpu.memory_space<hbm>>
        tpu.enqueue_dma source(%dma_start3A_265 : memref<4096xf32, #tpu.memory_space<hbm>>) target(%arg15 : memref<4096xf32, #tpu.memory_space<vmem>>) target_semaphore(%arg32 : memref<!tpu.dma_semaphore, #tpu.memory_space<semaphore_mem>>)
        %dma_start3A_266 = tpu.memref_slice %arg6[%add3A_257] : memref<1048576xf32, #tpu.memory_space<hbm>> -> memref<4096xf32, #tpu.memory_space<hbm>>
        %dma_start3A_267 = tpu.memref_slice %arg6[%add3A_257] : memref<1048576xf32, #tpu.memory_space<hbm>> -> memref<4096xf32, #tpu.memory_space<hbm>>
        tpu.enqueue_dma source(%dma_start3A_267 : memref<4096xf32, #tpu.memory_space<hbm>>) target(%arg16 : memref<4096xf32, #tpu.memory_space<vmem>>) target_semaphore(%arg32 : memref<!tpu.dma_semaphore, #tpu.memory_space<semaphore_mem>>)
        %dma_start3A_268 = tpu.memref_slice %arg7[%add3A_257] : memref<1048576xf32, #tpu.memory_space<hbm>> -> memref<4096xf32, #tpu.memory_space<hbm>>
        %dma_start3A_269 = tpu.memref_slice %arg7[%add3A_257] : memref<1048576xf32, #tpu.memory_space<hbm>> -> memref<4096xf32, #tpu.memory_space<hbm>>
        tpu.enqueue_dma source(%dma_start3A_269 : memref<4096xf32, #tpu.memory_space<hbm>>) target(%arg17 : memref<4096xf32, #tpu.memory_space<vmem>>) target_semaphore(%arg32 : memref<!tpu.dma_semaphore, #tpu.memory_space<semaphore_mem>>)
        %dma_start3A_270 = tpu.memref_slice %arg8[%add3A_257] : memref<1048576xf32, #tpu.memory_space<hbm>> -> memref<4096xf32, #tpu.memory_space<hbm>>
        %dma_start3A_271 = tpu.memref_slice %arg8[%add3A_257] : memref<1048576xf32, #tpu.memory_space<hbm>> -> memref<4096xf32, #tpu.memory_space<hbm>>
        tpu.enqueue_dma source(%dma_start3A_271 : memref<4096xf32, #tpu.memory_space<hbm>>) target(%arg18 : memref<4096xf32, #tpu.memory_space<vmem>>) target_semaphore(%arg32 : memref<!tpu.dma_semaphore, #tpu.memory_space<semaphore_mem>>)
        %dma_start3A_272 = tpu.memref_slice %arg9[%add3A_257] : memref<1048576xi32, #tpu.memory_space<hbm>> -> memref<4096xi32, #tpu.memory_space<hbm>>
        %dma_start3A_273 = tpu.memref_slice %arg9[%add3A_257] : memref<1048576xi32, #tpu.memory_space<hbm>> -> memref<4096xi32, #tpu.memory_space<hbm>>
        tpu.enqueue_dma source(%dma_start3A_273 : memref<4096xi32, #tpu.memory_space<hbm>>) target(%arg19 : memref<4096xi32, #tpu.memory_space<vmem>>) target_semaphore(%arg32 : memref<!tpu.dma_semaphore, #tpu.memory_space<semaphore_mem>>)
      } else {
      }
      %broadcast_in_dim3A_228 = arith.constant 0 : i32
      %broadcast_in_dim3A_229 = vector.broadcast %broadcast_in_dim3A_228 : i32 to vector<16xi32>
      %scan3A_230 = arith.constant 0 : i32
      %scan3A_231 = arith.constant 256 : i32
      %scan3A_232 = arith.addi %scan3A_230, %scan3A_231 : i32
      %scan3A_233 = arith.constant 1 : i32
      %scan3A_234 = scf.for %scan3A_249 = %scan3A_230 to %scan3A_232 step %scan3A_233 iter_args(%scan3A_250 = %broadcast_in_dim3A_229) -> (vector<16xi32>)  : i32 {
        %mul3A_251 = arith.constant 16 : i32
        %mul3A_252 = arith.muli %scan3A_249, %mul3A_251 : i32
        %get3A = arith.index_cast %mul3A_252 : i32 to index
        %get3A_253 = tpu.vector_load %arg27[%get3A] {strides = array<i32>} : memref<4096xi32, #tpu.memory_space<vmem>>, vector<16xi32>,
        %get3A_254 = arith.index_cast %mul3A_252 : i32 to index
        %get3A_255 = tpu.vector_load %arg24[%get3A_254] {strides = array<i32>} : memref<4096xf32, #tpu.memory_space<vmem>>, vector<16xf32>,
        %le3A_256 = arith.constant 1 : i32
        %le3A_257 = vector.broadcast %le3A_256 : i32 to vector<16xi32>
        %le3A_258 = arith.cmpi sle, %get3A_253, %le3A_257 : vector<16xi32>
        %eq3A_259 = arith.constant 1.000000e+00 : f32
        %eq3A_260 = vector.broadcast %eq3A_259 : f32 to vector<16xf32>
        %eq3A_261 = arith.cmpf oeq, %get3A_255, %eq3A_260 : vector<16xf32>
        %or3A = arith.ori %le3A_258, %eq3A_261 : vector<16xi1>
        %all_reduce_population_count3A = tpu.all_reduce %or3A {dim = 0 : i64, kind = #tpu.reduction_kind<sum>} : vector<16xi1> -> vector<16xi32>
        %gt3A_262 = arith.constant 0 : i32
        %gt3A_263 = vector.broadcast %gt3A_262 : i32 to vector<16xi32>
        %gt3A_264 = arith.cmpi sgt, %all_reduce_population_count3A, %gt3A_263 : vector<16xi32>
        %eq3A_265 = arith.constant 0 : i32
        %eq3A_266 = vector.broadcast %eq3A_265 : i32 to vector<16xi32>
        %eq3A_267 = arith.cmpi eq, %iota3A, %eq3A_266 : vector<16xi32>
        %and3A = arith.andi %gt3A_264, %eq3A_267 : vector<16xi1>
        %slice3A_268 = vector.extract_strided_slice %scan3A_250 {offsets = [0], sizes = [1], strides = [1]} : vector<16xi32> to vector<1xi32>
        %squeeze3A_269 = vector.extract %slice3A_268[0] : i32 from vector<1xi32>
        %broadcast_in_dim3A_270 = vector.broadcast %scan3A_249 : i32 to vector<16xi32>
        %swap3A_271 = arith.index_cast %squeeze3A_269 : i32 to index
        %swap3A_272 = tpu.vector_load %arg28[%swap3A_271] masked %and3A {strides = array<i32>} : memref<272xi32, #tpu.memory_space<vmem>>, vector<16xi32>, vector<16xi1>
        tpu.vector_store %arg28[%swap3A_271], %broadcast_in_dim3A_270 masked %and3A {strides = array<i32>} : memref<272xi32, #tpu.memory_space<vmem>>, vector<16xi32>, vector<16xi1>
        %convert_element_type3A_273 = arith.extui %gt3A_264 : vector<16xi1> to vector<16xi32>
        %add3A_274 = arith.addi %scan3A_250, %convert_element_type3A_273 : vector<16xi32>
        scf.yield %add3A_274 : vector<16xi32>
      }
      %scan3A_235 = arith.constant 256 : i32
      %slice3A_236 = vector.extract_strided_slice %scan3A_234 {offsets = [0], sizes = [1], strides = [1]} : vector<16xi32> to vector<1xi32>
      %squeeze3A_237 = vector.extract %slice3A_236[0] : i32 from vector<1xi32>
      %while3A_238 = arith.constant 0 : i32
      %while3A_239 = arith.subi %squeeze3A_237, %while3A_238 : i32
      %while3A_240 = arith.addi %while3A_238, %while3A_239 : i32
      %while3A_241 = arith.constant 1 : i32
      %while3A_242 = arith.divsi %while3A_239, %while3A_241 : i32
      %while3A_243 = arith.muli %while3A_242, %while3A_241 : i32
      %while3A_244 = arith.addi %while3A_238, %while3A_243 : i32
      %while3A_245 = arith.constant 1 : i32
      %while3A_246:6 = scf.for %while3A_249 = %while3A_238 to %while3A_244 step %while3A_245 iter_args(%while3A_250 = %while3A_187#0, %while3A_251 = %while3A_187#1, %while3A_252 = %while3A_187#2, %while3A_253 = %while3A_187#3, %while3A_254 = %while3A_187#4, %while3A_255 = %while3A_187#5) -> (i32, vector<16xf32>, vector<16xf32>, vector<16xf32>, vector<16xf32>, vector<16xf32>)  : i32 {
        %shift_right_arithmetic3A_256 = arith.constant 4 : i32
        %shift_right_arithmetic3A_257 = arith.shrsi %while3A_249, %shift_right_arithmetic3A_256 : i32
        %mul3A_258 = arith.constant 16 : i32
        %mul3A_259 = arith.muli %shift_right_arithmetic3A_257, %mul3A_258 : i32
        %get3A = arith.index_cast %mul3A_259 : i32 to index
        %get3A_260 = tpu.vector_load %arg28[%get3A] {strides = array<i32>} : memref<272xi32, #tpu.memory_space<vmem>>, vector<16xi32>,
        %and3A = arith.constant 15 : i32
        %and3A_261 = arith.andi %while3A_249, %and3A : i32
        %eq3A_262 = vector.broadcast %and3A_261 : i32 to vector<16xi32>
        %eq3A_263 = arith.cmpi eq, %iota3A, %eq3A_262 : vector<16xi32>
        %jit3A_264 = arith.constant 0 : i32
        %broadcast_in_dim3A_265 = vector.broadcast %jit3A_264 : i32 to vector<16xi32>
        %select_n3A_266 = arith.select %eq3A_263, %get3A_260, %broadcast_in_dim3A_265 : vector<16xi1>, vector<16xi32>
        %reduce_sum3A_267 = arith.constant true
        %reduce_sum3A_268 = vector.broadcast %reduce_sum3A_267 : i1 to vector<16xi1>
        %reduce_sum3A_269 = tpu.scan <sum>, %select_n3A_266 masked %reduce_sum3A_268 : vector<16xi32>, vector<16xi1> -> vector<16xi32>
        %reduce_sum3A_270 = vector.extract %reduce_sum3A_269[15] : i32 from vector<16xi32>
        %mul3A_271 = arith.constant 16 : i32
        %mul3A_272 = arith.muli %reduce_sum3A_270, %mul3A_271 : i32
        %get3A_273 = arith.index_cast %mul3A_272 : i32 to index
        %get3A_274 = tpu.vector_load %arg27[%get3A_273] {strides = array<i32>} : memref<4096xi32, #tpu.memory_space<vmem>>, vector<16xi32>,
        %get3A_275 = arith.index_cast %mul3A_272 : i32 to index
        %get3A_276 = tpu.vector_load %arg24[%get3A_275] {strides = array<i32>} : memref<4096xf32, #tpu.memory_space<vmem>>, vector<16xf32>,
        %eq3A_277 = arith.constant 1.000000e+00 : f32
        %eq3A_278 = vector.broadcast %eq3A_277 : f32 to vector<16xf32>
        %eq3A_279 = arith.cmpf oeq, %get3A_276, %eq3A_278 : vector<16xf32>
        %get3A_280 = arith.index_cast %mul3A_272 : i32 to index
        %get3A_281 = tpu.vector_load %arg20[%get3A_280] {strides = array<i32>} : memref<4096xf32, #tpu.memory_space<vmem>>, vector<16xf32>,
        %get3A_282 = arith.index_cast %mul3A_272 : i32 to index
        %get3A_283 = tpu.vector_load %arg21[%get3A_282] {strides = array<i32>} : memref<4096xf32, #tpu.memory_space<vmem>>, vector<16xf32>,
        %ge3A = arith.constant 1 : i32
        %ge3A_284 = vector.broadcast %ge3A : i32 to vector<16xi32>
        %ge3A_285 = arith.cmpi sge, %get3A_274, %ge3A_284 : vector<16xi32>
        %sub3A = arith.subf %get3A_281, %get3A_283 : vector<16xf32>
        %sub3A_286 = arith.subf %get3A_283, %get3A_281 : vector<16xf32>
        %select_n3A_287 = arith.select %ge3A_285, %sub3A, %sub3A_286 : vector<16xi1>, vector<16xf32>
        %abs3A = math.absf %select_n3A_287 : vector<16xf32>
        %neg3A = arith.constant 0.000000e+00 : f32
        %neg3A_288 = vector.broadcast %neg3A : f32 to vector<16xf32>
        %neg3A_289 = arith.subf %neg3A_288, %abs3A : vector<16xf32>
        %exp3A = math.exp %neg3A_289 : vector<16xf32>
        %add3A_290 = arith.constant 2.000000e+00 : f32
        %add3A_291 = vector.broadcast %add3A_290 : f32 to vector<16xf32>
        %add3A_292 = arith.addf %add3A_291, %exp3A : vector<16xf32>
        %div3A = arith.divf %exp3A, %add3A_292 : vector<16xf32>
        %mul3A_293 = arith.mulf %div3A, %div3A : vector<16xf32>
        %mul3A_294 = arith.constant 0.142857149 : f32
        %mul3A_295 = vector.broadcast %mul3A_294 : f32 to vector<16xf32>
        %mul3A_296 = arith.mulf %mul3A_293, %mul3A_295 : vector<16xf32>
        %add3A_297 = arith.constant 2.000000e-01 : f32
        %add3A_298 = vector.broadcast %add3A_297 : f32 to vector<16xf32>
        %add3A_299 = arith.addf %add3A_298, %mul3A_296 : vector<16xf32>
        %mul3A_300 = arith.mulf %mul3A_293, %add3A_299 : vector<16xf32>
        %add3A_301 = arith.constant 0.333333343 : f32
        %add3A_302 = vector.broadcast %add3A_301 : f32 to vector<16xf32>
        %add3A_303 = arith.addf %add3A_302, %mul3A_300 : vector<16xf32>
        %mul3A_304 = arith.mulf %mul3A_293, %add3A_303 : vector<16xf32>
        %add3A_305 = arith.constant 1.000000e+00 : f32
        %add3A_306 = vector.broadcast %add3A_305 : f32 to vector<16xf32>
        %add3A_307 = arith.addf %add3A_306, %mul3A_304 : vector<16xf32>
        %max3A = arith.constant 0.000000e+00 : f32
        %max3A_308 = vector.broadcast %max3A : f32 to vector<16xf32>
        %max3A_309 = arith.maximumf %select_n3A_287, %max3A_308 : vector<16xf32>
        %mul3A_310 = arith.constant 2.000000e+00 : f32
        %mul3A_311 = vector.broadcast %mul3A_310 : f32 to vector<16xf32>
        %mul3A_312 = arith.mulf %mul3A_311, %div3A : vector<16xf32>
        %mul3A_313 = arith.mulf %mul3A_312, %add3A_307 : vector<16xf32>
        %add3A_314 = arith.addf %max3A_309, %mul3A_313 : vector<16xf32>
        %eq3A_315 = arith.constant 1 : i32
        %eq3A_316 = vector.broadcast %eq3A_315 : i32 to vector<16xi32>
        %eq3A_317 = arith.cmpi eq, %get3A_274, %eq3A_316 : vector<16xi32>
        %eq3A_318 = arith.constant 0 : i32
        %eq3A_319 = vector.broadcast %eq3A_318 : i32 to vector<16xi32>
        %eq3A_320 = arith.cmpi eq, %get3A_274, %eq3A_319 : vector<16xi32>
        %jit3A_321 = arith.constant 0.000000e+00 : f32
        %broadcast_in_dim3A_322 = vector.broadcast %jit3A_321 : f32 to vector<16xf32>
        %select_n3A_323 = arith.select %eq3A_317, %add3A_314, %broadcast_in_dim3A_322 : vector<16xi1>, vector<16xf32>
        %add3A_324 = arith.addf %while3A_251, %select_n3A_323 : vector<16xf32>
        %convert_element_type3A_325 = arith.extui %eq3A_317 : vector<16xi1> to vector<16xi32>
        %convert_element_type3A_326 = arith.sitofp %convert_element_type3A_325 : vector<16xi32> to vector<16xf32>
        %add3A_327 = arith.addf %while3A_252, %convert_element_type3A_326 : vector<16xf32>
        %convert_element_type3A_328 = arith.extui %eq3A_320 : vector<16xi1> to vector<16xi32>
        %convert_element_type3A_329 = arith.sitofp %convert_element_type3A_328 : vector<16xi32> to vector<16xf32>
        %add3A_330 = arith.addf %while3A_253, %convert_element_type3A_329 : vector<16xf32>
        %get3A_331 = arith.index_cast %mul3A_272 : i32 to index
        %get3A_332 = tpu.vector_load %arg25[%get3A_331] {strides = array<i32>} : memref<4096xf32, #tpu.memory_space<vmem>>, vector<16xf32>,
        %get3A_333 = arith.index_cast %mul3A_272 : i32 to index
        %get3A_334 = tpu.vector_load %arg26[%get3A_333] {strides = array<i32>} : memref<4096xf32, #tpu.memory_space<vmem>>, vector<16xf32>,
        %get3A_335 = arith.index_cast %mul3A_272 : i32 to index
        %get3A_336 = tpu.vector_load %arg22[%get3A_335] {strides = array<i32>} : memref<4096xf32, #tpu.memory_space<vmem>>, vector<16xf32>,
        %get3A_337 = arith.index_cast %mul3A_272 : i32 to index
        %get3A_338 = tpu.vector_load %arg23[%get3A_337] {strides = array<i32>} : memref<4096xf32, #tpu.memory_space<vmem>>, vector<16xf32>,
        %sub3A_339 = arith.subf %get3A_332, %get3A_336 : vector<16xf32>
        %abs3A_340 = math.absf %sub3A_339 : vector<16xf32>
        %sub3A_341 = arith.subf %get3A_334, %get3A_338 : vector<16xf32>
        %abs3A_342 = math.absf %sub3A_341 : vector<16xf32>
        %lt3A_343 = arith.constant 0.111111112 : f32
        %lt3A_344 = vector.broadcast %lt3A_343 : f32 to vector<16xf32>
        %lt3A_345 = arith.cmpf olt, %abs3A_340, %lt3A_344 : vector<16xf32>
        %mul3A_346 = arith.constant 4.500000e+00 : f32
        %mul3A_347 = vector.broadcast %mul3A_346 : f32 to vector<16xf32>
        %mul3A_348 = arith.mulf %mul3A_347, %abs3A_340 : vector<16xf32>
        %mul3A_349 = arith.mulf %mul3A_348, %abs3A_340 : vector<16xf32>
        %sub3A_350 = arith.constant 0.055555556 : f32
        %sub3A_351 = vector.broadcast %sub3A_350 : f32 to vector<16xf32>
        %sub3A_352 = arith.subf %abs3A_340, %sub3A_351 : vector<16xf32>
        %select_n3A_353 = arith.select %lt3A_345, %mul3A_349, %sub3A_352 : vector<16xi1>, vector<16xf32>
        %lt3A_354 = arith.constant 0.111111112 : f32
        %lt3A_355 = vector.broadcast %lt3A_354 : f32 to vector<16xf32>
        %lt3A_356 = arith.cmpf olt, %abs3A_342, %lt3A_355 : vector<16xf32>
        %mul3A_357 = arith.constant 4.500000e+00 : f32
        %mul3A_358 = vector.broadcast %mul3A_357 : f32 to vector<16xf32>
        %mul3A_359 = arith.mulf %mul3A_358, %abs3A_342 : vector<16xf32>
        %mul3A_360 = arith.mulf %mul3A_359, %abs3A_342 : vector<16xf32>
        %sub3A_361 = arith.constant 0.055555556 : f32
        %sub3A_362 = vector.broadcast %sub3A_361 : f32 to vector<16xf32>
        %sub3A_363 = arith.subf %abs3A_342, %sub3A_362 : vector<16xf32>
        %select_n3A_364 = arith.select %lt3A_356, %mul3A_360, %sub3A_363 : vector<16xi1>, vector<16xf32>
        %add3A_365 = arith.addf %select_n3A_353, %select_n3A_364 : vector<16xf32>
        %jit3A_366 = arith.constant 0.000000e+00 : f32
        %broadcast_in_dim3A_367 = vector.broadcast %jit3A_366 : f32 to vector<16xf32>
        %select_n3A_368 = arith.select %eq3A_279, %add3A_365, %broadcast_in_dim3A_367 : vector<16xi1>, vector<16xf32>
        %add3A_369 = arith.addf %while3A_254, %select_n3A_368 : vector<16xf32>
        %convert_element_type3A_370 = arith.extui %eq3A_279 : vector<16xi1> to vector<16xi32>
        %convert_element_type3A_371 = arith.sitofp %convert_element_type3A_370 : vector<16xi32> to vector<16xf32>
        %add3A_372 = arith.addf %while3A_255, %convert_element_type3A_371 : vector<16xf32>
        %all_reduce_population_count3A = tpu.all_reduce %eq3A_320 {dim = 0 : i64, kind = #tpu.reduction_kind<sum>} : vector<16xi1> -> vector<16xi32>
        %slice3A_373 = vector.extract_strided_slice %all_reduce_population_count3A {offsets = [0], sizes = [1], strides = [1]} : vector<16xi32> to vector<1xi32>
        %squeeze3A_374 = vector.extract %slice3A_373[0] : i32 from vector<1xi32>
        %swap3A_375 = arith.index_cast %while3A_250 : i32 to index
        %swap3A_376 = tpu.vector_load %arg29[%swap3A_375] masked %eq3A_320 {strides = array<i32>} : memref<32800xf32, #tpu.memory_space<vmem>>, vector<16xf32>, vector<16xi1>
        tpu.vector_store %arg29[%swap3A_375], %add3A_314 masked %eq3A_320 {strides = array<i32>} : memref<32800xf32, #tpu.memory_space<vmem>>, vector<16xf32>, vector<16xi1>
        %add3A_377 = arith.addi %while3A_250, %squeeze3A_374 : i32
        scf.yield %add3A_377, %add3A_324, %add3A_327, %add3A_330, %add3A_369, %add3A_372 : i32, vector<16xf32>, vector<16xf32>, vector<16xf32>, vector<16xf32>, vector<16xf32>
      }
      %while3A_247 = arith.constant 1 : i32
      %while3A_248:6 = scf.for %while3A_249 = %while3A_244 to %while3A_240 step %while3A_247 iter_args(%while3A_250 = %while3A_246#0, %while3A_251 = %while3A_246#1, %while3A_252 = %while3A_246#2, %while3A_253 = %while3A_246#3, %while3A_254 = %while3A_246#4, %while3A_255 = %while3A_246#5) -> (i32, vector<16xf32>, vector<16xf32>, vector<16xf32>, vector<16xf32>, vector<16xf32>)  : i32 {
        %shift_right_arithmetic3A_256 = arith.constant 4 : i32
        %shift_right_arithmetic3A_257 = arith.shrsi %while3A_249, %shift_right_arithmetic3A_256 : i32
        %mul3A_258 = arith.constant 16 : i32
        %mul3A_259 = arith.muli %shift_right_arithmetic3A_257, %mul3A_258 : i32
        %get3A = arith.index_cast %mul3A_259 : i32 to index
        %get3A_260 = tpu.vector_load %arg28[%get3A] {strides = array<i32>} : memref<272xi32, #tpu.memory_space<vmem>>, vector<16xi32>,
        %and3A = arith.constant 15 : i32
        %and3A_261 = arith.andi %while3A_249, %and3A : i32
        %eq3A_262 = vector.broadcast %and3A_261 : i32 to vector<16xi32>
        %eq3A_263 = arith.cmpi eq, %iota3A, %eq3A_262 : vector<16xi32>
        %jit3A_264 = arith.constant 0 : i32
        %broadcast_in_dim3A_265 = vector.broadcast %jit3A_264 : i32 to vector<16xi32>
        %select_n3A_266 = arith.select %eq3A_263, %get3A_260, %broadcast_in_dim3A_265 : vector<16xi1>, vector<16xi32>
        %reduce_sum3A_267 = arith.constant true
        %reduce_sum3A_268 = vector.broadcast %reduce_sum3A_267 : i1 to vector<16xi1>
        %reduce_sum3A_269 = tpu.scan <sum>, %select_n3A_266 masked %reduce_sum3A_268 : vector<16xi32>, vector<16xi1> -> vector<16xi32>
        %reduce_sum3A_270 = vector.extract %reduce_sum3A_269[15] : i32 from vector<16xi32>
        %mul3A_271 = arith.constant 16 : i32
        %mul3A_272 = arith.muli %reduce_sum3A_270, %mul3A_271 : i32
        %get3A_273 = arith.index_cast %mul3A_272 : i32 to index
        %get3A_274 = tpu.vector_load %arg27[%get3A_273] {strides = array<i32>} : memref<4096xi32, #tpu.memory_space<vmem>>, vector<16xi32>,
        %get3A_275 = arith.index_cast %mul3A_272 : i32 to index
        %get3A_276 = tpu.vector_load %arg24[%get3A_275] {strides = array<i32>} : memref<4096xf32, #tpu.memory_space<vmem>>, vector<16xf32>,
        %eq3A_277 = arith.constant 1.000000e+00 : f32
        %eq3A_278 = vector.broadcast %eq3A_277 : f32 to vector<16xf32>
        %eq3A_279 = arith.cmpf oeq, %get3A_276, %eq3A_278 : vector<16xf32>
        %get3A_280 = arith.index_cast %mul3A_272 : i32 to index
        %get3A_281 = tpu.vector_load %arg20[%get3A_280] {strides = array<i32>} : memref<4096xf32, #tpu.memory_space<vmem>>, vector<16xf32>,
        %get3A_282 = arith.index_cast %mul3A_272 : i32 to index
        %get3A_283 = tpu.vector_load %arg21[%get3A_282] {strides = array<i32>} : memref<4096xf32, #tpu.memory_space<vmem>>, vector<16xf32>,
        %ge3A = arith.constant 1 : i32
        %ge3A_284 = vector.broadcast %ge3A : i32 to vector<16xi32>
        %ge3A_285 = arith.cmpi sge, %get3A_274, %ge3A_284 : vector<16xi32>
        %sub3A = arith.subf %get3A_281, %get3A_283 : vector<16xf32>
        %sub3A_286 = arith.subf %get3A_283, %get3A_281 : vector<16xf32>
        %select_n3A_287 = arith.select %ge3A_285, %sub3A, %sub3A_286 : vector<16xi1>, vector<16xf32>
        %abs3A = math.absf %select_n3A_287 : vector<16xf32>
        %neg3A = arith.constant 0.000000e+00 : f32
        %neg3A_288 = vector.broadcast %neg3A : f32 to vector<16xf32>
        %neg3A_289 = arith.subf %neg3A_288, %abs3A : vector<16xf32>
        %exp3A = math.exp %neg3A_289 : vector<16xf32>
        %add3A_290 = arith.constant 2.000000e+00 : f32
        %add3A_291 = vector.broadcast %add3A_290 : f32 to vector<16xf32>
        %add3A_292 = arith.addf %add3A_291, %exp3A : vector<16xf32>
        %div3A = arith.divf %exp3A, %add3A_292 : vector<16xf32>
        %mul3A_293 = arith.mulf %div3A, %div3A : vector<16xf32>
        %mul3A_294 = arith.constant 0.142857149 : f32
        %mul3A_295 = vector.broadcast %mul3A_294 : f32 to vector<16xf32>
        %mul3A_296 = arith.mulf %mul3A_293, %mul3A_295 : vector<16xf32>
        %add3A_297 = arith.constant 2.000000e-01 : f32
        %add3A_298 = vector.broadcast %add3A_297 : f32 to vector<16xf32>
        %add3A_299 = arith.addf %add3A_298, %mul3A_296 : vector<16xf32>
        %mul3A_300 = arith.mulf %mul3A_293, %add3A_299 : vector<16xf32>
        %add3A_301 = arith.constant 0.333333343 : f32
        %add3A_302 = vector.broadcast %add3A_301 : f32 to vector<16xf32>
        %add3A_303 = arith.addf %add3A_302, %mul3A_300 : vector<16xf32>
        %mul3A_304 = arith.mulf %mul3A_293, %add3A_303 : vector<16xf32>
        %add3A_305 = arith.constant 1.000000e+00 : f32
        %add3A_306 = vector.broadcast %add3A_305 : f32 to vector<16xf32>
        %add3A_307 = arith.addf %add3A_306, %mul3A_304 : vector<16xf32>
        %max3A = arith.constant 0.000000e+00 : f32
        %max3A_308 = vector.broadcast %max3A : f32 to vector<16xf32>
        %max3A_309 = arith.maximumf %select_n3A_287, %max3A_308 : vector<16xf32>
        %mul3A_310 = arith.constant 2.000000e+00 : f32
        %mul3A_311 = vector.broadcast %mul3A_310 : f32 to vector<16xf32>
        %mul3A_312 = arith.mulf %mul3A_311, %div3A : vector<16xf32>
        %mul3A_313 = arith.mulf %mul3A_312, %add3A_307 : vector<16xf32>
        %add3A_314 = arith.addf %max3A_309, %mul3A_313 : vector<16xf32>
        %eq3A_315 = arith.constant 1 : i32
        %eq3A_316 = vector.broadcast %eq3A_315 : i32 to vector<16xi32>
        %eq3A_317 = arith.cmpi eq, %get3A_274, %eq3A_316 : vector<16xi32>
        %eq3A_318 = arith.constant 0 : i32
        %eq3A_319 = vector.broadcast %eq3A_318 : i32 to vector<16xi32>
        %eq3A_320 = arith.cmpi eq, %get3A_274, %eq3A_319 : vector<16xi32>
        %jit3A_321 = arith.constant 0.000000e+00 : f32
        %broadcast_in_dim3A_322 = vector.broadcast %jit3A_321 : f32 to vector<16xf32>
        %select_n3A_323 = arith.select %eq3A_317, %add3A_314, %broadcast_in_dim3A_322 : vector<16xi1>, vector<16xf32>
        %add3A_324 = arith.addf %while3A_251, %select_n3A_323 : vector<16xf32>
        %convert_element_type3A_325 = arith.extui %eq3A_317 : vector<16xi1> to vector<16xi32>
        %convert_element_type3A_326 = arith.sitofp %convert_element_type3A_325 : vector<16xi32> to vector<16xf32>
        %add3A_327 = arith.addf %while3A_252, %convert_element_type3A_326 : vector<16xf32>
        %convert_element_type3A_328 = arith.extui %eq3A_320 : vector<16xi1> to vector<16xi32>
        %convert_element_type3A_329 = arith.sitofp %convert_element_type3A_328 : vector<16xi32> to vector<16xf32>
        %add3A_330 = arith.addf %while3A_253, %convert_element_type3A_329 : vector<16xf32>
        %get3A_331 = arith.index_cast %mul3A_272 : i32 to index
        %get3A_332 = tpu.vector_load %arg25[%get3A_331] {strides = array<i32>} : memref<4096xf32, #tpu.memory_space<vmem>>, vector<16xf32>,
        %get3A_333 = arith.index_cast %mul3A_272 : i32 to index
        %get3A_334 = tpu.vector_load %arg26[%get3A_333] {strides = array<i32>} : memref<4096xf32, #tpu.memory_space<vmem>>, vector<16xf32>,
        %get3A_335 = arith.index_cast %mul3A_272 : i32 to index
        %get3A_336 = tpu.vector_load %arg22[%get3A_335] {strides = array<i32>} : memref<4096xf32, #tpu.memory_space<vmem>>, vector<16xf32>,
        %get3A_337 = arith.index_cast %mul3A_272 : i32 to index
        %get3A_338 = tpu.vector_load %arg23[%get3A_337] {strides = array<i32>} : memref<4096xf32, #tpu.memory_space<vmem>>, vector<16xf32>,
        %sub3A_339 = arith.subf %get3A_332, %get3A_336 : vector<16xf32>
        %abs3A_340 = math.absf %sub3A_339 : vector<16xf32>
        %sub3A_341 = arith.subf %get3A_334, %get3A_338 : vector<16xf32>
        %abs3A_342 = math.absf %sub3A_341 : vector<16xf32>
        %lt3A_343 = arith.constant 0.111111112 : f32
        %lt3A_344 = vector.broadcast %lt3A_343 : f32 to vector<16xf32>
        %lt3A_345 = arith.cmpf olt, %abs3A_340, %lt3A_344 : vector<16xf32>
        %mul3A_346 = arith.constant 4.500000e+00 : f32
        %mul3A_347 = vector.broadcast %mul3A_346 : f32 to vector<16xf32>
        %mul3A_348 = arith.mulf %mul3A_347, %abs3A_340 : vector<16xf32>
        %mul3A_349 = arith.mulf %mul3A_348, %abs3A_340 : vector<16xf32>
        %sub3A_350 = arith.constant 0.055555556 : f32
        %sub3A_351 = vector.broadcast %sub3A_350 : f32 to vector<16xf32>
        %sub3A_352 = arith.subf %abs3A_340, %sub3A_351 : vector<16xf32>
        %select_n3A_353 = arith.select %lt3A_345, %mul3A_349, %sub3A_352 : vector<16xi1>, vector<16xf32>
        %lt3A_354 = arith.constant 0.111111112 : f32
        %lt3A_355 = vector.broadcast %lt3A_354 : f32 to vector<16xf32>
        %lt3A_356 = arith.cmpf olt, %abs3A_342, %lt3A_355 : vector<16xf32>
        %mul3A_357 = arith.constant 4.500000e+00 : f32
        %mul3A_358 = vector.broadcast %mul3A_357 : f32 to vector<16xf32>
        %mul3A_359 = arith.mulf %mul3A_358, %abs3A_342 : vector<16xf32>
        %mul3A_360 = arith.mulf %mul3A_359, %abs3A_342 : vector<16xf32>
        %sub3A_361 = arith.constant 0.055555556 : f32
        %sub3A_362 = vector.broadcast %sub3A_361 : f32 to vector<16xf32>
        %sub3A_363 = arith.subf %abs3A_342, %sub3A_362 : vector<16xf32>
        %select_n3A_364 = arith.select %lt3A_356, %mul3A_360, %sub3A_363 : vector<16xi1>, vector<16xf32>
        %add3A_365 = arith.addf %select_n3A_353, %select_n3A_364 : vector<16xf32>
        %jit3A_366 = arith.constant 0.000000e+00 : f32
        %broadcast_in_dim3A_367 = vector.broadcast %jit3A_366 : f32 to vector<16xf32>
        %select_n3A_368 = arith.select %eq3A_279, %add3A_365, %broadcast_in_dim3A_367 : vector<16xi1>, vector<16xf32>
        %add3A_369 = arith.addf %while3A_254, %select_n3A_368 : vector<16xf32>
        %convert_element_type3A_370 = arith.extui %eq3A_279 : vector<16xi1> to vector<16xi32>
        %convert_element_type3A_371 = arith.sitofp %convert_element_type3A_370 : vector<16xi32> to vector<16xf32>
        %add3A_372 = arith.addf %while3A_255, %convert_element_type3A_371 : vector<16xf32>
        %all_reduce_population_count3A = tpu.all_reduce %eq3A_320 {dim = 0 : i64, kind = #tpu.reduction_kind<sum>} : vector<16xi1> -> vector<16xi32>
        %slice3A_373 = vector.extract_strided_slice %all_reduce_population_count3A {offsets = [0], sizes = [1], strides = [1]} : vector<16xi32> to vector<1xi32>
        %squeeze3A_374 = vector.extract %slice3A_373[0] : i32 from vector<1xi32>
        %swap3A_375 = arith.index_cast %while3A_250 : i32 to index
        %swap3A_376 = tpu.vector_load %arg29[%swap3A_375] masked %eq3A_320 {strides = array<i32>} : memref<32800xf32, #tpu.memory_space<vmem>>, vector<16xf32>, vector<16xi1>
        tpu.vector_store %arg29[%swap3A_375], %add3A_314 masked %eq3A_320 {strides = array<i32>} : memref<32800xf32, #tpu.memory_space<vmem>>, vector<16xf32>, vector<16xi1>
        %add3A_377 = arith.addi %while3A_250, %squeeze3A_374 : i32
        scf.yield %add3A_377, %add3A_324, %add3A_327, %add3A_330, %add3A_369, %add3A_372 : i32, vector<16xf32>, vector<16xf32>, vector<16xf32>, vector<16xf32>, vector<16xf32>
      }
      scf.yield %while3A_248#0, %while3A_248#1, %while3A_248#2, %while3A_248#3, %while3A_248#4, %while3A_248#5 : i32, vector<16xf32>, vector<16xf32>, vector<16xf32>, vector<16xf32>, vector<16xf32>
    }
    %scan3A_35 = arith.constant 4 : i32
    %swap3A = arith.index_cast %scan3A_34#0 : i32 to index
    %swap3A_36 = tpu.vector_load %arg29[%swap3A] {strides = array<i32>} : memref<32800xf32, #tpu.memory_space<vmem>>, vector<16xf32>,
    tpu.vector_store %arg29[%swap3A], %broadcast_in_dim3A_1 {strides = array<i32>} : memref<32800xf32, #tpu.memory_space<vmem>>, vector<16xf32>,
    %add3A_37 = arith.constant 15 : i32
    %add3A_38 = arith.addi %scan3A_34#0, %add3A_37 : i32
    %shift_right_arithmetic3A = arith.constant 4 : i32
    %shift_right_arithmetic3A_39 = arith.shrsi %add3A_38, %shift_right_arithmetic3A : i32
    %le3A = arith.constant 256 : i32
    %le3A_40 = arith.cmpi sle, %scan3A_34#0, %le3A : i32
    %convert_element_type3A = arith.extui %le3A_40 : i1 to i32
    %cond3A = arith.constant 0 : i32
    %cond3A_41 = arith.cmpi ne, %convert_element_type3A, %cond3A : i32
    scf.if %cond3A_41 {
      %scan3A_107 = arith.constant 0 : i32
      %scan3A_108 = arith.constant 0 : i32
      %scan3A_109 = arith.constant 18 : i32
      %scan3A_110 = arith.addi %scan3A_108, %scan3A_109 : i32
      %scan3A_111 = arith.constant 1 : i32
      %scan3A_112 = scf.for %scan3A_114 = %scan3A_108 to %scan3A_110 step %scan3A_111 iter_args(%scan3A_115 = %scan3A_107) -> (i32)  : i32 {
        %mul3A_116 = arith.constant 16 : i32
        %mul3A_117 = arith.muli %scan3A_114, %mul3A_116 : i32
        %get3A = arith.index_cast %mul3A_117 : i32 to index
        %get3A_118 = tpu.vector_load %arg29[%get3A] {strides = array<i32>} : memref<32800xf32, #tpu.memory_space<vmem>>, vector<16xf32>,
        %mul3A_119 = arith.constant 16 : i32
        %mul3A_120 = arith.muli %scan3A_114, %mul3A_119 : i32
        %swap3A_121 = arith.index_cast %mul3A_120 : i32 to index
        %swap3A_122 = tpu.vector_load %arg30[%swap3A_121] {strides = array<i32>} : memref<304xf32, #tpu.memory_space<vmem>>, vector<16xf32>,
        tpu.vector_store %arg30[%swap3A_121], %get3A_118 {strides = array<i32>} : memref<304xf32, #tpu.memory_space<vmem>>, vector<16xf32>,
        %scan3A_123 = arith.constant 0 : i32
        scf.yield %scan3A_123 : i32
      }
      %scan3A_113 = arith.constant 18 : i32
    } else {
    }
    %gt3A = arith.constant 256 : i32
    %gt3A_42 = arith.cmpi sgt, %scan3A_34#0, %gt3A : i32
    %convert_element_type3A_43 = arith.extui %gt3A_42 : i1 to i32
    %cond3A_44 = arith.constant 0 : i32
    %cond3A_45 = arith.cmpi ne, %convert_element_type3A_43, %cond3A_44 : i32
    scf.if %cond3A_45 {
      %scan3A_107 = arith.constant 0 : i32
      %scan3A_108 = arith.constant 2139095040 : i32
      %scan3A_109 = arith.constant 0 : i32
      %scan3A_110 = arith.constant 31 : i32
      %scan3A_111 = arith.addi %scan3A_109, %scan3A_110 : i32
      %scan3A_112 = arith.constant 1 : i32
      %scan3A_113:2 = scf.for %scan3A_135 = %scan3A_109 to %scan3A_111 step %scan3A_112 iter_args(%scan3A_136 = %scan3A_107, %scan3A_137 = %scan3A_108) -> (i32, i32)  : i32 {
        %add3A_138 = arith.addi %scan3A_136, %scan3A_137 : i32
        %shift_right_arithmetic3A_139 = arith.constant 1 : i32
        %shift_right_arithmetic3A_140 = arith.shrsi %add3A_138, %shift_right_arithmetic3A_139 : i32
        %broadcast_in_dim3A_141 = vector.broadcast %shift_right_arithmetic3A_140 : i32 to vector<16xi32>
        %bitcast3A_142 = vector.bitcast %broadcast_in_dim3A_141 : vector<16xi32> to vector<16xf32>
        %broadcast_in_dim3A_143 = arith.constant 0 : i32
        %broadcast_in_dim3A_144 = vector.broadcast %broadcast_in_dim3A_143 : i32 to vector<16xi32>
        %while3A_145 = arith.constant 0 : i32
        %while3A_146 = arith.subi %shift_right_arithmetic3A_39, %while3A_145 : i32
        %while3A_147 = arith.addi %while3A_145, %while3A_146 : i32
        %while3A_148 = arith.constant 1 : i32
        %while3A_149 = arith.divsi %while3A_146, %while3A_148 : i32
        %while3A_150 = arith.muli %while3A_149, %while3A_148 : i32
        %while3A_151 = arith.addi %while3A_145, %while3A_150 : i32
        %while3A_152 = arith.constant 1 : i32
        %while3A_153 = scf.for %while3A_163 = %while3A_145 to %while3A_151 step %while3A_152 iter_args(%while3A_164 = %broadcast_in_dim3A_144) -> (vector<16xi32>)  : i32 {
          %mul3A_165 = arith.constant 16 : i32
          %mul3A_166 = arith.muli %while3A_163, %mul3A_165 : i32
          %get3A = arith.index_cast %mul3A_166 : i32 to index
          %get3A_167 = tpu.vector_load %arg29[%get3A] {strides = array<i32>} : memref<32800xf32, #tpu.memory_space<vmem>>, vector<16xf32>,
          %ge3A_168 = arith.cmpf oge, %get3A_167, %bitcast3A_142 : vector<16xf32>
          %jit3A_169 = arith.constant 1 : i32
          %jit3A_170 = arith.constant 0 : i32
          %broadcast_in_dim3A_171 = vector.broadcast %jit3A_169 : i32 to vector<16xi32>
          %broadcast_in_dim3A_172 = vector.broadcast %jit3A_170 : i32 to vector<16xi32>
          %select_n3A_173 = arith.select %ge3A_168, %broadcast_in_dim3A_171, %broadcast_in_dim3A_172 : vector<16xi1>, vector<16xi32>
          %add3A_174 = arith.addi %while3A_164, %select_n3A_173 : vector<16xi32>
          scf.yield %add3A_174 : vector<16xi32>
        }
        %while3A_154 = arith.constant 1 : i32
        %while3A_155 = scf.for %while3A_163 = %while3A_151 to %while3A_147 step %while3A_154 iter_args(%while3A_164 = %while3A_153) -> (vector<16xi32>)  : i32 {
          %mul3A_165 = arith.constant 16 : i32
          %mul3A_166 = arith.muli %while3A_163, %mul3A_165 : i32
          %get3A = arith.index_cast %mul3A_166 : i32 to index
          %get3A_167 = tpu.vector_load %arg29[%get3A] {strides = array<i32>} : memref<32800xf32, #tpu.memory_space<vmem>>, vector<16xf32>,
          %ge3A_168 = arith.cmpf oge, %get3A_167, %bitcast3A_142 : vector<16xf32>
          %jit3A_169 = arith.constant 1 : i32
          %jit3A_170 = arith.constant 0 : i32
          %broadcast_in_dim3A_171 = vector.broadcast %jit3A_169 : i32 to vector<16xi32>
          %broadcast_in_dim3A_172 = vector.broadcast %jit3A_170 : i32 to vector<16xi32>
          %select_n3A_173 = arith.select %ge3A_168, %broadcast_in_dim3A_171, %broadcast_in_dim3A_172 : vector<16xi1>, vector<16xi32>
          %add3A_174 = arith.addi %while3A_164, %select_n3A_173 : vector<16xi32>
          scf.yield %add3A_174 : vector<16xi32>
        }
        %reduce_sum3A_156 = arith.constant true
        %reduce_sum3A_157 = vector.broadcast %reduce_sum3A_156 : i1 to vector<16xi1>
        %reduce_sum3A_158 = tpu.scan <sum>, %while3A_155 masked %reduce_sum3A_157 : vector<16xi32>, vector<16xi1> -> vector<16xi32>
        %reduce_sum3A_159 = vector.extract %reduce_sum3A_158[15] : i32 from vector<16xi32>
        %ge3A = arith.constant 256 : i32
        %ge3A_160 = arith.cmpi sge, %reduce_sum3A_159, %ge3A : i32
        %select_n3A_161 = arith.select %ge3A_160, %shift_right_arithmetic3A_140, %scan3A_136 : i32
        %select_n3A_162 = arith.select %ge3A_160, %scan3A_137, %shift_right_arithmetic3A_140 : i32
        scf.yield %select_n3A_161, %select_n3A_162 : i32, i32
      }
      %scan3A_114 = arith.constant 31 : i32
      %broadcast_in_dim3A_115 = vector.broadcast %scan3A_113#0 : i32 to vector<16xi32>
      %bitcast3A = vector.bitcast %broadcast_in_dim3A_115 : vector<16xi32> to vector<16xf32>
      %while3A = arith.constant 0 : i32
      %while3A_116 = arith.constant 0 : i32
      %while3A_117 = arith.subi %shift_right_arithmetic3A_39, %while3A : i32
      %while3A_118 = arith.addi %while3A, %while3A_117 : i32
      %while3A_119 = arith.constant 1 : i32
      %while3A_120 = arith.divsi %while3A_117, %while3A_119 : i32
      %while3A_121 = arith.muli %while3A_120, %while3A_119 : i32
      %while3A_122 = arith.addi %while3A, %while3A_121 : i32
      %while3A_123 = arith.constant 1 : i32
      %while3A_124 = scf.for %while3A_135 = %while3A to %while3A_122 step %while3A_123 iter_args(%while3A_136 = %while3A_116) -> (i32)  : i32 {
        %mul3A_137 = arith.constant 16 : i32
        %mul3A_138 = arith.muli %while3A_135, %mul3A_137 : i32
        %get3A = arith.index_cast %mul3A_138 : i32 to index
        %get3A_139 = tpu.vector_load %arg29[%get3A] {strides = array<i32>} : memref<32800xf32, #tpu.memory_space<vmem>>, vector<16xf32>,
        %gt3A_140 = arith.cmpf ogt, %get3A_139, %bitcast3A : vector<16xf32>
        %all_reduce_population_count3A = tpu.all_reduce %gt3A_140 {dim = 0 : i64, kind = #tpu.reduction_kind<sum>} : vector<16xi1> -> vector<16xi32>
        %slice3A = vector.extract_strided_slice %all_reduce_population_count3A {offsets = [0], sizes = [1], strides = [1]} : vector<16xi32> to vector<1xi32>
        %squeeze3A = vector.extract %slice3A[0] : i32 from vector<1xi32>
        %swap3A_141 = arith.index_cast %while3A_136 : i32 to index
        %swap3A_142 = tpu.vector_load %arg30[%swap3A_141] masked %gt3A_140 {strides = array<i32>} : memref<304xf32, #tpu.memory_space<vmem>>, vector<16xf32>, vector<16xi1>
        tpu.vector_store %arg30[%swap3A_141], %get3A_139 masked %gt3A_140 {strides = array<i32>} : memref<304xf32, #tpu.memory_space<vmem>>, vector<16xf32>, vector<16xi1>
        %add3A_143 = arith.addi %while3A_136, %squeeze3A : i32
        scf.yield %add3A_143 : i32
      }
      %while3A_125 = arith.constant 1 : i32
      %while3A_126 = scf.for %while3A_135 = %while3A_122 to %while3A_118 step %while3A_125 iter_args(%while3A_136 = %while3A_124) -> (i32)  : i32 {
        %mul3A_137 = arith.constant 16 : i32
        %mul3A_138 = arith.muli %while3A_135, %mul3A_137 : i32
        %get3A = arith.index_cast %mul3A_138 : i32 to index
        %get3A_139 = tpu.vector_load %arg29[%get3A] {strides = array<i32>} : memref<32800xf32, #tpu.memory_space<vmem>>, vector<16xf32>,
        %gt3A_140 = arith.cmpf ogt, %get3A_139, %bitcast3A : vector<16xf32>
        %all_reduce_population_count3A = tpu.all_reduce %gt3A_140 {dim = 0 : i64, kind = #tpu.reduction_kind<sum>} : vector<16xi1> -> vector<16xi32>
        %slice3A = vector.extract_strided_slice %all_reduce_population_count3A {offsets = [0], sizes = [1], strides = [1]} : vector<16xi32> to vector<1xi32>
        %squeeze3A = vector.extract %slice3A[0] : i32 from vector<1xi32>
        %swap3A_141 = arith.index_cast %while3A_136 : i32 to index
        %swap3A_142 = tpu.vector_load %arg30[%swap3A_141] masked %gt3A_140 {strides = array<i32>} : memref<304xf32, #tpu.memory_space<vmem>>, vector<16xf32>, vector<16xi1>
        tpu.vector_store %arg30[%swap3A_141], %get3A_139 masked %gt3A_140 {strides = array<i32>} : memref<304xf32, #tpu.memory_space<vmem>>, vector<16xf32>, vector<16xi1>
        %add3A_143 = arith.addi %while3A_136, %squeeze3A : i32
        scf.yield %add3A_143 : i32
      }
      %sub3A = arith.constant 256 : i32
      %sub3A_127 = arith.subi %sub3A, %while3A_126 : i32
      %scan3A_128 = arith.constant 0 : i32
      %scan3A_129 = arith.constant 0 : i32
      %scan3A_130 = arith.constant 16 : i32
      %scan3A_131 = arith.addi %scan3A_129, %scan3A_130 : i32
      %scan3A_132 = arith.constant 1 : i32
      %scan3A_133 = scf.for %scan3A_135 = %scan3A_129 to %scan3A_131 step %scan3A_132 iter_args(%scan3A_136 = %scan3A_128) -> (i32)  : i32 {
        %mul3A_137 = arith.constant 16 : i32
        %mul3A_138 = arith.muli %scan3A_135, %mul3A_137 : i32
        %add3A_139 = vector.broadcast %mul3A_138 : i32 to vector<16xi32>
        %add3A_140 = arith.addi %iota3A, %add3A_139 : vector<16xi32>
        %lt3A = vector.broadcast %sub3A_127 : i32 to vector<16xi32>
        %lt3A_141 = arith.cmpi slt, %add3A_140, %lt3A : vector<16xi32>
        %mul3A_142 = arith.constant 16 : i32
        %mul3A_143 = arith.muli %scan3A_135, %mul3A_142 : i32
        %add3A_144 = arith.addi %while3A_126, %mul3A_143 : i32
        %min3A = arith.constant 288 : i32
        %min3A_145 = arith.minsi %add3A_144, %min3A : i32
        %swap3A_146 = arith.index_cast %min3A_145 : i32 to index
        %swap3A_147 = tpu.vector_load %arg30[%swap3A_146] masked %lt3A_141 {strides = array<i32>} : memref<304xf32, #tpu.memory_space<vmem>>, vector<16xf32>, vector<16xi1>
        tpu.vector_store %arg30[%swap3A_146], %bitcast3A masked %lt3A_141 {strides = array<i32>} : memref<304xf32, #tpu.memory_space<vmem>>, vector<16xf32>, vector<16xi1>
        %scan3A_148 = arith.constant 0 : i32
        scf.yield %scan3A_148 : i32
      }
      %scan3A_134 = arith.constant 16 : i32
    } else {
    }
    %reduce_sum3A = arith.constant true
    %reduce_sum3A_46 = vector.broadcast %reduce_sum3A : i1 to vector<16xi1>
    %reduce_sum3A_47 = tpu.scan <sum>, %scan3A_34#1 masked %reduce_sum3A_46 : vector<16xf32>, vector<16xi1> -> vector<16xf32>
    %reduce_sum3A_48 = vector.extract %reduce_sum3A_47[15] : f32 from vector<16xf32>
    %reduce_sum3A_49 = arith.constant true
    %reduce_sum3A_50 = vector.broadcast %reduce_sum3A_49 : i1 to vector<16xi1>
    %reduce_sum3A_51 = tpu.scan <sum>, %scan3A_34#2 masked %reduce_sum3A_50 : vector<16xf32>, vector<16xi1> -> vector<16xf32>
    %reduce_sum3A_52 = vector.extract %reduce_sum3A_51[15] : f32 from vector<16xf32>
    %reduce_sum3A_53 = arith.constant true
    %reduce_sum3A_54 = vector.broadcast %reduce_sum3A_53 : i1 to vector<16xi1>
    %reduce_sum3A_55 = tpu.scan <sum>, %scan3A_34#3 masked %reduce_sum3A_54 : vector<16xf32>, vector<16xi1> -> vector<16xf32>
    %reduce_sum3A_56 = vector.extract %reduce_sum3A_55[15] : f32 from vector<16xf32>
    %reduce_sum3A_57 = arith.constant true
    %reduce_sum3A_58 = vector.broadcast %reduce_sum3A_57 : i1 to vector<16xi1>
    %reduce_sum3A_59 = tpu.scan <sum>, %scan3A_34#4 masked %reduce_sum3A_58 : vector<16xf32>, vector<16xi1> -> vector<16xf32>
    %reduce_sum3A_60 = vector.extract %reduce_sum3A_59[15] : f32 from vector<16xf32>
    %reduce_sum3A_61 = arith.constant true
    %reduce_sum3A_62 = vector.broadcast %reduce_sum3A_61 : i1 to vector<16xi1>
    %reduce_sum3A_63 = tpu.scan <sum>, %scan3A_34#5 masked %reduce_sum3A_62 : vector<16xf32>, vector<16xi1> -> vector<16xf32>
    %reduce_sum3A_64 = vector.extract %reduce_sum3A_63[15] : f32 from vector<16xf32>
    %eq3A = arith.constant 0 : i32
    %eq3A_65 = vector.broadcast %eq3A : i32 to vector<16xi32>
    %eq3A_66 = arith.cmpi eq, %iota3A, %eq3A_65 : vector<16xi32>
    %jit3A = arith.constant 0.000000e+00 : f32
    %broadcast_in_dim3A_67 = vector.broadcast %reduce_sum3A_48 : f32 to vector<16xf32>
    %broadcast_in_dim3A_68 = vector.broadcast %jit3A : f32 to vector<16xf32>
    %select_n3A = arith.select %eq3A_66, %broadcast_in_dim3A_67, %broadcast_in_dim3A_68 : vector<16xi1>, vector<16xf32>
    %eq3A_69 = arith.constant 1 : i32
    %eq3A_70 = vector.broadcast %eq3A_69 : i32 to vector<16xi32>
    %eq3A_71 = arith.cmpi eq, %iota3A, %eq3A_70 : vector<16xi32>
    %jit3A_72 = arith.constant 0.000000e+00 : f32
    %broadcast_in_dim3A_73 = vector.broadcast %reduce_sum3A_52 : f32 to vector<16xf32>
    %broadcast_in_dim3A_74 = vector.broadcast %jit3A_72 : f32 to vector<16xf32>
    %select_n3A_75 = arith.select %eq3A_71, %broadcast_in_dim3A_73, %broadcast_in_dim3A_74 : vector<16xi1>, vector<16xf32>
    %add3A_76 = arith.addf %select_n3A, %select_n3A_75 : vector<16xf32>
    %eq3A_77 = arith.constant 2 : i32
    %eq3A_78 = vector.broadcast %eq3A_77 : i32 to vector<16xi32>
    %eq3A_79 = arith.cmpi eq, %iota3A, %eq3A_78 : vector<16xi32>
    %jit3A_80 = arith.constant 0.000000e+00 : f32
    %broadcast_in_dim3A_81 = vector.broadcast %reduce_sum3A_56 : f32 to vector<16xf32>
    %broadcast_in_dim3A_82 = vector.broadcast %jit3A_80 : f32 to vector<16xf32>
    %select_n3A_83 = arith.select %eq3A_79, %broadcast_in_dim3A_81, %broadcast_in_dim3A_82 : vector<16xi1>, vector<16xf32>
    %add3A_84 = arith.addf %add3A_76, %select_n3A_83 : vector<16xf32>
    %eq3A_85 = arith.constant 3 : i32
    %eq3A_86 = vector.broadcast %eq3A_85 : i32 to vector<16xi32>
    %eq3A_87 = arith.cmpi eq, %iota3A, %eq3A_86 : vector<16xi32>
    %jit3A_88 = arith.constant 0.000000e+00 : f32
    %broadcast_in_dim3A_89 = vector.broadcast %reduce_sum3A_60 : f32 to vector<16xf32>
    %broadcast_in_dim3A_90 = vector.broadcast %jit3A_88 : f32 to vector<16xf32>
    %select_n3A_91 = arith.select %eq3A_87, %broadcast_in_dim3A_89, %broadcast_in_dim3A_90 : vector<16xi1>, vector<16xf32>
    %add3A_92 = arith.addf %add3A_84, %select_n3A_91 : vector<16xf32>
    %eq3A_93 = arith.constant 4 : i32
    %eq3A_94 = vector.broadcast %eq3A_93 : i32 to vector<16xi32>
    %eq3A_95 = arith.cmpi eq, %iota3A, %eq3A_94 : vector<16xi32>
    %jit3A_96 = arith.constant 0.000000e+00 : f32
    %broadcast_in_dim3A_97 = vector.broadcast %reduce_sum3A_64 : f32 to vector<16xf32>
    %broadcast_in_dim3A_98 = vector.broadcast %jit3A_96 : f32 to vector<16xf32>
    %select_n3A_99 = arith.select %eq3A_95, %broadcast_in_dim3A_97, %broadcast_in_dim3A_98 : vector<16xi1>, vector<16xf32>
    %add3A_100 = arith.addf %add3A_92, %select_n3A_99 : vector<16xf32>
    %swap3A_101 = arith.constant 0 : index
    %swap3A_102 = tpu.vector_load %arg31[%swap3A_101] {strides = array<i32>} : memref<16xf32, #tpu.memory_space<vmem>>, vector<16xf32>,
    tpu.vector_store %arg31[%swap3A_101], %add3A_100 {strides = array<i32>} : memref<16xf32, #tpu.memory_space<vmem>>, vector<16xf32>,
    %mul3A_103 = arith.constant 16 : i32
    %mul3A_104 = arith.muli %add3A, %mul3A_103 : i32
    "tpu.region"() ({
      %run_scoped3A = tpu.sem_alloc : memref<!tpu.dma_semaphore, #tpu.memory_space<semaphore_mem>>
      %dma_start3A_107 = tpu.memref_slice %arg11[%mul3A_104] : memref<512xf32, #tpu.memory_space<hbm>> -> memref<16xf32, #tpu.memory_space<hbm>>
      %dma_start3A_108 = tpu.memref_slice %arg11[%mul3A_104] : memref<512xf32, #tpu.memory_space<hbm>> -> memref<16xf32, #tpu.memory_space<hbm>>
      tpu.enqueue_dma source(%arg31 : memref<16xf32, #tpu.memory_space<vmem>>) target(%dma_start3A_108 : memref<16xf32, #tpu.memory_space<hbm>>) target_semaphore(%run_scoped3A : memref<!tpu.dma_semaphore, #tpu.memory_space<semaphore_mem>>)
      %dma_wait3A = tpu.memref_slice %arg11[%mul3A_104] : memref<512xf32, #tpu.memory_space<hbm>> -> memref<16xf32, #tpu.memory_space<hbm>>
      %dma_wait3A_109 = tpu.memref_slice %arg11[%mul3A_104] : memref<512xf32, #tpu.memory_space<hbm>> -> memref<16xf32, #tpu.memory_space<hbm>>
      tpu.wait_dma2 semaphore(%run_scoped3A : memref<!tpu.dma_semaphore, #tpu.memory_space<semaphore_mem>>) src(%arg31 : memref<16xf32, #tpu.memory_space<vmem>>) dst(%dma_wait3A_109 : memref<16xf32, #tpu.memory_space<hbm>>)
      tpu.yield
    }) : () -> ()
    %mul3A_105 = arith.constant 288 : i32
    %mul3A_106 = arith.muli %add3A, %mul3A_105 : i32
    "tpu.region"() ({
      %run_scoped3A = tpu.sem_alloc : memref<!tpu.dma_semaphore, #tpu.memory_space<semaphore_mem>>
      %dma_start3A_107 = arith.constant 0 : i32
      %dma_start3A_108 = tpu.memref_slice %arg30[%dma_start3A_107] : memref<304xf32, #tpu.memory_space<vmem>> -> memref<288xf32, #tpu.memory_space<vmem>>
      %dma_start3A_109 = tpu.memref_slice %arg10[%mul3A_106] : memref<9216xf32, #tpu.memory_space<hbm>> -> memref<288xf32, #tpu.memory_space<hbm>>
      %dma_start3A_110 = tpu.memref_slice %arg10[%mul3A_106] : memref<9216xf32, #tpu.memory_space<hbm>> -> memref<288xf32, #tpu.memory_space<hbm>>
      %dma_start3A_111 = arith.constant 0 : i32
      %dma_start3A_112 = tpu.memref_slice %arg30[%dma_start3A_111] : memref<304xf32, #tpu.memory_space<vmem>> -> memref<288xf32, #tpu.memory_space<vmem>>
      tpu.enqueue_dma source(%dma_start3A_112 : memref<288xf32, #tpu.memory_space<vmem>>) target(%dma_start3A_110 : memref<288xf32, #tpu.memory_space<hbm>>) target_semaphore(%run_scoped3A : memref<!tpu.dma_semaphore, #tpu.memory_space<semaphore_mem>>)
      %dma_wait3A = arith.constant 0 : i32
      %dma_wait3A_113 = tpu.memref_slice %arg30[%dma_wait3A] : memref<304xf32, #tpu.memory_space<vmem>> -> memref<288xf32, #tpu.memory_space<vmem>>
      %dma_wait3A_114 = tpu.memref_slice %arg10[%mul3A_106] : memref<9216xf32, #tpu.memory_space<hbm>> -> memref<288xf32, #tpu.memory_space<hbm>>
      %dma_wait3A_115 = tpu.memref_slice %arg10[%mul3A_106] : memref<9216xf32, #tpu.memory_space<hbm>> -> memref<288xf32, #tpu.memory_space<hbm>>
      %dma_wait3A_116 = arith.constant 0 : i32
      %dma_wait3A_117 = tpu.memref_slice %arg30[%dma_wait3A_116] : memref<304xf32, #tpu.memory_space<vmem>> -> memref<288xf32, #tpu.memory_space<vmem>>
      tpu.wait_dma2 semaphore(%run_scoped3A : memref<!tpu.dma_semaphore, #tpu.memory_space<semaphore_mem>>) src(%dma_wait3A_117 : memref<288xf32, #tpu.memory_space<vmem>>) dst(%dma_wait3A_115 : memref<288xf32, #tpu.memory_space<hbm>>)
      tpu.yield
    }) : () -> ()
    return
  }
}

</mosaic_0001>

<sc_bundles>
// kernel: kernel.4.cloned.1.call-start
scs
__scs_entry_jumppad:
0x0: {  	(pc) =	sbr.rel $0x88, $3  }
0x1: {  	(tag) =	ssettag $0x0;
	lr =	simm.s32 $0x1  }
0x2: {  	[smem:$0x3F9D] =	sst lr;
	_ =	strace $0xD0000000  }
0x3: {  	_ = 	snop  }
0x4: {  	_ = 	snop  }
0x5: {  	_ = 	snop  }
0x6: {  	_ = 	snop  }
0x7: {  	_ = 	snop  }
__scs_overlays_trampoline_lowered:
0x8: {  	[smem:$0x3FAC] =	sst s0  }
0x9: {  	[smem:$0x3FAD] =	sst s1  }
0xa: {  	[smem:$0x3FAE] =	sst s2  }
0xb: {  	[smem:$0x3FAF] =	sst s3  }
0xc: {  	[smem:$0x3FB0] =	sst s4  }
0xd: {  	[smem:$0x3FB1] =	sst s5  }
0xe: {  	[smem:$0x3FB2] =	sst s6  }
0xf: {  	[smem:$0x3FB3] =	sst s7  }
0x10: {  	[smem:$0x3FB4] =	sst s8  }
0x11: {  	[smem:$0x3FB5] =	sst s9;
	s0 =	simm.s32 @!p0 $0x0  }
0x12: {  	s1 =	sld [smem:$0x3F9B];
	s0 =	simm.s32 @p0 $0x1  }
0x13: {  	[smem:$0x3FB6] =	sst s0;
	s0 =	simm.s32 @!p1 $0x0  }
0x14: {  	s2 =	sld [smem:$0x3F9A];
	s0 =	simm.s32 @p1 $0x1  }
0x15: {  	[smem:$0x3FB7] =	sst s0;
	s0 =	simm.s32 @!p2 $0x0  }
0x16: {  	s3 =	sld [smem:$0x3FDB];
	s0 =	simm.s32 @p2 $0x1  }
0x17: {  	s4 =	simm.s32 $0x1BF5;
	[smem:$0x3FB9] =	sst s0  }
0x18: {  	s0 =	sld [smem:$0x3F9C];
	_ =	swait.ge [sflag:s4], $0x0  }
0x19: {  	s7 =	sld [smem:$0x3F9D]  }
0x1a: {  	s8 =	sadd.s32 $0xFFFFE003, lr  }
0x1b: {  	s9 =	sadd.s32 $0xFFFFFEF7, lr;
	s5 =	simm.s32 $0xFFFFFFFF;
	p2 =	slt.u32 s8, $0xFFFFF086  }
0x1c: {  	p1 =	slt.u32 s9, $0xF7A;
	s5 =	simm.s32 @!p2 $0x0  }
0x1d: {  	s5 =	simm.s32 @p1 $0x1;
	p0 =	seq.s32 s7, s2  }
0x1e: {  	s7 =	smul.u32 @!p0 $0xF7A, s2;
	p2 =	seq.s32 @!p0 s5, $0x0  }
0x1f: {  	s9 =	smul.u32 $0xF7A, s1;
	s8 =	simm.s32 @!p0 $0x1BF5;
	p2 =	por !p2, p0  }
0x20: {  	[sflag:s8] =	ssyncset.s32 @!p0 $0xFFFFF086;
	s6 =	sadd.s32 @!p0 s3, s7;
	s7 =	simm.s32 @!p0 $0x108  }
0x21: {  	s3 =	sadd.s32 s3, s9;
	s6 =	sadd.s32 @!p0 $0x88, s6;
	s7 =	simm.s32 @p2 $0x1082  }
0x22: {  	[simem:s7], [sflag:s8] =	dma.local @!p0 [hbm:s6], $0xF7A  }
0x23: {  	s9 =	sor.u32 $0xD0000000, s2;
	s6 =	simm.s32 $0x108;
	_ =	swait.ge @!p0 [sflag:s8], $0x0  }
0x24: {  	s3 =	sadd.s32 $0x88, s3;
	s6 =	simm.s32 @!p1 $0x1082;
	[sflag:s4] =	ssyncset.s32 $0xFFFFF086  }
0x25: {  	[simem:s6], [sflag:s4] =	dma.local [hbm:s3], $0xF7A  }
0x26: {  	[smem:$0x3F9D] =	sst s1;
	(tag) =	ssettag s2;
	_ =	strace s9  }
0x27: {  	s1 =	sld [smem:$0x3FAD]  }
0x28: {  	s2 =	sld [smem:$0x3FAE]  }
0x29: {  	s4 =	sld [smem:$0x3FB0]  }
0x2a: {  	p0 =	seq.s32 s5, $0x0;
	s5 =	sld [smem:$0x3FB1]  }
0x2b: {  	s6 =	sld [smem:$0x3FB2]  }
0x2c: {  	s7 =	sld [smem:$0x3FB3]  }
0x2d: {  	s3 =	simm.s32 $0x108;
	s8 =	sld [smem:$0x3FB4]  }
0x2e: {  	s3 =	simm.s32 @!p0 $0x1082;
	s9 =	sld [smem:$0x3FB5]  }
0x2f: {  	lr =	sadd.s32 s0, s3;
	s0 =	sld [smem:$0x3FAC]  }
0x30: {  	s3 =	sld [smem:$0x3FAF]  }
0x31: {  	[smem:$0x3FB8] =	sst s10  }
0x32: {  	s10 =	sld [smem:$0x3FB6];
	_ =	sdelay $0x3  }
0x33: {  	p0 =	seq.s32 s10, $0x1;
	s10 =	sld [smem:$0x3FB8];
	_ =	sdelay $0x3  }
0x34: {  	[smem:$0x3FB8] =	sst s10  }
0x35: {  	s10 =	sld [smem:$0x3FB7];
	_ =	sdelay $0x3  }
0x36: {  	p1 =	seq.s32 s10, $0x1;
	s10 =	sld [smem:$0x3FB8];
	_ =	sdelay $0x3  }
0x37: {  	[smem:$0x3FB8] =	sst s10  }
0x38: {  	s10 =	sld [smem:$0x3FB9]  }
0x39: {  	_ = 	snop;
	(pc) =	sbr.ind lr, $3  }
0x3a: {  	_ = 	snop  }
0x3b: {  	_ = 	snop  }
0x3c: {  	p2 =	seq.s32 s10, $0x1;
	s10 =	sld [smem:$0x3FB8]  }
0x3d: {  	_ =	shalt  }
0x3e: {  	_ =	shalt  }
0x3f: {  	_ =	shalt  }
0x40: {  	_ =	shalt  }
0x41: {  	_ =	shalt  }
0x42: {  	_ =	shalt  }
0x43: {  	_ =	shalt  }
0x44: {  	_ =	shalt  }
0x45: {  	_ =	shalt  }
0x46: {  	_ =	shalt  }
0x47: {  	_ =	shalt  }
0x48: {  	_ =	shalt  }
0x49: {  	_ =	shalt  }
0x4a: {  	_ =	shalt  }
0x4b: {  	_ =	shalt  }
0x4c: {  	_ =	shalt  }
0x4d: {  	_ =	shalt  }
0x4e: {  	_ =	shalt  }
0x4f: {  	_ =	shalt  }
0x50: {  	_ =	shalt  }
0x51: {  	_ =	shalt  }
0x52: {  	_ =	shalt  }
0x53: {  	_ =	shalt  }
0x54: {  	_ =	shalt  }
0x55: {  	_ =	shalt  }
0x56: {  	_ =	shalt  }
0x57: {  	_ =	shalt  }
0x58: {  	_ =	shalt  }
0x59: {  	_ =	shalt  }
0x5a: {  	_ =	shalt  }
0x5b: {  	_ =	shalt  }
0x5c: {  	_ =	shalt  }
0x5d: {  	_ =	shalt  }
0x5e: {  	_ =	shalt  }
0x5f: {  	_ =	shalt  }
0x60: {  	_ =	shalt  }
0x61: {  	_ =	shalt  }
0x62: {  	_ =	shalt  }
0x63: {  	_ =	shalt  }
0x64: {  	_ =	shalt  }
0x65: {  	_ =	shalt  }
0x66: {  	_ =	shalt  }
0x67: {  	_ =	shalt  }
0x68: {  	_ =	shalt  }
0x69: {  	_ =	shalt  }
0x6a: {  	_ =	shalt  }
0x6b: {  	_ =	shalt  }
0x6c: {  	_ =	shalt  }
0x6d: {  	_ =	shalt  }
0x6e: {  	_ =	shalt  }
0x6f: {  	_ =	shalt  }
0x70: {  	_ =	shalt  }
0x71: {  	_ =	shalt  }
0x72: {  	_ =	shalt  }
0x73: {  	_ =	shalt  }
0x74: {  	_ =	shalt  }
0x75: {  	_ =	shalt  }
0x76: {  	_ =	shalt  }
0x77: {  	_ =	shalt  }
0x78: {  	_ =	shalt  }
0x79: {  	_ =	shalt  }
0x7a: {  	_ =	shalt  }
0x7b: {  	_ =	shalt  }
0x7c: {  	_ =	shalt  }
0x7d: {  	_ =	shalt  }
0x7e: {  	_ =	shalt  }
0x7f: {  	_ =	shalt  }
0x80: {  	_ =	shalt  }
0x81: {  	_ =	shalt  }
0x82: {  	_ =	shalt  }
0x83: {  	_ =	shalt  }
0x84: {  	_ =	shalt  }
0x85: {  	_ =	shalt  }
0x86: {  	_ =	shalt  }
0x87: {  	_ =	shalt  }
.Lfunc_end0:
.L_simem_size_0:
called_computation_lowered:
.L_overlay_start_0:
0x88: {  	s2 =	sld [smem:$0x3FD9]  }
0x89: {  	s3 =	sld [smem:$0x3FFE];
	_ =	sdelay $0x1  }
0x8a: {  	s1 =	srdreg.scid  }
0x8b: {  	s0 =	sand.u32 $0x1, s1  }
0x8c: {  	s17 =	sshll.u32 s0, $0xA;
	s2 =	sadd.s32 s3, s2  }
0x8d: {  	s2 =	sadd.s32 s2, s17  }
0x8e: {  	[smem:$0x3FC4] =	sst s2  }
0x8f: {  	_ = 	snop  }
0x90: {  	s2 =	sld [smem:$0x3FC7];
	(tm) =	ssettm $0x1  }
0x91: {  	s18 =	sld [smem:$0x3FFB];
	_ =	sdelay $0x3  }
0x92: {  	_ =	strace s18  }
0x93: {  	s3 =	sld [smem:$0x3FFC];
	_ =	sdelay $0x3  }
0x94: {  	_ =	strace s3  }
0x95: {  	s3 =	sld [smem:$0x3FFD];
	_ =	sdelay $0x3  }
0x96: {  	_ =	strace s3  }
0x97: {  	_ =	strace $0x8FFFFFFF  }
0x98: {  	s19 =	sld [smem:$0x3FDB];
	_ =	sdelay $0x1  }
0x99: {  	s4 =	simm.s32 $_scs_section_size  }
0x9a: {  	s5 =	simm.s32 $_size__tile_overlayer_lowered;
	s6 =	simm.s32 $_tile_overlayer_lowered  }
0x9b: {  	s22 =	simm.s32 $0x1BFF;
	s21 =	sshll.u32 s6, $0x1;
	s3 =	sadd.s32 s4, s19  }
0x9c: {  	s7 =	simm.s32 $0x0;
	s20 =	sshll.u32 s5, $0x1;
	s5 =	sadd.s32 s21, s3  }
0x9d: {  	[timem:s7], [sflag:s22] =	dma.local [hbm:s5], s20  }
0x9e: {  	_ =	swait.ge [sflag:s22], s20  }
0x9f: {  	s4 =	ssub.s32 $0x0, s20;
	[sflag:s22] =	ssyncset.done $0x0  }
0xa0: {  	[sflag:s22] =	ssyncadd.s32 s4;
	_ =	sdelay $0x1  }
0xa1: {  	s23 =	simm.s32 $0x1B8B  }
0xa2: {  	_ =	swait.ge [sflag:s23], $0x1  }
0xa3: {  	[sflag:s23] =	ssyncset.done $0x0  }
0xa4: {  	s25 =	simm.s32 $0x1B8E;
	s24 =	sld [smem:$0x3FFE];
	[sflag:s23] =	ssyncadd.s32 $0xFFFFFFFF  }
0xa5: {  	s26 =	simm.s32 $execute0_lowered;
	[smem:$0x3FD2] =	sst s25  }
0xa6: {  	s5 =	sshll.u32 s26, $0x1;
	_ =	strace $0x80000046;
	[dreg:$0x1] =	wrdreg $0xFFFFFFFF  }
0xa7: {  	s28 =	simm.s32 $_size_execute0_lowered;
	s3 =	sadd.s32 s3, s5;
	[dreg:$0x0] =	wrdreg $0x0  }
0xa8: {  	s5 =	sshll.u32 s28, $0x1;
	[dreg:$0x2] =	wrdreg s3  }
0xa9: {  	[dreg:$0x3] =	wrdreg s5  }
0xaa: {  	[dreg:$0x4] =	wrdreg $0xC0  }
0xab: {  	_ =	task [dreg:s7], $0x5FFFF  }
0xac: {  	[dreg:$0x1] =	wrdreg $0xFFFFFFFF  }
0xad: {  	[dreg:$0x0] =	wrdreg $0x60  }
0xae: {  	[dreg:$0x2] =	wrdreg s24  }
0xaf: {  	[dreg:$0x3] =	wrdreg s2  }
0xb0: {  	[dreg:$0x4] =	wrdreg $0x9  }
0xb1: {  	_ =	task.clear_ibuf [dreg:s7], $0x5FFFF;
	_ =	strace $0x90000046  }
0xb2: {  	s29 =	simm.s32 $0x9;
	_ =	strace $0x80000048  }
0xb3: {  	_ =	swait.ge [sflag:s29], $0x1  }
0xb4: {  	[sflag:s29] =	ssyncadd.s32 $0xFFFFFFFF  }
0xb5: {  	_ =	strace $0x90000048  }
0xb6: {  	_ =	sfence  }
0xb7: {  	s30 =	sld [smem:$0x0];
	_ =	sdelay $0x2  }
0xb8: {  	s31 =	sshll.u32 s1, $0xD;
	s1 =	sshrl.u32 s1, $0x2  }
0xb9: {  	s3 =	sand.u32 $0x4000, s31;
	s1 =	sadd.s32 s1, s30  }
0xba: {  	s0 =	sor.u32 s3, s0;
	s1 =	sshll.u32 s1, $0x11  }
0xbb: {  	s0 =	sor.u32 s1, s0  }
0xbc: {  	s0 =	sadd.s32 $0x8F2B, s0  }
0xbd: {  	[sflag:s0] =	ssyncadd.remote.s32 $0x1  }
0xbe: {  	_ =	sfence.sel $0xFFFF  }
0xbf: {  	[dreg:$0x0] =	wrdreg $0xFFFFFFFF;
	(pc) =	sbr.abs _section_cstart, $3  }
0xc0: {  	[dreg:$0x1] =	wrdreg $0xFFFFFFFF  }
0xc1: {  	_ =	task.clear_ibuf [dreg:s7], $0x2FFFF;
	_ =	strace $0x9FFFFFFF  }
0xc2: {  	(tm) =	ssettm $0x7FFFFFFF  }
0xc3: {  	_ =	shalt  }
tec
execute0_lowered:
.L_overlay_start_1:
0x0: {  	(tag) =	ssettag $0x1  }
0x1: {  	s0 =	rddreg [dreg:$0x0]  }
0x2: {  	s1 =	rddreg [dreg:$0x1];
	s2 =	simm.s32 $0x0;
	s3 =	srdreg.scid  }
0x3: {  	s6 =	stileid.u32;
	s28 =	simm.s32 $0xC000;
	s29 =	simm.s32 $0xD000  }
0x4: {  	s30 =	simm.s32 $0xE000;
	s3 =	sand.u32 $0x1, s3;
	s8 =	sshll.u32 s6, $0x1  }
0x5: {  	s31 =	simm.s32 $0xF000;
	[smem:$0x7FF] =	sst s2;
	s12 =	sor.u32 s3, s8  }
0x6: {  	s4 =	sadd.s32 $0x22000, s0;
	s3 =	ssub.s32 $0x2, s3;
	s11 =	smul.u32 $0x24, s12  }
0x7: {  	s5 =	sadd.s32 $0x2000, s0;
	s6 =	sadd.s32 $0x62000, s0;
	s17 =	sshrl.u32 s3, $0x1  }
0x8: {  	s13 =	sshll.u32 s12, $0x1;
	s3 =	ssub.s32 s3, s17;
	s14 =	sadd.s32 s11, s0  }
0x9: {  	s11 =	sshll.u32 s12, $0xF;
	s12 =	sshll.u32 s12, $0xC;
	s26 =	smax.u32 s3, $0x1  }
0xa: {  	_ =	strace $0x80000047;
	s18 =	sadd.s32 s4, s12;
	[dreg:$0xd] =	wrdreg s26  }
0xb: {  	s7 =	sadd.s32 $0x42000, s0;
	s19 =	sadd.s32 s5, s12;
	[dreg:$0x3] =	wrdreg s18  }
0xc: {  	s9 =	sadd.s32 $0xA2000, s0;
	s20 =	sadd.s32 s6, s12;
	[dreg:$0x4] =	wrdreg s19  }
0xd: {  	s8 =	sadd.s32 $0xC2000, s0;
	s21 =	sadd.s32 s7, s12;
	[dreg:$0x5] =	wrdreg s20  }
0xe: {  	s10 =	sadd.s32 $0x82000, s0;
	s22 =	sadd.s32 s8, s12;
	[dreg:$0x6] =	wrdreg s21  }
0xf: {  	s0 =	sadd.s32 s13, s0;
	s23 =	sadd.s32 s9, s12;
	[dreg:$0x7] =	wrdreg s22  }
0x10: {  	s3 =	simm.s32 $0x8000;
	s24 =	sadd.s32 s10, s12;
	[dreg:$0x8] =	wrdreg s23  }
.Ltmp0:
0x11: {  	s12 =	sadd.s32 s1, s12;
	[dreg:$0x9] =	wrdreg s24;
	(pc) =	sbr.rel .LBB2_1-.Ltmp0, $4  }
0x12: {  	s0 =	sadd.s32 $0xE2600, s0;
	s25 =	sadd.s32 $0xE2000, s14;
	[dreg:$0xa] =	wrdreg s12  }
0x13: {  	v0 =	vimm.f32 $-1.000000000e+00;
	vm0 =	vmmov $0x1;
	s26 =	simm.s32 $0xB000;
	s14 =	simm.s32 $0x0;
	[dreg:$0xb] =	wrdreg s0  }
0x14: {  	v1 =	vimm.s32 $0x0;
	v2 =	vlaneseq.u32;
	vm1 =	vcmask $0x704;
	s20 =	sor.u32 $0x2000, s11;
	[dreg:$0xc] =	wrdreg s25;
	s0 =	simm.s32 $0x1  }
0x15: {  	vm2 =	vcmask $0xB08;
	vm3 =	vcmask $0xF0C;
	vm4 =	vcmask $0x1310;
	s24 =	simm.s32 $0x9000;
	s25 =	simm.s32 $0xA000;
	s12 =	simm.s32 $0x2  }
.LBB2_34:
0x16: {  	v8 =	vld [tilespmem:$0x10180]  }
0x17: {  	v9 =	vld [tilespmem:$0x10190]  }
0x18: {  	v10 =	vld [tilespmem:$0x101A0]  }
0x19: {  	v11 =	vld [tilespmem:$0x101B0]  }
0x1a: {  	v12 =	vld [tilespmem:$0x101C0]  }
0x1b: {  	v54 =	vld [tilespmem:$0x101E0];
	[tilespmem:$0x18200] =	vst v8  }
0x1c: {  	v55 =	vld [tilespmem:$0x101F0];
	[tilespmem:$0x18210] =	vst v9  }
0x1d: {  	v8 =	vld [tilespmem:$0x101D0];
	[tilespmem:$0x18220] =	vst v10  }
0x1e: {  	v56 =	vld [tilespmem:$0x10200];
	[tilespmem:$0x18230] =	vst v11  }
0x1f: {  	v57 =	vld [tilespmem:$0x10210];
	[tilespmem:$0x18240] =	vst v12  }
0x20: {  	v58 =	vld [tilespmem:$0x10230];
	[tilespmem:$0x18260] =	vst v54  }
0x21: {  	v59 =	vld [tilespmem:$0x10240];
	[tilespmem:$0x18270] =	vst v55  }
0x22: {  	[tilespmem:$0x18250] =	vst v8;
	v8 =	vld [tilespmem:$0x10220]  }
0x23: {  	v60 =	vld [tilespmem:$0x10250];
	[tilespmem:$0x18280] =	vst v56  }
0x24: {  	v61 =	vld [tilespmem:$0x10260];
	[tilespmem:$0x18290] =	vst v57  }
0x25: {  	v62 =	vld [tilespmem:$0x10280];
	[tilespmem:$0x182B0] =	vst v58  }
0x26: {  	v63 =	vld [tilespmem:$0x10290];
	[tilespmem:$0x182C0] =	vst v59  }
0x27: {  	[tilespmem:$0x182A0] =	vst v8;
	v8 =	vld [tilespmem:$0x10270]  }
0x28: {  	[tilespmem:$0x182D0] =	vst v60  }
0x29: {  	[tilespmem:$0x182E0] =	vst v61  }
0x2a: {  	[tilespmem:$0x18300] =	vst v62  }
0x2b: {  	[tilespmem:$0x18310] =	vst v63  }
0x2c: {  	[tilespmem:$0x182F0] =	vst v8  }
.LBB2_32:
0x2d: {  	(xrf2) =	vadd.scan.msk.f32 $0xffff, v7  }
0x2e: {  	(xrf2) =	vadd.scan.msk.f32 $0xffff, v6;
	_ =	sdelay $0x1  }
0x2f: {  	(xrf2) =	vadd.scan.msk.f32 $0xffff, v5;
	_ =	sdelay $0x1  }
0x30: {  	(xrf2) =	vadd.scan.msk.f32 $0xffff, v4;
	_ =	sdelay $0x1  }
0x31: {  	(xrf2) =	vadd.scan.msk.f32 $0xffff, v3;
	_ =	sdelay $0x2  }
0x32: {  	v3, _, _ =	vpop (xrf2)  }
0x33: {  	v56, _, _ =	vpop (xrf2)  }
0x34: {  	v3 =	vbroadcast v3, $0xF;
	v4 =	vbroadcast v56, $0xF  }
0x35: {  	v5, _, _ =	vpop (xrf2)  }
0x36: {  	v3 =	vnsel vm0, $0x0, v3;
	v5 =	vbroadcast v5, $0xF;
	v4 =	vnsel vm1, $0x0, v4  }
0x37: {  	v57, _, _ =	vpop (xrf2);
	v3 =	vadd.f32 v4, v3  }
0x38: {  	v59 =	vbroadcast v57, $0xF;
	v58 =	vnsel vm2, $0x0, v5  }
0x39: {  	v60, _, _ =	vpop (xrf2);
	v3 =	vadd.f32 v58, v3  }
0x3a: {  	v62 =	vbroadcast v60, $0xF;
	v61 =	vnsel vm3, $0x0, v59  }
0x3b: {  	v3 =	vadd.f32 v61, v3  }
0x3c: {  	v63 =	vnsel vm4, $0x0, v62  }
0x3d: {  	v3 =	vadd.f32 v63, v3;
	_ =	sdelay $0x1  }
0x3e: {  	s13 =	rddreg [dreg:$0xb];
	s15 =	simm.s32 $0x18380;
	s21 =	simm.s32 $0x3;
	[tilespmem:$0x18380] =	vst v3  }
0x3f: {  	[hbm4b:s13+s2] =	stream.linear.scatter [tilespmem:s15], [sflag:$0x3], $0x10, $0x38;
	[tilespmem:$0x18400] =	vst v63  }
0x40: {  	_ =	swait.ge [sflag:s21], $0x10  }
0x41: {  	[sflag:s21] =	ssyncset.done $0x0  }
0x42: {  	s16 =	simm.s32 $0x18200;
	s22 =	rddreg [dreg:$0xc];
	[sflag:s21] =	ssyncadd.s32 $0xFFFFFFF0  }
0x43: {  	[hbm4b:s22+s2] =	stream.linear.scatter [tilespmem:s16], [sflag:$0x3], $0x120, $0x38;
	[tilespmem:$0x18400] =	vst v63  }
0x44: {  	_ =	swait.ge [sflag:s21], $0x120  }
0x45: {  	s14 =	sadd.s32 $0x1, s14;
	s23 =	rddreg [dreg:$0xd]  }
0x46: {  	p0 =	sne.s32 s14, s23  }
.Ltmp1:
0x47: {  	_ = 	snop;
	(pc) =	sbr.rel @!p0 .LBB2_33-.Ltmp1, $3  }
0x48: {  	_ =	sdelay $0x1  }
0x49: {  	[sflag:s21] =	ssyncset.done $0x0  }
0x4a: {  	[sflag:s21] =	ssyncadd.s32 $0xFFFFFEE0  }
.LBB2_1:
0x4b: {  	[tilespmem:$0x10180] =	vst v0  }
0x4c: {  	[tilespmem:$0x18200] =	vst v0  }
0x4d: {  	[tilespmem:$0x10190] =	vst v0  }
0x4e: {  	[tilespmem:$0x18210] =	vst v0  }
0x4f: {  	[tilespmem:$0x101A0] =	vst v0  }
0x50: {  	[tilespmem:$0x18220] =	vst v0  }
0x51: {  	[tilespmem:$0x101B0] =	vst v0  }
0x52: {  	[tilespmem:$0x18230] =	vst v0  }
0x53: {  	[tilespmem:$0x101C0] =	vst v0  }
0x54: {  	[tilespmem:$0x18240] =	vst v0  }
0x55: {  	[tilespmem:$0x101D0] =	vst v0  }
0x56: {  	[tilespmem:$0x18250] =	vst v0  }
0x57: {  	[tilespmem:$0x101E0] =	vst v0  }
0x58: {  	[tilespmem:$0x18260] =	vst v0  }
0x59: {  	[tilespmem:$0x101F0] =	vst v0  }
0x5a: {  	[tilespmem:$0x18270] =	vst v0  }
0x5b: {  	[tilespmem:$0x10200] =	vst v0  }
0x5c: {  	[tilespmem:$0x18280] =	vst v0  }
0x5d: {  	[tilespmem:$0x10210] =	vst v0  }
0x5e: {  	[tilespmem:$0x18290] =	vst v0  }
0x5f: {  	[tilespmem:$0x10220] =	vst v0  }
0x60: {  	[tilespmem:$0x182A0] =	vst v0  }
0x61: {  	[tilespmem:$0x10230] =	vst v0  }
0x62: {  	[tilespmem:$0x182B0] =	vst v0  }
0x63: {  	[tilespmem:$0x10240] =	vst v0  }
0x64: {  	[tilespmem:$0x182C0] =	vst v0  }
0x65: {  	[tilespmem:$0x10250] =	vst v0  }
0x66: {  	[tilespmem:$0x182D0] =	vst v0  }
0x67: {  	[tilespmem:$0x10260] =	vst v0  }
0x68: {  	[tilespmem:$0x182E0] =	vst v0  }
0x69: {  	[tilespmem:$0x10270] =	vst v0  }
0x6a: {  	[tilespmem:$0x182F0] =	vst v0  }
0x6b: {  	[tilespmem:$0x10280] =	vst v0  }
0x6c: {  	[tilespmem:$0x18300] =	vst v0  }
0x6d: {  	[tilespmem:$0x10290] =	vst v0  }
0x6e: {  	[tilespmem:$0x18310] =	vst v0  }
0x6f: {  	[tilespmem:$0x102A0] =	vst v0  }
0x70: {  	[tilespmem:$0x18320] =	vst v0;
	s13 =	rddreg [dreg:$0x3]  }
0x71: {  	[tilespmem:s2], [sflag:$0x1] =	stream.linear.gather [hbm4b:s13+s2], $0x1000, $0x38;
	[tilespmem:$0x18400] =	vst v63  }
0x72: {  	s18 =	rddreg [dreg:$0x4];
	s15 =	simm.s32 $0x1000  }
0x73: {  	[tilespmem:s15], [sflag:$0x1] =	stream.linear.gather [hbm4b:s18+s2], $0x1000, $0x38;
	[tilespmem:$0x18400] =	vst v63  }
0x74: {  	s19 =	rddreg [dreg:$0x5];
	s21 =	simm.s32 $0x2000  }
0x75: {  	[tilespmem:s21], [sflag:$0x1] =	stream.linear.gather [hbm4b:s19+s2], $0x1000, $0x38;
	[tilespmem:$0x18400] =	vst v63  }
0x76: {  	s22 =	rddreg [dreg:$0x6];
	s23 =	simm.s32 $0x3000  }
0x77: {  	[tilespmem:s23], [sflag:$0x1] =	stream.linear.gather [hbm4b:s22+s2], $0x1000, $0x38;
	[tilespmem:$0x18400] =	vst v63  }
0x78: {  	s16 =	simm.s32 $0x4000;
	s15 =	rddreg [dreg:$0x7]  }
0x79: {  	[tilespmem:s16], [sflag:$0x1] =	stream.linear.gather [hbm4b:s15+s2], $0x1000, $0x38;
	[tilespmem:$0x18400] =	vst v63  }
0x7a: {  	s17 =	rddreg [dreg:$0x8];
	s18 =	simm.s32 $0x5000  }
0x7b: {  	[tilespmem:s18], [sflag:$0x1] =	stream.linear.gather [hbm4b:s17+s2], $0x1000, $0x38;
	[tilespmem:$0x18400] =	vst v63  }
.Ltmp2:
0x7c: {  	s19 =	rddreg [dreg:$0x9];
	(pc) =	sbr.rel .LBB2_2-.Ltmp2, $4  }
0x7d: {  	s21 =	simm.s32 $0x6000;
	s22 =	rddreg [dreg:$0xa]  }
0x7e: {  	[tilespmem:s21], [sflag:$0x1] =	stream.linear.gather [hbm4b:s19+s2], $0x1000, $0x38;
	[tilespmem:$0x18400] =	vst v63  }
0x7f: {  	v3 =	vimm.f32 $0.0e+00;
	v4 =	vimm.f32 $0.0e+00;
	s23 =	simm.s32 $0x7000;
	s15 =	simm.s32 $0x0;
	s16 =	simm.s32 $0x0  }
0x80: {  	v5 =	vimm.f32 $0.0e+00;
	v6 =	vimm.f32 $0.0e+00;
	v7 =	vimm.f32 $0.0e+00;
	[tilespmem:s23], [sflag:$0x1] =	stream.linear.gather [hbm4b:s22+s2], $0x1000, $0x38;
	[tilespmem:$0x18400] =	vst v63  }
.LBB2_13:
0x81: {  	v13 =	vmpcnt.ones.xlane vm6;
	_ =	sdelay $0x1  }
0x82: {  	v14 =	vld [tilespmem:s19+$0xB000];
	(v2sf) =	vpush v13, $0x0;
	_ =	sdelay $0x4  }
0x83: {  	v9 =	vsub.f32 v9, v12;
	v10 =	vsub.f32 v10, v14;
	_ =	sdelay $0x1  }
0x84: {  	v9 =	vand.u32 $0x7FFFFFFF, v9;
	v10 =	vand.u32 $0x7FFFFFFF, v10  }
0x85: {  	v59 =	vmul.f32 $4.500000000e+00, v9;
	v60 =	vmul.f32 $4.500000000e+00, v10  }
0x86: {  	v61 =	vadd.f32 $-5.555555600e-02, v9  }
0x87: {  	v12 =	vmul.f32 v59, v9;
	v15 =	vadd.f32 $-5.555555600e-02, v10;
	v13 =	vmul.f32 v60, v10  }
0x88: {  	vm7 =	vlt.f32 v9, $1.111111120e-01;
	vm8 =	vlt.f32 v10, $1.111111120e-01  }
0x89: {  	v9 =	vsel vm7, v12, v61;
	v10 =	vsel vm8, v13, v15  }
0x8a: {  	v62 =	vnsel vm5, $0x0, v11;
	v9 =	vadd.f32 v10, v9  }
0x8b: {  	v63 =	vsel vm6, $0x3F800000, v1;
	vm5 =	veq.f32 v8, $1.000000000e+00;
	v7 =	vadd.f32 v62, v7  }
0x8c: {  	v5 =	vadd.f32 v63, v5;
	v8 =	vsel vm5, $0x3F800000, v1;
	v9 =	vnsel vm5, $0x0, v9;
	s13 =	spop (v2sf)  }
0x8d: {  	[tilespmem:s15+$0x10180] =	vst.msk vm6, v11;
	v3 =	vadd.f32 v8, v3;
	v4 =	vadd.f32 v9, v4;
	s15 =	sadd.s32 s15, s13  }
.LBB2_14:
0x8e: {  	s16 =	sadd.s32 $0x1, s16  }
0x8f: {  	p0 =	sne.s32 s16, $0x4  }
.Ltmp3:
0x90: {  	_ = 	snop;
	(pc) =	sbr.rel @!p0 .LBB2_15-.Ltmp3, $1  }
0x91: {  	_ =	sdelay $0x3  }
.LBB2_2:
0x92: {  	_ =	swait.ge [sflag:s0], $0x1000  }
0x93: {  	[sflag:s0] =	ssyncset.done $0x0  }
0x94: {  	[sflag:s0] =	ssyncadd.s32 $0xFFFFF000  }
0x95: {  	_ =	swait.ge [sflag:s0], $0x1000  }
0x96: {  	[sflag:s0] =	ssyncset.done $0x0  }
0x97: {  	[sflag:s0] =	ssyncadd.s32 $0xFFFFF000  }
0x98: {  	_ =	swait.ge [sflag:s0], $0x1000  }
0x99: {  	[sflag:s0] =	ssyncset.done $0x0  }
0x9a: {  	[sflag:s0] =	ssyncadd.s32 $0xFFFFF000  }
0x9b: {  	_ =	swait.ge [sflag:s0], $0x1000  }
0x9c: {  	[sflag:s0] =	ssyncset.done $0x0  }
0x9d: {  	[sflag:s0] =	ssyncadd.s32 $0xFFFFF000  }
0x9e: {  	_ =	swait.ge [sflag:s0], $0x1000  }
0x9f: {  	[sflag:s0] =	ssyncset.done $0x0  }
0xa0: {  	[sflag:s0] =	ssyncadd.s32 $0xFFFFF000  }
0xa1: {  	_ =	swait.ge [sflag:s0], $0x1000  }
0xa2: {  	[sflag:s0] =	ssyncset.done $0x0  }
0xa3: {  	[sflag:s0] =	ssyncadd.s32 $0xFFFFF000  }
0xa4: {  	_ =	swait.ge [sflag:s0], $0x1000  }
0xa5: {  	s17 =	sshll.u32 s16, $0xD;
	[sflag:s0] =	ssyncset.done $0x0  }
0xa6: {  	s18 =	sor.u32 s17, s11;
	[sflag:s0] =	ssyncadd.s32 $0xFFFFF000  }
0xa7: {  	s18 =	sshrl.u32 s18, $0x3;
	_ =	swait.ge [sflag:s0], $0x1000  }
0xa8: {  	s18 =	sor.u32 $0x200, s18;
	[sflag:s0] =	ssyncset.done $0x0  }
0xa9: {  	s23 =	simm.s32 $0x0;
	s19 =	sadd.s32 s4, s18;
	[sflag:s0] =	ssyncadd.s32 $0xFFFFF000  }
0xaa: {  	[tilespmem:s3], [sflag:$0x2] =	stream.linear.gather [hbm4b:s19+s23], $0x1000, $0x38;
	[tilespmem:$0x18400] =	vst v63  }
0xab: {  	s13 =	sadd.s32 s5, s18  }
0xac: {  	[tilespmem:s24], [sflag:$0x2] =	stream.linear.gather [hbm4b:s13+s23], $0x1000, $0x38;
	[tilespmem:$0x18400] =	vst v63  }
0xad: {  	s21 =	sadd.s32 s6, s18  }
0xae: {  	[tilespmem:s25], [sflag:$0x2] =	stream.linear.gather [hbm4b:s21+s23], $0x1000, $0x38;
	[tilespmem:$0x18400] =	vst v63  }
0xaf: {  	s22 =	sadd.s32 s7, s18  }
0xb0: {  	[tilespmem:s26], [sflag:$0x2] =	stream.linear.gather [hbm4b:s22+s23], $0x1000, $0x38;
	[tilespmem:$0x18400] =	vst v63  }
0xb1: {  	s13 =	sadd.s32 s8, s18  }
0xb2: {  	[tilespmem:s28], [sflag:$0x2] =	stream.linear.gather [hbm4b:s13+s23], $0x1000, $0x38;
	[tilespmem:$0x18400] =	vst v63  }
0xb3: {  	s21 =	sadd.s32 s9, s18  }
0xb4: {  	[tilespmem:s29], [sflag:$0x2] =	stream.linear.gather [hbm4b:s21+s23], $0x1000, $0x38;
	[tilespmem:$0x18400] =	vst v63  }
0xb5: {  	s22 =	sadd.s32 s10, s18  }
0xb6: {  	v8 =	vimm.s32 $0x0;
	[tilespmem:s30], [sflag:$0x2] =	stream.linear.gather [hbm4b:s22+s23], $0x1000, $0x38;
	[tilespmem:$0x18400] =	vst v63  }
0xb7: {  	(v2sf) =	vpush v8, $0x0;
	s19 =	simm.s32 $0x7000;
	s18 =	sadd.s32 s1, s18  }
0xb8: {  	[tilespmem:s31], [sflag:$0x2] =	stream.linear.gather [hbm4b:s18+s23], $0x1000, $0x38;
	[tilespmem:$0x18400] =	vst v63  }
0xb9: {  	s21 =	simm.s32 $0x4000;
	v9 =	vld [tilespmem:s19+$0x0]  }
0xba: {  	v10 =	vld [tilespmem:s21+$0x0];
	_ =	sdelay $0x4  }
0xbb: {  	vm5 =	vlt.s32 v9, $0x2;
	vm6 =	veq.f32 v10, $1.000000000e+00  }
0xbc: {  	vm5 =	vmor vm5, vm6  }
0xbd: {  	v9 =	vmpcnt.ones.xlane vm5;
	_ =	sdelay $0x1  }
0xbe: {  	vm5 =	vgt.s32 v9, $0x0  }
0xbf: {  	v9 =	vsel vm5, $0x1, v1  }
0xc0: {  	v8 =	vadd.s32 v9, v8  }
0xc1: {  	s22 =	simm.s32 $0x2;
	s18 =	simm.s32 $0x1;
	vm5 =	vmand vm5, vm0;
	v9 =	vmov s23;
	s23 =	spop (v2sf);
	(v2sf) =	vpush v8, $0x0  }
.LBB2_3:
0xc2: {  	p0 =	sne.s32 s22, $0xFF;
	[tilespmem:s23+$0x10000] =	vst.msk vm5, v9;
	s19 =	sadd.s32 $0x10, s19;
	s21 =	sadd.s32 $0x10, s21  }
0xc3: {  	s13 =	smov.u32 s22;
	s22 =	sadd.s32 $0x1, s22;
	v9 =	vld [tilespmem:s19+$0x0]  }
0xc4: {  	v10 =	vld [tilespmem:s21+$0x0];
	_ =	sdelay $0x4  }
0xc5: {  	vm5 =	vlt.s32 v9, $0x2;
	vm6 =	veq.f32 v10, $1.000000000e+00  }
0xc6: {  	vm5 =	vmor vm5, vm6  }
0xc7: {  	v9 =	vmpcnt.ones.xlane vm5  }
.Ltmp4:
0xc8: {  	(pc) =	sbr.rel @p0 .LBB2_3-.Ltmp4, $4  }
0xc9: {  	vm5 =	vgt.s32 v9, $0x0  }
0xca: {  	v9 =	vsel vm5, $0x1, v1  }
0xcb: {  	v8 =	vadd.s32 v9, v8  }
0xcc: {  	vm5 =	vmand vm5, vm0;
	v9 =	vmov s18;
	s18 =	smov.u32 s13;
	(v2sf) =	vpush v8, $0x0;
	s23 =	spop (v2sf)  }
0xcd: {  	[tilespmem:s23+$0x10000] =	vst.msk vm5, v9;
	s13 =	sadd.s32 $0x10, s19  }
0xce: {  	s22 =	sadd.s32 $0x10, s21;
	v9 =	vld [tilespmem:s13+$0x0]  }
0xcf: {  	v10 =	vld [tilespmem:s22+$0x0];
	_ =	sdelay $0x4  }
0xd0: {  	vm5 =	vlt.s32 v9, $0x2;
	vm6 =	veq.f32 v10, $1.000000000e+00  }
0xd1: {  	vm5 =	vmor vm5, vm6  }
0xd2: {  	v63 =	vmpcnt.ones.xlane vm5;
	_ =	sdelay $0x1  }
0xd3: {  	vm5 =	vgt.s32 v63, $0x0  }
0xd4: {  	v9 =	vsel vm5, $0x1, v1  }
0xd5: {  	v8 =	vadd.s32 v9, v8  }
0xd6: {  	(v2sf) =	vpush v8, $0x0;
	_ =	sdelay $0xd  }
0xd7: {  	s23 =	spop (v2sf)  }
0xd8: {  	s19 =	spop (v2sf)  }
0xd9: {  	p0 =	slt.s32 s19, $0x1  }
.Ltmp5:
0xda: {  	_ = 	snop;
	(pc) =	sbr.rel @p0 .LBB2_8-.Ltmp5, $3  }
0xdb: {  	_ =	sdelay $0x1  }
0xdc: {  	vm5 =	vmand vm5, vm0;
	v8 =	vmov s18  }
0xdd: {  	s18 =	simm.s32 $0x0;
	[tilespmem:s23+$0x10000] =	vst.msk vm5, v8  }
0xde: {  	s13 =	sand.u32 $0x7FFFFFF0, s18  }
0xdf: {  	v8 =	vld [tilespmem:s13+$0x10000];
	_ =	sdelay $0x1  }
0xe0: {  	s22 =	sand.u32 $0xF, s18  }
0xe1: {  	v9 =	vmov s22  }
0xe2: {  	vm5 =	veq.s32 v9, v2  }
0xe3: {  	v8 =	vnsel vm5, $0x0, v8  }
0xe4: {  	(xrf0) =	vadd.scan.msk.s32 $0xffff, v8;
	_ =	sdelay $0x5  }
0xe5: {  	v8, _, _ =	vpop (xrf0)  }
0xe6: {  	(v2sf) =	vpush v8, $0xF;
	_ =	sdelay $0xe  }
0xe7: {  	s23 =	spop (v2sf)  }
0xe8: {  	s22 =	sshll.u32 s23, $0x4  }
0xe9: {  	v8 =	vld [tilespmem:s22+$0x0]  }
0xea: {  	v9 =	vld [tilespmem:s22+$0x1000]  }
0xeb: {  	v12 =	vld [tilespmem:s22+$0x7000];
	_ =	sdelay $0x3  }
0xec: {  	v10 =	vsub.f32 v8, v9;
	v8 =	vsub.f32 v9, v8  }
0xed: {  	vm5 =	vgt.s32 v12, $0x0  }
0xee: {  	v10 =	vsel vm5, v10, v8  }
0xef: {  	v8 =	vand.u32 $0x7FFFFFFF, v10  }
0xf0: {  	v8 =	vsub.f32 $0.0e+00, v8;
	_ =	sdelay $0x1  }
0xf1: {  	v8 =	vmul.f32 $1.442695020e+00, v8;
	_ =	sdelay $0x1  }
0xf2: {  	(erf) = vpow2.f32 v8;
	_ =	sdelay $0x8  }
0xf3: {  	v8 =	vpop (erf)  }
0xf4: {  	v9 =	vadd.f32 $2.000000000e+00, v8;
	_ =	sdelay $0x1  }
0xf5: {  	(erf) = vrcp.f32 v9;
	_ =	sdelay $0x8  }
0xf6: {  	v9 =	vpop (erf)  }
0xf7: {  	v8 =	vmul.f32 v9, v8;
	_ =	sdelay $0x1  }
0xf8: {  	v9 =	vmul.f32 v8, v8;
	_ =	sdelay $0x1  }
0xf9: {  	v11 =	vmul.f32 $1.428571490e-01, v9;
	_ =	sdelay $0x1  }
0xfa: {  	v11 =	vadd.f32 $2.000000030e-01, v11;
	_ =	sdelay $0x1  }
0xfb: {  	v11 =	vmul.f32 v11, v9;
	_ =	sdelay $0x1  }
0xfc: {  	v11 =	vadd.f32 $3.333333430e-01, v11;
	_ =	sdelay $0x1  }
0xfd: {  	v9 =	vmul.f32 v11, v9;
	_ =	sdelay $0x1  }
0xfe: {  	p0 =	sne.s32 s19, $0x1;
	v11 =	vadd.f32 v8, v8;
	v9 =	vadd.f32 $1.000000000e+00, v9  }
.Ltmp6:
0xff: {  	_ = 	snop;
	(pc) =	sbr.rel @!p0 .LBB2_7-.Ltmp6, $4  }
0x100: {  	v8 =	vld [tilespmem:s22+$0x4000];
	v11 =	vmul.f32 v9, v11  }
0x101: {  	vm6 =	veq.s32 v12, $0x0;
	vm5 =	veq.s32 v12, $0x1;
	v12 =	vld [tilespmem:s22+$0x2000];
	v14 =	vmax.f32 v10, $0.0e+00  }
0x102: {  	v13 =	vsel vm5, $0x3F800000, v1;
	v10 =	vld [tilespmem:s22+$0x6000];
	v11 =	vadd.f32 v11, v14  }
0x103: {  	s21 =	simm.s32 $0x1;
	v6 =	vadd.f32 v13, v6;
	v9 =	vld [tilespmem:s22+$0x5000]  }
.LBB2_6:
0x104: {  	s13 =	sand.u32 $0x7FFFFFF0, s21;
	v13 =	vnsel vm5, $0x0, v11;
	v14 =	vsel vm6, $0x3F800000, v1;
	v15 =	vld [tilespmem:s22+$0x3000];
	v16 =	vmpcnt.ones.xlane vm6;
	[tilespmem:s15+$0x10180] =	vst.msk vm6, v11;
	s22 =	smov.u32 s21;
	s21 =	sadd.s32 $0x1, s21  }
0x105: {  	v11 =	vld [tilespmem:s13+$0x10000];
	p0 =	sne.s32 s19, s21;
	vm5 =	veq.f32 v8, $1.000000000e+00;
	v7 =	vadd.f32 v13, v7;
	v5 =	vadd.f32 v14, v5  }
0x106: {  	v8 =	vsel vm5, $0x3F800000, v1;
	(v2sf) =	vpush v16, $0x0  }
0x107: {  	s13 =	sand.u32 $0xF, s22;
	v3 =	vadd.f32 v8, v3  }
0x108: {  	v8 =	vmov s13;
	v9 =	vsub.f32 v9, v12  }
0x109: {  	vm6 =	veq.s32 v8, v2;
	v8 =	vsub.f32 v10, v15  }
0x10a: {  	v10 =	vnsel vm6, $0x0, v11;
	v9 =	vand.u32 $0x7FFFFFFF, v9  }
0x10b: {  	(xrf0) =	vadd.scan.msk.s32 $0xffff, v10;
	v8 =	vand.u32 $0x7FFFFFFF, v8;
	v10 =	vmul.f32 $4.500000000e+00, v9;
	v11 =	vadd.f32 $-5.555555600e-02, v9  }
0x10c: {  	vm6 =	vlt.f32 v9, $1.111111120e-01;
	v12 =	vmul.f32 $4.500000000e+00, v8;
	v13 =	vadd.f32 $-5.555555600e-02, v8  }
0x10d: {  	vm7 =	vlt.f32 v8, $1.111111120e-01;
	v9 =	vmul.f32 v10, v9  }
0x10e: {  	v8 =	vmul.f32 v12, v8  }
0x10f: {  	v9 =	vsel vm6, v9, v11  }
0x110: {  	v8 =	vsel vm7, v8, v13  }
0x111: {  	v10, _, _ =	vpop (xrf0);
	v8 =	vadd.f32 v8, v9  }
0x112: {  	(v2sf) =	vpush v10, $0xF  }
0x113: {  	v8 =	vnsel vm5, $0x0, v8  }
0x114: {  	v4 =	vadd.f32 v8, v4  }
0x115: {  	s13 =	spop (v2sf)  }
0x116: {  	s15 =	sadd.s32 s15, s13;
	_ =	sdelay $0xa  }
0x117: {  	s13 =	spop (v2sf)  }
0x118: {  	s22 =	sshll.u32 s13, $0x4  }
0x119: {  	v8 =	vld [tilespmem:s22+$0x0]  }
0x11a: {  	v9 =	vld [tilespmem:s22+$0x1000]  }
0x11b: {  	v12 =	vld [tilespmem:s22+$0x7000];
	_ =	sdelay $0x3  }
0x11c: {  	v10 =	vsub.f32 v8, v9;
	v8 =	vsub.f32 v9, v8  }
0x11d: {  	vm6 =	vgt.s32 v12, $0x0;
	vm5 =	veq.s32 v12, $0x1  }
0x11e: {  	v9 =	vsel vm6, v10, v8;
	v8 =	vsel vm5, $0x3F800000, v1  }
0x11f: {  	v10 =	vand.u32 $0x7FFFFFFF, v9;
	v6 =	vadd.f32 v8, v6  }
0x120: {  	v8 =	vsub.f32 $0.0e+00, v10;
	_ =	sdelay $0x1  }
0x121: {  	v8 =	vmul.f32 $1.442695020e+00, v8;
	_ =	sdelay $0x1  }
0x122: {  	(erf) = vpow2.f32 v8;
	_ =	sdelay $0x8  }
0x123: {  	v8 =	vpop (erf)  }
0x124: {  	v10 =	vadd.f32 $2.000000000e+00, v8;
	_ =	sdelay $0x1  }
0x125: {  	(erf) = vrcp.f32 v10;
	_ =	sdelay $0x8  }
0x126: {  	v10 =	vpop (erf)  }
0x127: {  	v8 =	vmul.f32 v10, v8;
	_ =	sdelay $0x1  }
0x128: {  	v10 =	vmul.f32 v8, v8;
	_ =	sdelay $0x1  }
0x129: {  	v11 =	vmul.f32 $1.428571490e-01, v10;
	_ =	sdelay $0x1  }
0x12a: {  	v11 =	vadd.f32 $2.000000030e-01, v11;
	_ =	sdelay $0x1  }
0x12b: {  	v11 =	vmul.f32 v11, v10;
	_ =	sdelay $0x1  }
0x12c: {  	v11 =	vadd.f32 $3.333333430e-01, v11;
	_ =	sdelay $0x1  }
0x12d: {  	v10 =	vmul.f32 v11, v10;
	_ =	sdelay $0x1  }
0x12e: {  	v11 =	vadd.f32 v8, v8;
	v10 =	vadd.f32 $1.000000000e+00, v10  }
.Ltmp7:
0x12f: {  	(pc) =	sbr.rel @p0 .LBB2_6-.Ltmp7, $4  }
0x130: {  	v8 =	vld [tilespmem:s22+$0x4000];
	v10 =	vmul.f32 v10, v11  }
0x131: {  	v11 =	vmax.f32 v9, $0.0e+00;
	v9 =	vld [tilespmem:s22+$0x5000]  }
0x132: {  	v11 =	vadd.f32 v10, v11;
	v10 =	vld [tilespmem:s22+$0x6000]  }
0x133: {  	vm6 =	veq.s32 v12, $0x0;
	v12 =	vld [tilespmem:s22+$0x2000]  }
.LBB2_7:
0x134: {  	v13 =	vmpcnt.ones.xlane vm6;
	_ =	sdelay $0x1  }
0x135: {  	v14 =	vld [tilespmem:s22+$0x3000];
	(v2sf) =	vpush v13, $0x0;
	_ =	sdelay $0x4  }
0x136: {  	v9 =	vsub.f32 v9, v12;
	v10 =	vsub.f32 v10, v14;
	_ =	sdelay $0x1  }
0x137: {  	v9 =	vand.u32 $0x7FFFFFFF, v9;
	v10 =	vand.u32 $0x7FFFFFFF, v10  }
0x138: {  	v59 =	vmul.f32 $4.500000000e+00, v9;
	v60 =	vmul.f32 $4.500000000e+00, v10  }
0x139: {  	v61 =	vadd.f32 $-5.555555600e-02, v9  }
0x13a: {  	v15 =	vadd.f32 $-5.555555600e-02, v10;
	v12 =	vmul.f32 v59, v9;
	v13 =	vmul.f32 v60, v10  }
0x13b: {  	vm7 =	vlt.f32 v9, $1.111111120e-01;
	vm8 =	vlt.f32 v10, $1.111111120e-01  }
0x13c: {  	v9 =	vsel vm7, v12, v61;
	v10 =	vsel vm8, v13, v15  }
0x13d: {  	v62 =	vnsel vm5, $0x0, v11;
	v9 =	vadd.f32 v10, v9  }
0x13e: {  	v63 =	vsel vm6, $0x3F800000, v1;
	vm5 =	veq.f32 v8, $1.000000000e+00;
	v7 =	vadd.f32 v62, v7  }
0x13f: {  	v5 =	vadd.f32 v63, v5;
	v8 =	vsel vm5, $0x3F800000, v1;
	v9 =	vnsel vm5, $0x0, v9;
	s13 =	spop (v2sf)  }
0x140: {  	[tilespmem:s15+$0x10180] =	vst.msk vm6, v11;
	v3 =	vadd.f32 v8, v3;
	v4 =	vadd.f32 v9, v4;
	s15 =	sadd.s32 s15, s13  }
.LBB2_8:
0x141: {  	_ =	swait.ge [sflag:s12], $0x1000  }
0x142: {  	[sflag:s12] =	ssyncset.done $0x0  }
0x143: {  	[sflag:s12] =	ssyncadd.s32 $0xFFFFF000  }
0x144: {  	_ =	swait.ge [sflag:s12], $0x1000  }
0x145: {  	[sflag:s12] =	ssyncset.done $0x0  }
0x146: {  	[sflag:s12] =	ssyncadd.s32 $0xFFFFF000  }
0x147: {  	_ =	swait.ge [sflag:s12], $0x1000  }
0x148: {  	[sflag:s12] =	ssyncset.done $0x0  }
0x149: {  	[sflag:s12] =	ssyncadd.s32 $0xFFFFF000  }
0x14a: {  	_ =	swait.ge [sflag:s12], $0x1000  }
0x14b: {  	[sflag:s12] =	ssyncset.done $0x0  }
0x14c: {  	[sflag:s12] =	ssyncadd.s32 $0xFFFFF000  }
0x14d: {  	_ =	swait.ge [sflag:s12], $0x1000  }
0x14e: {  	[sflag:s12] =	ssyncset.done $0x0  }
0x14f: {  	[sflag:s12] =	ssyncadd.s32 $0xFFFFF000  }
0x150: {  	_ =	swait.ge [sflag:s12], $0x1000  }
0x151: {  	[sflag:s12] =	ssyncset.done $0x0  }
0x152: {  	[sflag:s12] =	ssyncadd.s32 $0xFFFFF000  }
0x153: {  	_ =	swait.ge [sflag:s12], $0x1000  }
0x154: {  	[sflag:s12] =	ssyncset.done $0x0  }
0x155: {  	p0 =	seq.s32 s16, $0x3;
	[sflag:s12] =	ssyncadd.s32 $0xFFFFF000  }
0x156: {  	s13 =	sadd.s32 @!p0 s17, s20;
	_ =	swait.ge [sflag:s12], $0x1000  }
0x157: {  	s13 =	sshrl.u32 @!p0 s13, $0x3;
	[sflag:s12] =	ssyncset.done $0x0  }
0x158: {  	s19 =	simm.s32 @!p0 $0x0;
	s17 =	sadd.s32 @!p0 s4, s13;
	[sflag:s12] =	ssyncadd.s32 $0xFFFFF000  }
0x159: {  	[tilespmem:s19], [sflag:$0x1] =	stream.linear.gather @!p0 [hbm4b:s17+s19], $0x1000, $0x38;
	[tilespmem:$0x18400] =	vst v63  }
0x15a: {  	s21 =	simm.s32 @!p0 $0x1000;
	s17 =	sadd.s32 @!p0 s5, s13  }
0x15b: {  	[tilespmem:s21], [sflag:$0x1] =	stream.linear.gather @!p0 [hbm4b:s17+s19], $0x1000, $0x38;
	[tilespmem:$0x18400] =	vst v63  }
0x15c: {  	s17 =	sadd.s32 @!p0 s6, s13;
	s21 =	simm.s32 @!p0 $0x2000  }
0x15d: {  	[tilespmem:s21], [sflag:$0x1] =	stream.linear.gather @!p0 [hbm4b:s17+s19], $0x1000, $0x38;
	[tilespmem:$0x18400] =	vst v63  }
0x15e: {  	s17 =	sadd.s32 @!p0 s7, s13;
	s21 =	simm.s32 @!p0 $0x3000  }
0x15f: {  	[tilespmem:s21], [sflag:$0x1] =	stream.linear.gather @!p0 [hbm4b:s17+s19], $0x1000, $0x38;
	[tilespmem:$0x18400] =	vst v63  }
0x160: {  	s17 =	sadd.s32 @!p0 s8, s13;
	s21 =	simm.s32 @!p0 $0x4000  }
0x161: {  	[tilespmem:s21], [sflag:$0x1] =	stream.linear.gather @!p0 [hbm4b:s17+s19], $0x1000, $0x38;
	[tilespmem:$0x18400] =	vst v63  }
0x162: {  	s17 =	sadd.s32 @!p0 s9, s13;
	s21 =	simm.s32 @!p0 $0x5000  }
0x163: {  	[tilespmem:s21], [sflag:$0x1] =	stream.linear.gather @!p0 [hbm4b:s17+s19], $0x1000, $0x38;
	[tilespmem:$0x18400] =	vst v63  }
0x164: {  	s17 =	sadd.s32 @!p0 s10, s13;
	s21 =	simm.s32 @!p0 $0x6000  }
0x165: {  	[tilespmem:s21], [sflag:$0x1] =	stream.linear.gather @!p0 [hbm4b:s17+s19], $0x1000, $0x38;
	[tilespmem:$0x18400] =	vst v63  }
0x166: {  	v8 =	vimm.s32 $0x0;
	s13 =	sadd.s32 @!p0 s1, s13;
	s17 =	simm.s32 @!p0 $0x7000  }
0x167: {  	(v2sf) =	vpush v8, $0x0;
	[tilespmem:s17], [sflag:$0x1] =	stream.linear.gather @!p0 [hbm4b:s13+s19], $0x1000, $0x38;
	[tilespmem:$0x18400] =	vst v63  }
0x168: {  	s17 =	simm.s32 $0xF000  }
0x169: {  	s21 =	simm.s32 $0xC000;
	v9 =	vld [tilespmem:s17+$0x0]  }
0x16a: {  	v10 =	vld [tilespmem:s21+$0x0];
	_ =	sdelay $0x4  }
0x16b: {  	vm5 =	vlt.s32 v9, $0x2;
	vm6 =	veq.f32 v10, $1.000000000e+00  }
0x16c: {  	vm5 =	vmor vm5, vm6  }
0x16d: {  	v9 =	vmpcnt.ones.xlane vm5;
	_ =	sdelay $0x1  }
0x16e: {  	vm5 =	vgt.s32 v9, $0x0  }
0x16f: {  	v9 =	vsel vm5, $0x1, v1  }
0x170: {  	v8 =	vadd.s32 v9, v8  }
0x171: {  	s22 =	simm.s32 $0x2;
	s19 =	simm.s32 $0x1;
	vm5 =	vmand vm5, vm0;
	v9 =	vmov s18;
	s18 =	spop (v2sf);
	(v2sf) =	vpush v8, $0x0  }
.LBB2_9:
0x172: {  	p0 =	sne.s32 s22, $0xFF;
	[tilespmem:s18+$0x10000] =	vst.msk vm5, v9;
	s17 =	sadd.s32 $0x10, s17;
	s21 =	sadd.s32 $0x10, s21  }
0x173: {  	s13 =	smov.u32 s22;
	s22 =	sadd.s32 $0x1, s22;
	v9 =	vld [tilespmem:s17+$0x0]  }
0x174: {  	v10 =	vld [tilespmem:s21+$0x0];
	_ =	sdelay $0x4  }
0x175: {  	vm5 =	vlt.s32 v9, $0x2;
	vm6 =	veq.f32 v10, $1.000000000e+00  }
0x176: {  	vm5 =	vmor vm5, vm6  }
0x177: {  	v9 =	vmpcnt.ones.xlane vm5  }
.Ltmp8:
0x178: {  	(pc) =	sbr.rel @p0 .LBB2_9-.Ltmp8, $4  }
0x179: {  	vm5 =	vgt.s32 v9, $0x0  }
0x17a: {  	v9 =	vsel vm5, $0x1, v1  }
0x17b: {  	v8 =	vadd.s32 v9, v8  }
0x17c: {  	vm5 =	vmand vm5, vm0;
	v9 =	vmov s19;
	s19 =	smov.u32 s13;
	(v2sf) =	vpush v8, $0x0;
	s18 =	spop (v2sf)  }
0x17d: {  	[tilespmem:s18+$0x10000] =	vst.msk vm5, v9;
	s13 =	sadd.s32 $0x10, s17  }
0x17e: {  	s22 =	sadd.s32 $0x10, s21;
	v9 =	vld [tilespmem:s13+$0x0]  }
0x17f: {  	v10 =	vld [tilespmem:s22+$0x0];
	_ =	sdelay $0x4  }
0x180: {  	vm5 =	vlt.s32 v9, $0x2;
	vm6 =	veq.f32 v10, $1.000000000e+00  }
0x181: {  	vm5 =	vmor vm5, vm6  }
0x182: {  	v63 =	vmpcnt.ones.xlane vm5;
	_ =	sdelay $0x1  }
0x183: {  	vm5 =	vgt.s32 v63, $0x0  }
0x184: {  	v9 =	vsel vm5, $0x1, v1  }
0x185: {  	v8 =	vadd.s32 v9, v8  }
0x186: {  	(v2sf) =	vpush v8, $0x0;
	_ =	sdelay $0xd  }
0x187: {  	s23 =	spop (v2sf)  }
0x188: {  	s17 =	spop (v2sf)  }
0x189: {  	p0 =	slt.s32 s17, $0x1  }
.Ltmp9:
0x18a: {  	_ = 	snop;
	(pc) =	sbr.rel @p0 .LBB2_14-.Ltmp9, $3  }
0x18b: {  	_ =	sdelay $0x1  }
0x18c: {  	vm5 =	vmand vm5, vm0;
	v8 =	vmov s19  }
0x18d: {  	s18 =	simm.s32 $0x0;
	[tilespmem:s23+$0x10000] =	vst.msk vm5, v8  }
0x18e: {  	s13 =	sand.u32 $0x7FFFFFF0, s18  }
0x18f: {  	v8 =	vld [tilespmem:s13+$0x10000];
	_ =	sdelay $0x1  }
0x190: {  	s22 =	sand.u32 $0xF, s18  }
0x191: {  	v9 =	vmov s22  }
0x192: {  	vm5 =	veq.s32 v9, v2  }
0x193: {  	v8 =	vnsel vm5, $0x0, v8  }
0x194: {  	(xrf0) =	vadd.scan.msk.s32 $0xffff, v8;
	_ =	sdelay $0x5  }
0x195: {  	v8, _, _ =	vpop (xrf0)  }
0x196: {  	(v2sf) =	vpush v8, $0xF;
	_ =	sdelay $0xe  }
0x197: {  	s23 =	spop (v2sf)  }
0x198: {  	s19 =	sshll.u32 s23, $0x4  }
0x199: {  	v8 =	vld [tilespmem:s19+$0x8000]  }
0x19a: {  	v9 =	vld [tilespmem:s19+$0x9000]  }
0x19b: {  	v12 =	vld [tilespmem:s19+$0xF000];
	_ =	sdelay $0x3  }
0x19c: {  	v10 =	vsub.f32 v8, v9;
	v8 =	vsub.f32 v9, v8  }
0x19d: {  	vm5 =	vgt.s32 v12, $0x0  }
0x19e: {  	v10 =	vsel vm5, v10, v8  }
0x19f: {  	v8 =	vand.u32 $0x7FFFFFFF, v10  }
0x1a0: {  	v8 =	vsub.f32 $0.0e+00, v8;
	_ =	sdelay $0x1  }
0x1a1: {  	v8 =	vmul.f32 $1.442695020e+00, v8;
	_ =	sdelay $0x1  }
0x1a2: {  	(erf) = vpow2.f32 v8;
	_ =	sdelay $0x8  }
0x1a3: {  	v8 =	vpop (erf)  }
0x1a4: {  	v9 =	vadd.f32 $2.000000000e+00, v8;
	_ =	sdelay $0x1  }
0x1a5: {  	(erf) = vrcp.f32 v9;
	_ =	sdelay $0x8  }
0x1a6: {  	v9 =	vpop (erf)  }
0x1a7: {  	v8 =	vmul.f32 v9, v8;
	_ =	sdelay $0x1  }
0x1a8: {  	v9 =	vmul.f32 v8, v8;
	_ =	sdelay $0x1  }
0x1a9: {  	v11 =	vmul.f32 $1.428571490e-01, v9;
	_ =	sdelay $0x1  }
0x1aa: {  	v11 =	vadd.f32 $2.000000030e-01, v11;
	_ =	sdelay $0x1  }
0x1ab: {  	v11 =	vmul.f32 v11, v9;
	_ =	sdelay $0x1  }
0x1ac: {  	v11 =	vadd.f32 $3.333333430e-01, v11;
	_ =	sdelay $0x1  }
0x1ad: {  	v9 =	vmul.f32 v11, v9;
	_ =	sdelay $0x1  }
0x1ae: {  	p0 =	sne.s32 s17, $0x1;
	v11 =	vadd.f32 v8, v8;
	v9 =	vadd.f32 $1.000000000e+00, v9  }
.Ltmp10:
0x1af: {  	_ = 	snop;
	(pc) =	sbr.rel @!p0 .LBB2_13-.Ltmp10, $4  }
0x1b0: {  	v8 =	vld [tilespmem:s19+$0xC000];
	v11 =	vmul.f32 v9, v11  }
0x1b1: {  	vm6 =	veq.s32 v12, $0x0;
	vm5 =	veq.s32 v12, $0x1;
	v12 =	vld [tilespmem:s19+$0xA000];
	v14 =	vmax.f32 v10, $0.0e+00  }
0x1b2: {  	v13 =	vsel vm5, $0x3F800000, v1;
	v10 =	vld [tilespmem:s19+$0xE000];
	v11 =	vadd.f32 v11, v14  }
0x1b3: {  	s18 =	simm.s32 $0x1;
	v6 =	vadd.f32 v13, v6;
	v9 =	vld [tilespmem:s19+$0xD000]  }
.LBB2_12:
0x1b4: {  	s13 =	sand.u32 $0x7FFFFFF0, s18;
	v13 =	vnsel vm5, $0x0, v11;
	v14 =	vsel vm6, $0x3F800000, v1;
	v15 =	vld [tilespmem:s19+$0xB000];
	v16 =	vmpcnt.ones.xlane vm6;
	[tilespmem:s15+$0x10180] =	vst.msk vm6, v11;
	s19 =	smov.u32 s18;
	s18 =	sadd.s32 $0x1, s18  }
0x1b5: {  	vm5 =	veq.f32 v8, $1.000000000e+00;
	v11 =	vld [tilespmem:s13+$0x10000];
	p0 =	sne.s32 s17, s18;
	v7 =	vadd.f32 v13, v7;
	v5 =	vadd.f32 v14, v5  }
0x1b6: {  	v8 =	vsel vm5, $0x3F800000, v1;
	(v2sf) =	vpush v16, $0x0  }
0x1b7: {  	s13 =	sand.u32 $0xF, s19;
	v3 =	vadd.f32 v8, v3  }
0x1b8: {  	v9 =	vsub.f32 v9, v12;
	v8 =	vmov s13  }
0x1b9: {  	vm6 =	veq.s32 v8, v2;
	v8 =	vsub.f32 v10, v15  }
0x1ba: {  	v9 =	vand.u32 $0x7FFFFFFF, v9;
	v10 =	vnsel vm6, $0x0, v11  }
0x1bb: {  	v11 =	vadd.f32 $-5.555555600e-02, v9;
	(xrf0) =	vadd.scan.msk.s32 $0xffff, v10;
	v8 =	vand.u32 $0x7FFFFFFF, v8;
	v10 =	vmul.f32 $4.500000000e+00, v9  }
0x1bc: {  	vm6 =	vlt.f32 v9, $1.111111120e-01;
	v12 =	vmul.f32 $4.500000000e+00, v8;
	v13 =	vadd.f32 $-5.555555600e-02, v8  }
0x1bd: {  	vm7 =	vlt.f32 v8, $1.111111120e-01;
	v9 =	vmul.f32 v10, v9  }
0x1be: {  	v8 =	vmul.f32 v12, v8  }
0x1bf: {  	v9 =	vsel vm6, v9, v11  }
0x1c0: {  	v8 =	vsel vm7, v8, v13  }
0x1c1: {  	v10, _, _ =	vpop (xrf0);
	v8 =	vadd.f32 v8, v9  }
0x1c2: {  	(v2sf) =	vpush v10, $0xF  }
0x1c3: {  	v8 =	vnsel vm5, $0x0, v8  }
0x1c4: {  	v4 =	vadd.f32 v8, v4  }
0x1c5: {  	s13 =	spop (v2sf)  }
0x1c6: {  	s15 =	sadd.s32 s15, s13;
	_ =	sdelay $0xa  }
0x1c7: {  	s13 =	spop (v2sf)  }
0x1c8: {  	s19 =	sshll.u32 s13, $0x4  }
0x1c9: {  	v8 =	vld [tilespmem:s19+$0x8000]  }
0x1ca: {  	v9 =	vld [tilespmem:s19+$0x9000]  }
0x1cb: {  	v12 =	vld [tilespmem:s19+$0xF000];
	_ =	sdelay $0x3  }
0x1cc: {  	v10 =	vsub.f32 v8, v9;
	v8 =	vsub.f32 v9, v8  }
0x1cd: {  	vm6 =	vgt.s32 v12, $0x0;
	vm5 =	veq.s32 v12, $0x1  }
0x1ce: {  	v9 =	vsel vm6, v10, v8;
	v8 =	vsel vm5, $0x3F800000, v1  }
0x1cf: {  	v10 =	vand.u32 $0x7FFFFFFF, v9;
	v6 =	vadd.f32 v8, v6  }
0x1d0: {  	v8 =	vsub.f32 $0.0e+00, v10;
	_ =	sdelay $0x1  }
0x1d1: {  	v8 =	vmul.f32 $1.442695020e+00, v8;
	_ =	sdelay $0x1  }
0x1d2: {  	(erf) = vpow2.f32 v8;
	_ =	sdelay $0x8  }
0x1d3: {  	v8 =	vpop (erf)  }
0x1d4: {  	v10 =	vadd.f32 $2.000000000e+00, v8;
	_ =	sdelay $0x1  }
0x1d5: {  	(erf) = vrcp.f32 v10;
	_ =	sdelay $0x8  }
0x1d6: {  	v10 =	vpop (erf)  }
0x1d7: {  	v8 =	vmul.f32 v10, v8;
	_ =	sdelay $0x1  }
0x1d8: {  	v10 =	vmul.f32 v8, v8;
	_ =	sdelay $0x1  }
0x1d9: {  	v11 =	vmul.f32 $1.428571490e-01, v10;
	_ =	sdelay $0x1  }
0x1da: {  	v11 =	vadd.f32 $2.000000030e-01, v11;
	_ =	sdelay $0x1  }
0x1db: {  	v11 =	vmul.f32 v11, v10;
	_ =	sdelay $0x1  }
0x1dc: {  	v11 =	vadd.f32 $3.333333430e-01, v11;
	_ =	sdelay $0x1  }
0x1dd: {  	v10 =	vmul.f32 v11, v10;
	_ =	sdelay $0x1  }
0x1de: {  	v11 =	vadd.f32 v8, v8;
	v10 =	vadd.f32 $1.000000000e+00, v10  }
.Ltmp11:
0x1df: {  	(pc) =	sbr.rel @p0 .LBB2_12-.Ltmp11, $4  }
0x1e0: {  	v8 =	vld [tilespmem:s19+$0xC000];
	v10 =	vmul.f32 v10, v11  }
0x1e1: {  	v11 =	vmax.f32 v9, $0.0e+00;
	v9 =	vld [tilespmem:s19+$0xD000]  }
0x1e2: {  	v11 =	vadd.f32 v10, v11;
	v10 =	vld [tilespmem:s19+$0xE000]  }
0x1e3: {  	vm6 =	veq.s32 v12, $0x0;
	v12 =	vld [tilespmem:s19+$0xA000]  }
.Ltmp12:
0x1e4: {  	_ = 	snop;
	(pc) =	sbr.rel .LBB2_13-.Ltmp12, $1  }
0x1e5: {  	_ =	sdelay $0x3  }
.LBB2_15:
0x1e6: {  	p0 =	sgt.s32 s15, $0x100  }
.Ltmp13:
0x1e7: {  	_ = 	snop;
	(pc) =	sbr.rel @!p0 .LBB2_34-.Ltmp13, $2  }
0x1e8: {  	_ =	sdelay $0x2  }
0x1e9: {  	[tilespmem:s15+$0x10180] =	vst v0  }
.Ltmp14:
0x1ea: {  	(pc) =	sbr.rel .LBB2_17-.Ltmp14, $3  }
0x1eb: {  	_ =	sdelay $0x1  }
0x1ec: {  	s13 =	sadd.s32 $0xF, s15;
	s15 =	simm.s32 $0x0  }
0x1ed: {  	s18 =	simm.s32 $0x7F800000;
	s17 =	simm.s32 $0x0;
	s16 =	sshra.s32 s13, $0x4  }
.LBB2_20:
0x1ee: {  	v9 =	vsel vm5, $0x1, v1  }
0x1ef: {  	v8 =	vadd.s32 v9, v8  }
.LBB2_21:
0x1f0: {  	(xrf0) =	vadd.scan.msk.s32 $0xffff, v8;
	_ =	sdelay $0x5  }
0x1f1: {  	v8, _, _ =	vpop (xrf0)  }
0x1f2: {  	(v2sf) =	vpush v8, $0xF;
	_ =	sdelay $0xe  }
0x1f3: {  	s13 =	spop (v2sf)  }
0x1f4: {  	s17 =	sadd.s32 $0x1, s17;
	p1 =	sgt.s32 s13, $0xFF  }
0x1f5: {  	s15 =	smov.u32 @p1 s19;
	s19 =	smov.u32 @p1 s18;
	p1 =	sne.s32 s17, $0x1F  }
.Ltmp15:
0x1f6: {  	_ = 	snop;
	(pc) =	sbr.rel @!p1 .LBB2_22-.Ltmp15, $2  }
0x1f7: {  	_ =	sdelay $0x2  }
0x1f8: {  	s18 =	smov.u32 s19  }
.LBB2_17:
0x1f9: {  	p0 =	slt.s32 s16, $0x1  }
.Ltmp16:
0x1fa: {  	_ = 	snop;
	(pc) =	sbr.rel @p0 .LBB2_21-.Ltmp16, $3  }
0x1fb: {  	_ =	sdelay $0x1  }
0x1fc: {  	s13 =	sadd.s32 s15, s18  }
0x1fd: {  	v8 =	vimm.s32 $0x0;
	s19 =	sshra.s32 s13, $0x1  }
0x1fe: {  	s13 =	simm.s32 $0x10180  }
0x1ff: {  	p1 =	sne.s32 s16, $0x1;
	v10 =	vld [tilespmem:s13+$0x0]  }
.Ltmp17:
0x200: {  	_ = 	snop;
	(pc) =	sbr.rel @!p1 .LBB2_20-.Ltmp17, $3  }
0x201: {  	v9 =	vmov s19  }
0x202: {  	v9 =	vbroadcast v9, $0x0;
	_ =	sdelay $0x1  }
0x203: {  	s21 =	sadd.s32 $0xFFFFFFFF, s16;
	s22 =	simm.s32 $0x10190;
	vm5 =	vge.f32 v10, v9  }
.LBB2_19:
0x204: {  	v10 =	vld [tilespmem:s22+$0x0];
	p1 =	sne.s32 s21, $0x1;
	s21 =	sadd.s32 $0xFFFFFFFF, s21;
	v11 =	vsel vm5, $0x1, v1  }
.Ltmp18:
0x205: {  	v8 =	vadd.s32 v11, v8;
	(pc) =	sbr.rel @p1 .LBB2_19-.Ltmp18, $2  }
0x206: {  	_ =	sdelay $0x2  }
0x207: {  	s22 =	sadd.s32 $0x10, s22;
	vm5 =	vge.f32 v10, v9  }
.Ltmp19:
0x208: {  	_ = 	snop;
	(pc) =	sbr.rel .LBB2_20-.Ltmp19, $1  }
0x209: {  	_ =	sdelay $0x3  }
.LBB2_22:
.Ltmp20:
0x20a: {  	(pc) =	sbr.rel @p0 .LBB2_29-.Ltmp20, $4  }
0x20b: {  	_ = 	snop  }
0x20c: {  	v8 =	vmov s15  }
0x20d: {  	v8 =	vbroadcast v8, $0x0  }
0x20e: {  	s15 =	simm.s32 $0x0;
	s18 =	simm.s32 $0x10180;
	s17 =	simm.s32 $0x0  }
0x20f: {  	p1 =	sne.s32 s16, $0x1  }
.Ltmp21:
0x210: {  	_ = 	snop;
	(pc) =	sbr.rel @!p1 .LBB2_24-.Ltmp21, $2  }
0x211: {  	_ =	sdelay $0x2  }
0x212: {  	v9 =	vld [tilespmem:s18+$0x0];
	s16 =	sadd.s32 $0xFFFFFFFF, s16;
	p0 =	por $0x0, $0x0  }
0x213: {  	_ =	sdelay $0x3  }
0x214: {  	vm5 =	vgt.f32 v9, v8  }
0x215: {  	v10 =	vmpcnt.ones.xlane vm5;
	_ =	sdelay $0x1  }
0x216: {  	(v2sf) =	vpush v10, $0x0;
	_ =	sdelay $0x2  }
0x217: {  	p1 =	sne.s32 s16, $0x1  }
.Ltmp22:
0x218: {  	_ = 	snop;
	(pc) =	sbr.rel @!p1 .LBB2_26-.Ltmp22, $3  }
0x219: {  	_ =	sdelay $0x1  }
0x21a: {  	s17 =	sadd.s32 $0x10, s18;
	[tilespmem:s15+$0x18200] =	vst.msk vm5, v9  }
0x21b: {  	s18 =	sadd.s32 $0xFFFFFFFF, s16;
	p0 =	por $0x1, $0x1;
	s16 =	simm.s32 $0x0;
	v9 =	vld [tilespmem:s17+$0x0]  }
.LBB2_27:
0x21c: {  	p1 =	sne.s32 s18, $0x1;
	_ =	sdelay $0x3  }
0x21d: {  	vm5 =	vgt.f32 v9, v8  }
0x21e: {  	v10 =	vmpcnt.ones.xlane vm5  }
0x21f: {  	s13 =	spop (v2sf)  }
0x220: {  	(v2sf) =	vpush v10, $0x0;
	s16 =	sadd.s32 s16, s13  }
0x221: {  	[tilespmem:s16+$0x18200] =	vst.msk vm5, v9;
	_ =	sdelay $0x2  }
.Ltmp23:
0x222: {  	(pc) =	sbr.rel @p1 .LBB2_27-.Ltmp23, $3  }
0x223: {  	_ =	sdelay $0x1  }
0x224: {  	s17 =	sadd.s32 $0x10, s17  }
0x225: {  	s18 =	sadd.s32 $0xFFFFFFFF, s18;
	v9 =	vld [tilespmem:s17+$0x0]  }
.LBB2_28:
0x226: {  	_ =	sdelay $0x3  }
0x227: {  	vm5 =	vgt.f32 v9, v8  }
0x228: {  	v10 =	vmpcnt.ones.xlane vm5;
	_ =	sdelay $0x1  }
0x229: {  	(v2sf) =	vpush v10, $0x0;
	_ =	sdelay $0xc  }
0x22a: {  	s13 =	spop @p0 (v2sf)  }
0x22b: {  	s13 =	sadd.s32 @p0 s16, s13;
	s16 =	simm.s32 $0x0  }
0x22c: {  	s16 =	smov.u32 @p0 s13;
	s23 =	spop (v2sf)  }
0x22d: {  	[tilespmem:s16+$0x18200] =	vst.msk vm5, v9;
	s17 =	sadd.s32 s16, s23  }
.LBB2_29:
0x22e: {  	s13 =	ssub.s32 $0x100, s17;
	s16 =	sadd.s32 $0x0, s17  }
0x22f: {  	v10 =	vor.u32 s15, v2;
	v9 =	vmov s13;
	p0 =	slt.s32 s16, $0x120  }
0x230: {  	s15 =	simm.s32 $0x10;
	vm5 =	vlt.s32 v10, v9;
	s16 =	simm.s32 @!p0 $0x120  }
.LBB2_30:
0x231: {  	p0 =	sne.s32 s15, $0xF0;
	[tilespmem:s16+$0x18200] =	vst.msk vm5, v8;
	s13 =	smov.u32 s15;
	s15 =	sadd.s32 $0x10, s15  }
.Ltmp24:
0x232: {  	(pc) =	sbr.rel @p0 .LBB2_30-.Ltmp24, $4  }
0x233: {  	_ = 	snop  }
0x234: {  	s16 =	sadd.s32 s13, s17  }
0x235: {  	v10 =	vor.u32 s13, v2;
	p1 =	slt.s32 s16, $0x120  }
0x236: {  	vm5 =	vlt.s32 v10, v9;
	s16 =	simm.s32 @!p1 $0x120  }
.Ltmp25:
0x237: {  	(pc) =	sbr.rel .LBB2_32-.Ltmp25, $2  }
0x238: {  	_ =	sdelay $0x2  }
0x239: {  	[tilespmem:s16+$0x18200] =	vst.msk vm5, v8  }
.LBB2_24:
.Ltmp26:
0x23a: {  	(pc) =	sbr.rel .LBB2_28-.Ltmp26, $2  }
0x23b: {  	_ =	sdelay $0x2  }
0x23c: {  	s16 =	simm.s32 $0x0  }
.LBB2_26:
.Ltmp27:
0x23d: {  	(pc) =	sbr.rel .LBB2_28-.Ltmp27, $2  }
0x23e: {  	_ =	sdelay $0x2  }
0x23f: {  	s16 =	simm.s32 $0x0  }
.LBB2_33:
0x240: {  	_ =	sfence.sel $0x180000  }
0x241: {  	[bflag:$0x0] =	sbarrier.arrive $0xFFFF  }
0x242: {  	_ =	strace $0x90000047  }
0x243: {  	s0 =	stileid.u32;
	[bflag:$0x2] =	sbarrier.arrive $0xFFFF  }
0x244: {  	p0 =	sne.s32 s0, $0x0;
	s0 =	rddreg [dreg:$0x2]  }
0x245: {  	s0 =	sadd.s32 @!p0 $0x100000, s0  }
0x246: {  	[sflag:s0] =	ssyncadd.tile.s32 @!p0 $0x1;
	_ =	shalt  }
.Lfunc_end2:
_tile_overlayer_lowered:
.L_overlay_start_2:
0x247: {  	(tag) =	ssettag $0x2  }
0x248: {  	s0 =	rddreg [dreg:$0x0];
	s2 =	stileid.u32  }
0x249: {  	s1 =	rddreg [dreg:$0x1];
	p0 =	sne.s32 s2, $0x0  }
0x24a: {  	s3 =	rddreg [dreg:$0x2];
	[bflag:$0x3] =	sbarrier.arrive $0xFFFF;
	s2 =	simm.s32 @!p0 $0x1C03  }
0x24b: {  	[timem:s3], [sflag:s2] =	dma.local @!p0 [hbm:s0], s1  }
0x24c: {  	s0 =	simm.s32 @!p0 $0x3  }
0x24d: {  	_ =	swait.ge @!p0 [sflag:s0], s1  }
0x24e: {  	s1 =	ssub.s32 @!p0 $0x0, s1;
	[sflag:s0] =	ssyncset.done @!p0 $0x0  }
0x24f: {  	[sflag:s0] =	ssyncadd.s32 @!p0 s1  }
0x250: {  	[bflag:$0x3] =	sbarrier.arrive $0xFFFF  }
0x251: {  	_ =	shalt  }

// kernel: kernel.7.cloned.1.call-start
scs
__scs_entry_jumppad:
0x0: {  	(pc) =	sbr.rel $0x88, $3  }
0x1: {  	(tag) =	ssettag $0x0;
	lr =	simm.s32 $0x1  }
0x2: {  	[smem:$0x3F9D] =	sst lr;
	_ =	strace $0xD0000000  }
0x3: {  	_ = 	snop  }
0x4: {  	_ = 	snop  }
0x5: {  	_ = 	snop  }
0x6: {  	_ = 	snop  }
0x7: {  	_ = 	snop  }
__scs_overlays_trampoline_lowered:
0x8: {  	[smem:$0x3FAC] =	sst s0  }
0x9: {  	[smem:$0x3FAD] =	sst s1  }
0xa: {  	[smem:$0x3FAE] =	sst s2  }
0xb: {  	[smem:$0x3FAF] =	sst s3  }
0xc: {  	[smem:$0x3FB0] =	sst s4  }
0xd: {  	[smem:$0x3FB1] =	sst s5  }
0xe: {  	[smem:$0x3FB2] =	sst s6  }
0xf: {  	[smem:$0x3FB3] =	sst s7  }
0x10: {  	[smem:$0x3FB4] =	sst s8  }
0x11: {  	[smem:$0x3FB5] =	sst s9;
	s0 =	simm.s32 @!p0 $0x0  }
0x12: {  	s1 =	sld [smem:$0x3F9B];
	s0 =	simm.s32 @p0 $0x1  }
0x13: {  	[smem:$0x3FB6] =	sst s0;
	s0 =	simm.s32 @!p1 $0x0  }
0x14: {  	s2 =	sld [smem:$0x3F9A];
	s0 =	simm.s32 @p1 $0x1  }
0x15: {  	[smem:$0x3FB7] =	sst s0;
	s0 =	simm.s32 @!p2 $0x0  }
0x16: {  	s3 =	sld [smem:$0x3FDB];
	s0 =	simm.s32 @p2 $0x1  }
0x17: {  	s4 =	simm.s32 $0x1BF5;
	[smem:$0x3FB9] =	sst s0  }
0x18: {  	s0 =	sld [smem:$0x3F9C];
	_ =	swait.ge [sflag:s4], $0x0  }
0x19: {  	s7 =	sld [smem:$0x3F9D]  }
0x1a: {  	s8 =	sadd.s32 $0xFFFFE003, lr  }
0x1b: {  	s9 =	sadd.s32 $0xFFFFFEF7, lr;
	s5 =	simm.s32 $0xFFFFFFFF;
	p2 =	slt.u32 s8, $0xFFFFF086  }
0x1c: {  	p1 =	slt.u32 s9, $0xF7A;
	s5 =	simm.s32 @!p2 $0x0  }
0x1d: {  	s5 =	simm.s32 @p1 $0x1;
	p0 =	seq.s32 s7, s2  }
0x1e: {  	s7 =	smul.u32 @!p0 $0xF7A, s2;
	p2 =	seq.s32 @!p0 s5, $0x0  }
0x1f: {  	s9 =	smul.u32 $0xF7A, s1;
	s8 =	simm.s32 @!p0 $0x1BF5;
	p2 =	por !p2, p0  }
0x20: {  	[sflag:s8] =	ssyncset.s32 @!p0 $0xFFFFF086;
	s6 =	sadd.s32 @!p0 s3, s7;
	s7 =	simm.s32 @!p0 $0x108  }
0x21: {  	s3 =	sadd.s32 s3, s9;
	s6 =	sadd.s32 @!p0 $0x88, s6;
	s7 =	simm.s32 @p2 $0x1082  }
0x22: {  	[simem:s7], [sflag:s8] =	dma.local @!p0 [hbm:s6], $0xF7A  }
0x23: {  	s9 =	sor.u32 $0xD0000000, s2;
	s6 =	simm.s32 $0x108;
	_ =	swait.ge @!p0 [sflag:s8], $0x0  }
0x24: {  	s3 =	sadd.s32 $0x88, s3;
	s6 =	simm.s32 @!p1 $0x1082;
	[sflag:s4] =	ssyncset.s32 $0xFFFFF086  }
0x25: {  	[simem:s6], [sflag:s4] =	dma.local [hbm:s3], $0xF7A  }
0x26: {  	[smem:$0x3F9D] =	sst s1;
	(tag) =	ssettag s2;
	_ =	strace s9  }
0x27: {  	s1 =	sld [smem:$0x3FAD]  }
0x28: {  	s2 =	sld [smem:$0x3FAE]  }
0x29: {  	s4 =	sld [smem:$0x3FB0]  }
0x2a: {  	p0 =	seq.s32 s5, $0x0;
	s5 =	sld [smem:$0x3FB1]  }
0x2b: {  	s6 =	sld [smem:$0x3FB2]  }
0x2c: {  	s7 =	sld [smem:$0x3FB3]  }
0x2d: {  	s3 =	simm.s32 $0x108;
	s8 =	sld [smem:$0x3FB4]  }
0x2e: {  	s3 =	simm.s32 @!p0 $0x1082;
	s9 =	sld [smem:$0x3FB5]  }
0x2f: {  	lr =	sadd.s32 s0, s3;
	s0 =	sld [smem:$0x3FAC]  }
0x30: {  	s3 =	sld [smem:$0x3FAF]  }
0x31: {  	[smem:$0x3FB8] =	sst s10  }
0x32: {  	s10 =	sld [smem:$0x3FB6];
	_ =	sdelay $0x3  }
0x33: {  	p0 =	seq.s32 s10, $0x1;
	s10 =	sld [smem:$0x3FB8];
	_ =	sdelay $0x3  }
0x34: {  	[smem:$0x3FB8] =	sst s10  }
0x35: {  	s10 =	sld [smem:$0x3FB7];
	_ =	sdelay $0x3  }
0x36: {  	p1 =	seq.s32 s10, $0x1;
	s10 =	sld [smem:$0x3FB8];
	_ =	sdelay $0x3  }
0x37: {  	[smem:$0x3FB8] =	sst s10  }
0x38: {  	s10 =	sld [smem:$0x3FB9]  }
0x39: {  	_ = 	snop;
	(pc) =	sbr.ind lr, $3  }
0x3a: {  	_ = 	snop  }
0x3b: {  	_ = 	snop  }
0x3c: {  	p2 =	seq.s32 s10, $0x1;
	s10 =	sld [smem:$0x3FB8]  }
0x3d: {  	_ =	shalt  }
0x3e: {  	_ =	shalt  }
0x3f: {  	_ =	shalt  }
0x40: {  	_ =	shalt  }
0x41: {  	_ =	shalt  }
0x42: {  	_ =	shalt  }
0x43: {  	_ =	shalt  }
0x44: {  	_ =	shalt  }
0x45: {  	_ =	shalt  }
0x46: {  	_ =	shalt  }
0x47: {  	_ =	shalt  }
0x48: {  	_ =	shalt  }
0x49: {  	_ =	shalt  }
0x4a: {  	_ =	shalt  }
0x4b: {  	_ =	shalt  }
0x4c: {  	_ =	shalt  }
0x4d: {  	_ =	shalt  }
0x4e: {  	_ =	shalt  }
0x4f: {  	_ =	shalt  }
0x50: {  	_ =	shalt  }
0x51: {  	_ =	shalt  }
0x52: {  	_ =	shalt  }
0x53: {  	_ =	shalt  }
0x54: {  	_ =	shalt  }
0x55: {  	_ =	shalt  }
0x56: {  	_ =	shalt  }
0x57: {  	_ =	shalt  }
0x58: {  	_ =	shalt  }
0x59: {  	_ =	shalt  }
0x5a: {  	_ =	shalt  }
0x5b: {  	_ =	shalt  }
0x5c: {  	_ =	shalt  }
0x5d: {  	_ =	shalt  }
0x5e: {  	_ =	shalt  }
0x5f: {  	_ =	shalt  }
0x60: {  	_ =	shalt  }
0x61: {  	_ =	shalt  }
0x62: {  	_ =	shalt  }
0x63: {  	_ =	shalt  }
0x64: {  	_ =	shalt  }
0x65: {  	_ =	shalt  }
0x66: {  	_ =	shalt  }
0x67: {  	_ =	shalt  }
0x68: {  	_ =	shalt  }
0x69: {  	_ =	shalt  }
0x6a: {  	_ =	shalt  }
0x6b: {  	_ =	shalt  }
0x6c: {  	_ =	shalt  }
0x6d: {  	_ =	shalt  }
0x6e: {  	_ =	shalt  }
0x6f: {  	_ =	shalt  }
0x70: {  	_ =	shalt  }
0x71: {  	_ =	shalt  }
0x72: {  	_ =	shalt  }
0x73: {  	_ =	shalt  }
0x74: {  	_ =	shalt  }
0x75: {  	_ =	shalt  }
0x76: {  	_ =	shalt  }
0x77: {  	_ =	shalt  }
0x78: {  	_ =	shalt  }
0x79: {  	_ =	shalt  }
0x7a: {  	_ =	shalt  }
0x7b: {  	_ =	shalt  }
0x7c: {  	_ =	shalt  }
0x7d: {  	_ =	shalt  }
0x7e: {  	_ =	shalt  }
0x7f: {  	_ =	shalt  }
0x80: {  	_ =	shalt  }
0x81: {  	_ =	shalt  }
0x82: {  	_ =	shalt  }
0x83: {  	_ =	shalt  }
0x84: {  	_ =	shalt  }
0x85: {  	_ =	shalt  }
0x86: {  	_ =	shalt  }
0x87: {  	_ =	shalt  }
.Lfunc_end0:
.L_simem_size_0:
called_computation.1_lowered:
.L_overlay_start_0:
0x88: {  	s2 =	sld [smem:$0x3FD9]  }
0x89: {  	s3 =	sld [smem:$0x3FFE];
	_ =	sdelay $0x1  }
0x8a: {  	s1 =	srdreg.scid  }
0x8b: {  	s0 =	sand.u32 $0x1, s1  }
0x8c: {  	s17 =	sshll.u32 s0, $0xA;
	s2 =	sadd.s32 s3, s2  }
0x8d: {  	s2 =	sadd.s32 s2, s17  }
0x8e: {  	[smem:$0x3FC4] =	sst s2  }
0x8f: {  	_ = 	snop  }
0x90: {  	s2 =	sld [smem:$0x3FD0];
	(tm) =	ssettm $0x1  }
0x91: {  	s18 =	sld [smem:$0x3FFB];
	_ =	sdelay $0x3  }
0x92: {  	_ =	strace s18  }
0x93: {  	s3 =	sld [smem:$0x3FFC];
	_ =	sdelay $0x3  }
0x94: {  	_ =	strace s3  }
0x95: {  	s3 =	sld [smem:$0x3FFD];
	_ =	sdelay $0x3  }
0x96: {  	_ =	strace s3  }
0x97: {  	_ =	strace $0x8FFFFFFF  }
0x98: {  	s19 =	sld [smem:$0x3FDB];
	_ =	sdelay $0x1  }
0x99: {  	s4 =	simm.s32 $_scs_section_size  }
0x9a: {  	s5 =	simm.s32 $_size__tile_overlayer_lowered;
	s6 =	simm.s32 $_tile_overlayer_lowered  }
0x9b: {  	s22 =	simm.s32 $0x1BFF;
	s21 =	sshll.u32 s6, $0x1;
	s3 =	sadd.s32 s4, s19  }
0x9c: {  	s7 =	simm.s32 $0x0;
	s20 =	sshll.u32 s5, $0x1;
	s5 =	sadd.s32 s21, s3  }
0x9d: {  	[timem:s7], [sflag:s22] =	dma.local [hbm:s5], s20  }
0x9e: {  	_ =	swait.ge [sflag:s22], s20  }
0x9f: {  	s4 =	ssub.s32 $0x0, s20;
	[sflag:s22] =	ssyncset.done $0x0  }
0xa0: {  	[sflag:s22] =	ssyncadd.s32 s4;
	_ =	sdelay $0x1  }
0xa1: {  	s23 =	simm.s32 $0x1B8B  }
0xa2: {  	_ =	swait.ge [sflag:s23], $0x1  }
0xa3: {  	[sflag:s23] =	ssyncset.done $0x0  }
0xa4: {  	s25 =	simm.s32 $0x1B8E;
	s24 =	sld [smem:$0x3FFE];
	[sflag:s23] =	ssyncadd.s32 $0xFFFFFFFF  }
0xa5: {  	s26 =	simm.s32 $execute0_lowered;
	[smem:$0x3FD2] =	sst s25  }
0xa6: {  	s5 =	sshll.u32 s26, $0x1;
	_ =	strace $0x80000049;
	[dreg:$0x1] =	wrdreg $0xFFFFFFFF  }
0xa7: {  	s28 =	simm.s32 $_size_execute0_lowered;
	s3 =	sadd.s32 s3, s5;
	[dreg:$0x0] =	wrdreg $0x0  }
0xa8: {  	s5 =	sshll.u32 s28, $0x1;
	[dreg:$0x2] =	wrdreg s3  }
0xa9: {  	[dreg:$0x3] =	wrdreg s5  }
0xaa: {  	[dreg:$0x4] =	wrdreg $0xC0  }
0xab: {  	_ =	task [dreg:s7], $0x5FFFF  }
0xac: {  	[dreg:$0x1] =	wrdreg $0xFFFFFFFF  }
0xad: {  	[dreg:$0x0] =	wrdreg $0x60  }
0xae: {  	[dreg:$0x2] =	wrdreg s24  }
0xaf: {  	[dreg:$0x3] =	wrdreg s2  }
0xb0: {  	[dreg:$0x4] =	wrdreg $0x9  }
0xb1: {  	_ =	task.clear_ibuf [dreg:s7], $0x5FFFF;
	_ =	strace $0x90000049  }
0xb2: {  	s29 =	simm.s32 $0x9;
	_ =	strace $0x8000004B  }
0xb3: {  	_ =	swait.ge [sflag:s29], $0x1  }
0xb4: {  	[sflag:s29] =	ssyncadd.s32 $0xFFFFFFFF  }
0xb5: {  	_ =	strace $0x9000004B  }
0xb6: {  	_ =	sfence  }
0xb7: {  	s30 =	sld [smem:$0x0];
	_ =	sdelay $0x2  }
0xb8: {  	s31 =	sshll.u32 s1, $0xD;
	s1 =	sshrl.u32 s1, $0x2  }
0xb9: {  	s3 =	sand.u32 $0x4000, s31;
	s1 =	sadd.s32 s1, s30  }
0xba: {  	s0 =	sor.u32 s3, s0;
	s1 =	sshll.u32 s1, $0x11  }
0xbb: {  	s0 =	sor.u32 s1, s0  }
0xbc: {  	s0 =	sadd.s32 $0x8F2B, s0  }
0xbd: {  	[sflag:s0] =	ssyncadd.remote.s32 $0x1  }
0xbe: {  	_ =	sfence.sel $0xFFFF  }
0xbf: {  	[dreg:$0x0] =	wrdreg $0xFFFFFFFF;
	(pc) =	sbr.abs _section_cstart, $3  }
0xc0: {  	[dreg:$0x1] =	wrdreg $0xFFFFFFFF  }
0xc1: {  	_ =	task.clear_ibuf [dreg:s7], $0x2FFFF;
	_ =	strace $0x9FFFFFFF  }
0xc2: {  	(tm) =	ssettm $0x7FFFFFFF  }
0xc3: {  	_ =	shalt  }
tec
execute0_lowered:
.L_overlay_start_1:
0x0: {  	(tag) =	ssettag $0x1  }
0x1: {  	s0 =	srdreg.scid  }
0x2: {  	s3 =	sand.u32 $0x1, s0;
	s0 =	stileid.u32  }
0x3: {  	s5 =	sshll.u32 s0, $0x1;
	s6 =	ssub.s32 $0x0, s3  }
0x4: {  	p0 =	sne.s32 s5, s6  }
.Ltmp0:
0x5: {  	_ = 	snop;
	(pc) =	sbr.rel @p0 .LBB2_19-.Ltmp0, $4  }
0x6: {  	_ = 	snop  }
0x7: {  	s4 =	rddreg [dreg:$0x0]  }
0x8: {  	s2 =	rddreg [dreg:$0x1]  }
0x9: {  	s1 =	rddreg [dreg:$0x2];
	_ =	strace $0x8000004A  }
.Ltmp1:
0xa: {  	(pc) =	sbr.rel .LBB2_2-.Ltmp1, $4  }
0xb: {  	s5 =	ssub.s32 $0x2, s3;
	s3 =	sadd.s32 $0xE2000, s4  }
0xc: {  	s4 =	sadd.s32 $0xE2600, s4;
	s7 =	simm.s32 $0x2400;
	s6 =	sshrl.u32 s5, $0x1  }
0xd: {  	s8 =	simm.s32 $0x1;
	s9 =	simm.s32 $0x4A80;
	s5 =	ssub.s32 s5, s6  }
0xe: {  	v0 =	vimm.s32 $0x0;
	v1 =	vimm.f32 $0.0e+00;
	s10 =	simm.s32 $0x0;
	s6 =	simm.s32 $0x0;
	s5 =	smax.u32 s5, $0x1  }
.LBB2_14:
0xf: {  	v4 =	vimm.f32 $0.0e+00  }
.LBB2_18:
0x10: {  	(xrf2) =	vadd.scan.msk.f32 $0xffff, v3;
	_ =	sdelay $0x3  }
0x11: {  	(xrf2) =	vadd.scan.msk.f32 $0xffff, v4;
	_ =	sdelay $0x5  }
0x12: {  	v3, _, _ =	vpop (xrf2)  }
0x13: {  	(v2sf) =	vpush v3, $0xF;
	_ =	sdelay $0x2  }
0x14: {  	v3, _, _ =	vpop (xrf2)  }
0x15: {  	(v2sf) =	vpush v3, $0xF;
	_ =	sdelay $0x6  }
0x16: {  	v3 =	vbroadcast v2, $0x4;
	_ =	sdelay $0x1  }
0x17: {  	v63 =	vmax.f32 v3, $1.000000000e+00  }
0x18: {  	s12 =	scvt.s32.f32 s12;
	(erf) = vrcp.f32 v63  }
0x19: {  	s13 =	spop (v2sf)  }
0x1a: {  	s12 =	ssub.f32 s12, s13;
	_ =	sdelay $0x1  }
0x1b: {  	s12 =	smul.f32 s14, s12  }
0x1c: {  	s30 =	spop (v2sf)  }
0x1d: {  	s12 =	sadd.f32 s12, s30  }
0x1e: {  	p0 =	sgt.s32 s11, $0x0  }
0x1f: {  	v2 =	vbroadcast v2, $0x3;
	s12 =	simm.s32 @!p0 $0x0  }
0x20: {  	v4 =	vpop (erf);
	s31 =	sadd.f32 s12, s15  }
0x21: {  	v2 =	vmul.f32 v4, v2  }
0x22: {  	vm0 =	vgt.f32 v3, $0.0e+00;
	s11 =	smul.f32 $3.906250000e-03, s31  }
0x23: {  	v2 =	vnsel vm0, $0x0, v2  }
0x24: {  	s10 =	sadd.s32 $0x1, s10;
	v2 =	vadd.f32 s11, v2  }
0x25: {  	p0 =	sne.s32 s10, s5  }
.Ltmp2:
0x26: {  	[tilespmem:$0x4A80] =	vst v2;
	(pc) =	sbr.rel @!p0 .LBB2_19-.Ltmp2, $4  }
0x27: {  	[hbm4b:s2+s6] =	stream.linear.scatter [tilespmem:s9], [sflag:$0x1], $0x80, $0x38;
	[tilespmem:$0x4B00] =	vst v63  }
0x28: {  	_ =	swait.ge [sflag:s8], $0x80  }
0x29: {  	[sflag:s8] =	ssyncset.done $0x0  }
0x2a: {  	[sflag:s8] =	ssyncadd.s32 $0xFFFFFF80  }
.LBB2_2:
0x2b: {  	[tilespmem:s7], [sflag:$0x1] =	stream.linear.gather [hbm4b:s4+s6], $0x200, $0x38;
	[tilespmem:$0x4B00] =	vst v63  }
0x2c: {  	_ =	swait.ge [sflag:s8], $0x200  }
0x2d: {  	[sflag:s8] =	ssyncset.done $0x0  }
0x2e: {  	[sflag:s8] =	ssyncadd.s32 $0xFFFFFE00  }
0x2f: {  	[tilespmem:s6], [sflag:$0x1] =	stream.linear.gather [hbm4b:s3+s6], $0x2400, $0x38;
	[tilespmem:$0x4B00] =	vst v63  }
0x30: {  	_ =	swait.ge [sflag:s8], $0x2400  }
0x31: {  	[sflag:s8] =	ssyncset.done $0x0  }
0x32: {  	[sflag:s8] =	ssyncadd.s32 $0xFFFFDC00  }
0x33: {  	v2 =	vld [tilespmem:$0x2400]  }
0x34: {  	v3 =	vld [tilespmem:$0x2410]  }
0x35: {  	v4 =	vld [tilespmem:$0x2420]  }
0x36: {  	v5 =	vld [tilespmem:$0x2430]  }
0x37: {  	v6 =	vld [tilespmem:$0x2440]  }
0x38: {  	v7 =	vld [tilespmem:$0x2450]  }
0x39: {  	v8 =	vld [tilespmem:$0x2460]  }
0x3a: {  	v9 =	vld [tilespmem:$0x2470]  }
0x3b: {  	v10 =	vld [tilespmem:$0x2480]  }
0x3c: {  	v11 =	vld [tilespmem:$0x2490]  }
0x3d: {  	v12 =	vld [tilespmem:$0x24A0]  }
0x3e: {  	v13 =	vld [tilespmem:$0x24B0]  }
0x3f: {  	v14 =	vld [tilespmem:$0x24C0]  }
0x40: {  	v15 =	vld [tilespmem:$0x24D0]  }
0x41: {  	v16 =	vld [tilespmem:$0x24E0]  }
0x42: {  	v17 =	vld [tilespmem:$0x24F0]  }
0x43: {  	v18 =	vld [tilespmem:$0x2500]  }
0x44: {  	v19 =	vld [tilespmem:$0x2510]  }
0x45: {  	v20 =	vld [tilespmem:$0x2520]  }
0x46: {  	v21 =	vld [tilespmem:$0x2530]  }
0x47: {  	v22 =	vld [tilespmem:$0x2540]  }
0x48: {  	v23 =	vld [tilespmem:$0x2550]  }
0x49: {  	v24 =	vld [tilespmem:$0x2560]  }
0x4a: {  	v25 =	vld [tilespmem:$0x2570]  }
0x4b: {  	v26 =	vld [tilespmem:$0x2580]  }
0x4c: {  	v27 =	vld [tilespmem:$0x2590]  }
0x4d: {  	v28 =	vld [tilespmem:$0x25A0]  }
.Ltmp3:
0x4e: {  	v29 =	vld [tilespmem:$0x25B0];
	(pc) =	sbr.rel .LBB2_3-.Ltmp3, $4  }
0x4f: {  	v30 =	vld [tilespmem:$0x25C0]  }
0x50: {  	v31 =	vld [tilespmem:$0x25D0]  }
0x51: {  	v32 =	vld [tilespmem:$0x25E0]  }
0x52: {  	s11 =	simm.s32 $0x0;
	s13 =	simm.s32 $0x0;
	s12 =	simm.s32 $0x0;
	v33 =	vld [tilespmem:$0x25F0]  }
.LBB2_6:
0x53: {  	s12 =	sadd.s32 $0x1, s12  }
0x54: {  	p0 =	sne.s32 s12, $0x20  }
.Ltmp4:
0x55: {  	_ = 	snop;
	(pc) =	sbr.rel @!p0 .LBB2_7-.Ltmp4, $3  }
0x56: {  	_ =	sdelay $0x1  }
0x57: {  	s14 =	sand.u32 $0xFFFFFFF0, s14  }
0x58: {  	s11 =	sadd.s32 $0x120, s11;
	s13 =	sadd.s32 s13, s14  }
.LBB2_3:
0x59: {  	s14 =	sshll.u32 s12, $0x4  }
0x5a: {  	s14 =	sand.u32 $0x3FFFFFF0, s14  }
0x5b: {  	v34 =	vld [tilespmem:s14+$0x2400];
	_ =	sdelay $0x4  }
0x5c: {  	(v2sf) =	vpush v34, $0x2;
	_ =	sdelay $0xe  }
0x5d: {  	s31 =	spop (v2sf)  }
0x5e: {  	s14 =	scvt.f32.s32 s31;
	_ =	sdelay $0x1  }
0x5f: {  	p0 =	slt.s32 s14, $0x100  }
0x60: {  	s14 =	simm.s32 @!p0 $0x100  }
0x61: {  	s14 =	sadd.s32 $0xF, s14  }
0x62: {  	s16 =	sshra.s32 s14, $0x4  }
0x63: {  	p0 =	slt.s32 s16, $0x1  }
.Ltmp5:
0x64: {  	_ = 	snop;
	(pc) =	sbr.rel @p0 .LBB2_6-.Ltmp5, $1  }
0x65: {  	_ =	sdelay $0x3  }
0x66: {  	v34 =	vld [tilespmem:s11+$0x0];
	p0 =	sne.s32 s16, $0x1  }
.Ltmp6:
0x67: {  	_ = 	snop;
	(pc) =	sbr.rel @!p0 .LBB2_6-.Ltmp6, $3  }
0x68: {  	_ =	sdelay $0x1  }
0x69: {  	s15 =	sadd.s32 $0x2600, s13  }
0x6a: {  	s16 =	sadd.s32 $0xFFFFFFFF, s16;
	s17 =	sadd.s32 $0x10, s11;
	[tilespmem:s15+$0x0] =	vst v34  }
.LBB2_5:
0x6b: {  	v34 =	vld [tilespmem:s17+$0x0];
	p0 =	sne.s32 s16, $0x1;
	s16 =	sadd.s32 $0xFFFFFFFF, s16  }
.Ltmp7:
0x6c: {  	(pc) =	sbr.rel @p0 .LBB2_5-.Ltmp7, $3  }
0x6d: {  	_ =	sdelay $0x1  }
0x6e: {  	s15 =	sadd.s32 $0x10, s15  }
0x6f: {  	s17 =	sadd.s32 $0x10, s17;
	[tilespmem:s15+$0x0] =	vst v34  }
.Ltmp8:
0x70: {  	_ = 	snop;
	(pc) =	sbr.rel .LBB2_6-.Ltmp8, $1  }
0x71: {  	_ =	sdelay $0x3  }
.LBB2_7:
0x72: {  	v2 =	vadd.f32 $0.0e+00, v2;
	_ =	sdelay $0x1  }
0x73: {  	v2 =	vadd.f32 v3, v2;
	_ =	sdelay $0x1  }
0x74: {  	v2 =	vadd.f32 v4, v2;
	_ =	sdelay $0x1  }
0x75: {  	v2 =	vadd.f32 v5, v2;
	_ =	sdelay $0x1  }
0x76: {  	v2 =	vadd.f32 v6, v2;
	_ =	sdelay $0x1  }
0x77: {  	v2 =	vadd.f32 v7, v2;
	_ =	sdelay $0x1  }
0x78: {  	v2 =	vadd.f32 v8, v2;
	_ =	sdelay $0x1  }
0x79: {  	v2 =	vadd.f32 v9, v2;
	_ =	sdelay $0x1  }
0x7a: {  	v2 =	vadd.f32 v10, v2;
	_ =	sdelay $0x1  }
0x7b: {  	v2 =	vadd.f32 v11, v2;
	_ =	sdelay $0x1  }
0x7c: {  	v2 =	vadd.f32 v12, v2;
	_ =	sdelay $0x1  }
0x7d: {  	v2 =	vadd.f32 v13, v2;
	_ =	sdelay $0x1  }
0x7e: {  	v2 =	vadd.f32 v14, v2;
	_ =	sdelay $0x1  }
0x7f: {  	v2 =	vadd.f32 v15, v2;
	_ =	sdelay $0x1  }
0x80: {  	v2 =	vadd.f32 v16, v2;
	_ =	sdelay $0x1  }
0x81: {  	v2 =	vadd.f32 v17, v2;
	_ =	sdelay $0x1  }
0x82: {  	v2 =	vadd.f32 v18, v2;
	_ =	sdelay $0x1  }
0x83: {  	v2 =	vadd.f32 v19, v2;
	_ =	sdelay $0x1  }
0x84: {  	v2 =	vadd.f32 v20, v2;
	_ =	sdelay $0x1  }
0x85: {  	v2 =	vadd.f32 v21, v2;
	_ =	sdelay $0x1  }
0x86: {  	v2 =	vadd.f32 v22, v2;
	_ =	sdelay $0x1  }
0x87: {  	v2 =	vadd.f32 v23, v2;
	_ =	sdelay $0x1  }
0x88: {  	v2 =	vadd.f32 v24, v2;
	_ =	sdelay $0x1  }
0x89: {  	v2 =	vadd.f32 v25, v2;
	_ =	sdelay $0x1  }
0x8a: {  	v2 =	vadd.f32 v26, v2;
	_ =	sdelay $0x1  }
0x8b: {  	v2 =	vadd.f32 v27, v2;
	_ =	sdelay $0x1  }
0x8c: {  	v2 =	vadd.f32 v28, v2;
	_ =	sdelay $0x1  }
0x8d: {  	v2 =	vadd.f32 v29, v2;
	_ =	sdelay $0x1  }
0x8e: {  	v2 =	vadd.f32 v30, v2;
	_ =	sdelay $0x1  }
0x8f: {  	v2 =	vadd.f32 v31, v2;
	_ =	sdelay $0x1  }
0x90: {  	v2 =	vadd.f32 v32, v2;
	_ =	sdelay $0x1  }
0x91: {  	v2 =	vadd.f32 v33, v2;
	_ =	sdelay $0x1  }
0x92: {  	(v2sf) =	vpush v2, $0x1  }
0x93: {  	(v2sf) =	vpush v2, $0x2;
	_ =	sdelay $0xd  }
0x94: {  	s11 =	spop (v2sf)  }
0x95: {  	s11 =	scvt.f32.s32 s11;
	s12 =	spop (v2sf)  }
0x96: {  	s12 =	scvt.f32.s32 s12  }
.Ltmp9:
0x97: {  	s11 =	ssub.s32 $0x100, s11;
	(pc) =	sbr.rel .LBB2_8-.Ltmp9, $4  }
0x98: {  	p0 =	slt.s32 s12, s11  }
0x99: {  	s13 =	sshra.s32 s13, $0x4;
	s16 =	simm.s32 $0x0;
	s11 =	smov.u32 @p0 s12  }
0x9a: {  	s15 =	simm.s32 $0x7F800000;
	p0 =	sgt.s32 s11, $0x1;
	s12 =	smov.u32 s11  }
0x9b: {  	s17 =	simm.s32 $0x0;
	s12 =	simm.s32 @!p0 $0x1;
	p0 =	slt.s32 s13, $0x1  }
.LBB2_11:
0x9c: {  	v4 =	vsel vm0, $0x1, v0  }
0x9d: {  	v3 =	vadd.s32 v4, v3  }
.LBB2_12:
0x9e: {  	(xrf0) =	vadd.scan.msk.s32 $0xffff, v3;
	_ =	sdelay $0x5  }
0x9f: {  	v3, _, _ =	vpop (xrf0)  }
0xa0: {  	(v2sf) =	vpush v3, $0xF;
	_ =	sdelay $0xb  }
0xa1: {  	s17 =	sadd.s32 $0x1, s17  }
0xa2: {  	p2 =	sne.s32 s17, $0x1F  }
.Ltmp10:
0xa3: {  	_ = 	snop;
	(pc) =	sbr.rel @!p2 .LBB2_13-.Ltmp10, $4  }
0xa4: {  	s14 =	spop (v2sf)  }
0xa5: {  	p1 =	slt.s32 s14, s12;
	s14 =	smov.u32 s18  }
0xa6: {  	s14 =	smov.u32 @p1 s16  }
0xa7: {  	s15 =	smov.u32 @p1 s18;
	s16 =	smov.u32 s14  }
.LBB2_8:
.Ltmp11:
0xa8: {  	(pc) =	sbr.rel @p0 .LBB2_12-.Ltmp11, $3  }
0xa9: {  	_ =	sdelay $0x1  }
0xaa: {  	s14 =	sadd.s32 s16, s15  }
0xab: {  	v3 =	vimm.s32 $0x0;
	s18 =	sshra.s32 s14, $0x1  }
0xac: {  	s14 =	simm.s32 $0x2600  }
0xad: {  	p1 =	sne.s32 s13, $0x1;
	v5 =	vld [tilespmem:s14+$0x0]  }
.Ltmp12:
0xae: {  	_ = 	snop;
	(pc) =	sbr.rel @!p1 .LBB2_11-.Ltmp12, $3  }
0xaf: {  	v4 =	vmov s18  }
0xb0: {  	v4 =	vbroadcast v4, $0x0;
	_ =	sdelay $0x1  }
0xb1: {  	s19 =	simm.s32 $0x2610;
	s14 =	sadd.s32 $0xFFFFFFFF, s13;
	vm0 =	vge.f32 v5, v4  }
.LBB2_10:
0xb2: {  	v5 =	vld [tilespmem:s19+$0x0];
	p1 =	sne.s32 s14, $0x1;
	s14 =	sadd.s32 $0xFFFFFFFF, s14;
	v6 =	vsel vm0, $0x1, v0  }
.Ltmp13:
0xb3: {  	v3 =	vadd.s32 v6, v3;
	(pc) =	sbr.rel @p1 .LBB2_10-.Ltmp13, $2  }
0xb4: {  	_ =	sdelay $0x2  }
0xb5: {  	s19 =	sadd.s32 $0x10, s19;
	vm0 =	vge.f32 v5, v4  }
.Ltmp14:
0xb6: {  	_ = 	snop;
	(pc) =	sbr.rel .LBB2_11-.Ltmp14, $1  }
0xb7: {  	_ =	sdelay $0x3  }
.LBB2_13:
0xb8: {  	(v2sf) =	vpush v2, $0x0;
	_ =	sdelay $0xa  }
.Ltmp15:
0xb9: {  	_ = 	snop;
	(pc) =	sbr.rel @p0 .LBB2_14-.Ltmp15, $2  }
0xba: {  	_ =	sdelay $0x2  }
0xbb: {  	v3 =	vimm.f32 $0.0e+00;
	s15 =	spop (v2sf)  }
0xbc: {  	s16 =	simm.s32 $0x2600  }
0xbd: {  	p0 =	sne.s32 s13, $0x1;
	v4 =	vld [tilespmem:s16+$0x0]  }
.Ltmp16:
0xbe: {  	_ = 	snop;
	(pc) =	sbr.rel @!p0 .LBB2_17-.Ltmp16, $3  }
0xbf: {  	v5 =	vmov s14  }
0xc0: {  	v5 =	vbroadcast v5, $0x0;
	_ =	sdelay $0x1  }
0xc1: {  	s13 =	sadd.s32 $0xFFFFFFFF, s13;
	v6 =	vimm.f32 $0.0e+00;
	s16 =	simm.s32 $0x2610;
	vm0 =	vgt.f32 v4, v5  }
.LBB2_16:
0xc2: {  	p0 =	sne.s32 s13, $0x1;
	s13 =	sadd.s32 $0xFFFFFFFF, s13;
	v7 =	vsel vm0, $0x3F800000, v1;
	v8 =	vnsel vm0, $0x0, v4;
	v4 =	vld [tilespmem:s16+$0x0]  }
.Ltmp17:
0xc3: {  	v3 =	vadd.f32 v7, v3;
	v6 =	vadd.f32 v8, v6;
	(pc) =	sbr.rel @p0 .LBB2_16-.Ltmp17, $2  }
0xc4: {  	_ =	sdelay $0x2  }
0xc5: {  	s16 =	sadd.s32 $0x10, s16;
	vm0 =	vgt.f32 v4, v5  }
.LBB2_17:
.Ltmp18:
0xc6: {  	(pc) =	sbr.rel .LBB2_18-.Ltmp18, $4  }
0xc7: {  	_ = 	snop  }
0xc8: {  	v5 =	vsel vm0, $0x3F800000, v1  }
0xc9: {  	v4 =	vnsel vm0, $0x0, v4;
	v3 =	vadd.f32 v5, v3  }
0xca: {  	v4 =	vadd.f32 v4, v6  }
.LBB2_19:
0xcb: {  	_ =	sfence.sel $0x180000  }
0xcc: {  	[bflag:$0x0] =	sbarrier.arrive $0xFFFF  }
0xcd: {  	p0 =	sne.s32 s0, $0x0;
	_ =	strace $0x9000004A  }
0xce: {  	s0 =	sadd.s32 @!p0 $0x100000, s1;
	[bflag:$0x2] =	sbarrier.arrive $0xFFFF  }
0xcf: {  	[sflag:s0] =	ssyncadd.tile.s32 @!p0 $0x1;
	_ =	shalt  }
.Lfunc_end2:
_tile_overlayer_lowered:
.L_overlay_start_2:
0xd0: {  	(tag) =	ssettag $0x2  }
0xd1: {  	s0 =	rddreg [dreg:$0x0];
	s2 =	stileid.u32  }
0xd2: {  	s1 =	rddreg [dreg:$0x1];
	p0 =	sne.s32 s2, $0x0  }
0xd3: {  	s3 =	rddreg [dreg:$0x2];
	[bflag:$0x3] =	sbarrier.arrive $0xFFFF;
	s2 =	simm.s32 @!p0 $0x1C01  }
0xd4: {  	[timem:s3], [sflag:s2] =	dma.local @!p0 [hbm:s0], s1  }
0xd5: {  	s0 =	simm.s32 @!p0 $0x1  }
0xd6: {  	_ =	swait.ge @!p0 [sflag:s0], s1  }
0xd7: {  	s1 =	ssub.s32 @!p0 $0x0, s1;
	[sflag:s0] =	ssyncset.done @!p0 $0x0  }
0xd8: {  	[sflag:s0] =	ssyncadd.s32 @!p0 s1  }
0xd9: {  	[bflag:$0x3] =	sbarrier.arrive $0xFFFF  }
0xda: {  	_ =	shalt  }

</sc_bundles>
